<compile_context>
chip_gen: v7x
topology: tpu7x:2x2x1
jax: 0.10.2.dev20260603
libtpu: 0.0.44.dev20260713+nightly
codegen_flags: <defaults>
</compile_context>

<pallas_src>
import functools

import jax
import jax.numpy as jnp
from jax import lax
from jax.experimental import pallas as pl
from jax.experimental.pallas import tpu as pltpu
from jax.experimental.pallas import tpu_sc as plsc

BN = 10000
E = 320000
H = 4
DH = 32
OUT = 128

NC = 2
NS = 16
NW = NC * NS
EPW = E // NW
C = 80
NCHUNK = EPW // C
GROUPS = C // 16
ROWS_PER_TILE = 624


BLK = 1000


def _pre_body(x_ref, emb_ref, wq_ref, wk_ref, wv_ref, aqf_ref, akf_ref,
              sqk_ref, v_ref, eb_ref, mxs_ref):
    i = pl.program_id(0)
    jrow = lax.broadcasted_iota(jnp.int32, (128, 16), 0) // DH
    hcol = lax.broadcasted_iota(jnp.int32, (128, 16), 1)
    aq = aqf_ref[...]
    ak = akf_ref[...]
    aq_m = jnp.where(jrow == hcol, aq, 0.0)
    ak_m = jnp.where(jrow == hcol - 4, ak, 0.0)
    wqk = (jnp.dot(wq_ref[...], aq_m, preferred_element_type=jnp.float32)
           + jnp.dot(wk_ref[...], ak_m, preferred_element_type=jnp.float32))
    emb = emb_ref[...]
    sqk = jnp.dot(emb, wqk, preferred_element_type=jnp.float32)
    sqk_ref[...] = sqk
    v_ref[...] = (
        jnp.dot(x_ref[...], wv_ref[:128, :], preferred_element_type=jnp.float32)
        + jnp.dot(emb, wv_ref[128:, :], preferred_element_type=jnp.float32))
    mx = jnp.max(sqk, axis=0, keepdims=True)

    @pl.when(i == 0)
    def _init():
        mxs_ref[...] = mx

    @pl.when(i > 0)
    def _acc():
        mxs_ref[...] = jnp.maximum(mxs_ref[...], mx)

    @pl.when(i == BN // BLK - 1)
    def _fin():
        m = mxs_ref[...]
        eb = m[:, :4] + m[:, 4:8]
        eb_ref[...] = jnp.where(eb >= 0, eb, 0.2 * eb)


_pre_call = pl.pallas_call(
    _pre_body,
    grid=(BN // BLK,),
    in_specs=[
        pl.BlockSpec((BLK, 128), lambda i: (i, 0)),
        pl.BlockSpec((BLK, 128), lambda i: (i, 0)),
        pl.BlockSpec((128, 128), lambda i: (0, 0)),
        pl.BlockSpec((128, 128), lambda i: (0, 0)),
        pl.BlockSpec((256, 128), lambda i: (0, 0)),
        pl.BlockSpec((128, 1), lambda i: (0, 0)),
        pl.BlockSpec((128, 1), lambda i: (0, 0)),
    ],
    out_specs=[
        pl.BlockSpec((BLK, 16), lambda i: (i, 0)),
        pl.BlockSpec((BLK, OUT), lambda i: (i, 0)),
        pl.BlockSpec((1, 4), lambda i: (0, 0)),
    ],
    out_shape=[
        jax.ShapeDtypeStruct((BN, 16), jnp.float32),
        jax.ShapeDtypeStruct((BN, OUT), jnp.float32),
        jax.ShapeDtypeStruct((1, 4), jnp.float32),
    ],
    scratch_shapes=[pltpu.VMEM((1, 16), jnp.float32)],
)


def _sc_body(sqk_hbm, src_hbm, dst_hbm, v_hbm, eb_hbm,
             zout_hbm, sout_hbm,
             vchunk, eexp, sqd, sks, srcv, dstv, dstz, ebv,
             z_sh, s_sh, sem, sem2, sem3, sems, semz):
    c = lax.axis_index("c")
    s = lax.axis_index("s")
    wid = c * NS + s
    iota16 = lax.iota(jnp.int32, 16)
    zeros16 = jnp.zeros((16,), jnp.float32)

    def _zrow(i, _):
        for j in range(8):
            vchunk[i, pl.ds(j * 16, 16)] = zeros16
        return 0
    lax.fori_loop(0, C, _zrow, 0)

    zeros16f = jnp.zeros((16,), jnp.float32)
    for col in range(8):
        for gi in range(GROUPS):
            plsc.store_scatter(
                eexp, [iota16 + gi * 16, jnp.full((16,), col, jnp.int32)],
                zeros16f)

    r0 = s * ROWS_PER_TILE
    for k in range(7):
        pltpu.sync_copy(vchunk, z_sh.at[pl.ds(r0 + k * 80, 80)])
        pltpu.sync_copy(eexp, s_sh.at[pl.ds(r0 + k * 80, 80)])
    pltpu.sync_copy(vchunk.at[pl.ds(0, 64)], z_sh.at[pl.ds(r0 + 560, 64)])
    pltpu.sync_copy(eexp.at[pl.ds(0, 64)], s_sh.at[pl.ds(r0 + 560, 64)])

    @pl.when(s == NS - 1)
    def _zero_tail():
        pltpu.sync_copy(vchunk.at[pl.ds(0, 16)],
                        z_sh.at[pl.ds(NS * ROWS_PER_TILE, 16)])
        pltpu.sync_copy(eexp.at[pl.ds(0, 16)],
                        s_sh.at[pl.ds(NS * ROWS_PER_TILE, 16)])

    pltpu.sync_copy(eb_hbm, ebv)
    ebh = [ebv[pl.ds(h * 16, 16)] for h in range(H)]

    plsc.subcore_barrier()

    def _chunk(ci, _):
        base = wid * EPW + ci * C
        pltpu.sync_copy(src_hbm.at[pl.ds(base, C)], srcv)
        pltpu.sync_copy(dst_hbm.at[pl.ds(base, C)], dstv)
        gat = pltpu.async_copy(v_hbm.at[srcv], vchunk, sem)
        gq = pltpu.async_copy(sqk_hbm.at[dstv], sqd, sem2)
        gk = pltpu.async_copy(sqk_hbm.at[srcv], sks, sem3)
        gq.wait()
        gk.wait()

        for g in range(GROUPS):
            rows = iota16 + g * 16
            for h in range(H):
                qq = plsc.load_gather(
                    sqd, [rows, jnp.full((16,), h, jnp.int32)])
                kk = plsc.load_gather(
                    sks, [rows, jnp.full((16,), 4 + h, jnp.int32)])
                e = qq + kk
                e = jnp.where(e >= 0, e, 0.2 * e)
                w = jnp.exp(e - ebh[h])
                plsc.store_scatter(
                    eexp, [rows, jnp.full((16,), 4 + h, jnp.int32)], w)

        gs = pltpu.async_copy(eexp, s_sh.at[dstv], sems, add=True)

        gat.wait()

        def _scale(ei, _):
            for h in range(H):
                w = plsc.load_gather(
                    eexp, [jnp.full((16,), ei, jnp.int32),
                           jnp.full((16,), 4 + h, jnp.int32)])
                for j in (2 * h, 2 * h + 1):
                    v = vchunk[ei, pl.ds(j * 16, 16)]
                    vchunk[ei, pl.ds(j * 16, 16)] = v * w
            return 0
        lax.fori_loop(0, C, _scale, 0)

        gs.wait()
        pltpu.sync_copy(vchunk, z_sh.at[dstv], add=True)
        return 0

    lax.fori_loop(0, NCHUNK, _chunk, 0)

    plsc.subcore_barrier()
    pltpu.sync_copy(z_sh.at[pl.ds(r0, ROWS_PER_TILE)],
                    zout_hbm.at[c, pl.ds(r0, ROWS_PER_TILE)])
    pltpu.sync_copy(s_sh.at[pl.ds(r0, ROWS_PER_TILE)],
                    sout_hbm.at[c, pl.ds(r0, ROWS_PER_TILE)])

    @pl.when(s == NS - 1)
    def _drain_tail():
        t0 = NS * ROWS_PER_TILE
        pltpu.sync_copy(z_sh.at[pl.ds(t0, 16)],
                        zout_hbm.at[c, pl.ds(t0, 16)])
        pltpu.sync_copy(s_sh.at[pl.ds(t0, 16)],
                        sout_hbm.at[c, pl.ds(t0, 16)])


_sc_call = functools.partial(
    pl.kernel,
    out_type=[
        jax.ShapeDtypeStruct((NC, BN, OUT), jnp.float32),
        jax.ShapeDtypeStruct((NC, BN, 8), jnp.float32),
    ],
    mesh=plsc.VectorSubcoreMesh(core_axis_name="c", subcore_axis_name="s"),
    compiler_params=pltpu.CompilerParams(needs_layout_passes=False,
                                         use_tc_tiling_on_sc=False),
    scratch_types=[
        pltpu.VMEM((C, OUT), jnp.float32),
        pltpu.VMEM((C, 8), jnp.float32),
        pltpu.VMEM((C, 16), jnp.float32),
        pltpu.VMEM((C, 16), jnp.float32),
        pltpu.VMEM((C,), jnp.int32),
        pltpu.VMEM((C,), jnp.int32),
        pltpu.VMEM((C,), jnp.int32),
        pltpu.VMEM((64,), jnp.float32),
        pltpu.VMEM_SHARED((BN, OUT), jnp.float32),
        pltpu.VMEM_SHARED((BN, 8), jnp.float32),
        pltpu.SemaphoreType.DMA,
        pltpu.SemaphoreType.DMA,
        pltpu.SemaphoreType.DMA,
        pltpu.SemaphoreType.DMA,
        pltpu.SemaphoreType.DMA,
    ],
)(_sc_body)


def _post_body(zp_ref, sp_ref, g_ref, b_ref, out_ref):
    z = zp_ref[0] + zp_ref[1]
    ssum = sp_ref[0] + sp_ref[1]
    rec = 1.0 / (ssum + 1e-8)
    trow = lax.broadcasted_iota(jnp.int32, (8, OUT), 0) - 4
    jcol = lax.broadcasted_iota(jnp.int32, (8, OUT), 1) // DH
    p = jnp.where(trow == jcol, 1.0, 0.0)
    z = z * jnp.dot(rec, p, preferred_element_type=jnp.float32)
    z = jnp.where(z > 0, z, jnp.exp(jnp.minimum(z, 0.0)) - 1.0)
    mean = jnp.mean(z, axis=-1, keepdims=True)
    var = jnp.mean((z - mean) ** 2, axis=-1, keepdims=True)
    zn = (z - mean) * lax.rsqrt(var + 1e-5)
    out_ref[...] = zn * g_ref[...] + b_ref[...]


_post_call = pl.pallas_call(
    _post_body,
    grid=(BN // BLK,),
    in_specs=[
        pl.BlockSpec((NC, BLK, OUT), lambda i: (0, i, 0)),
        pl.BlockSpec((NC, BLK, 8), lambda i: (0, i, 0)),
        pl.BlockSpec((1, OUT), lambda i: (0, 0)),
        pl.BlockSpec((1, OUT), lambda i: (0, 0)),
    ],
    out_specs=pl.BlockSpec((BLK, OUT), lambda i: (i, 0)),
    out_shape=jax.ShapeDtypeStruct((BN, OUT), jnp.float32),
)


def kernel(x, emb, edge_index, Wq, Wk, Wv, attn_vec, gamma, beta):
    aqf = attn_vec[:, :DH].reshape(128, 1)
    akf = attn_vec[:, DH:].reshape(128, 1)
    sqk, v, eb = _pre_call(x, emb, Wq, Wk, Wv, aqf, akf)
    eb64 = jnp.broadcast_to(eb.reshape(4, 1), (4, 16)).reshape(64)
    zp, sp = _sc_call(sqk, edge_index[0], edge_index[1], v, eb64)
    return _post_call(zp, sp, gamma.reshape(1, OUT), beta.reshape(1, OUT))

# --- scband reference (transcript-rebuilt; emitter-appended) ---
"""Pipeline reference for scband-gdnattention-layer-31911607009297 (READ-ONLY COPY).

The authoritative reference and input builder live on the scoring server;
editing this copy changes nothing except your own understanding.
"""

import jax, jax.numpy as jnp
import numpy as np

BN = 10000
E = 320000
IN_DIM = 128
EMB_DIM = 128
OUT_DIM = 128
HEADS = 4
D_HEAD = OUT_DIM // HEADS


def setup_inputs(seed: int = 0) -> dict:
    key = jax.random.key(seed)
    ks = jax.random.split(key, 8)
    x = jax.random.normal(ks[0], (BN, IN_DIM), dtype=jnp.float32)
    emb = jax.random.normal(ks[1], (BN, EMB_DIM), dtype=jnp.float32)
    edge_index = jax.random.randint(ks[2], (2, E), 0, BN, dtype=jnp.int32)
    Wq = jax.random.normal(ks[3], (EMB_DIM, OUT_DIM), dtype=jnp.float32) * 0.05
    Wk = jax.random.normal(ks[4], (EMB_DIM, OUT_DIM), dtype=jnp.float32) * 0.05
    Wv = jax.random.normal(ks[5], (IN_DIM + EMB_DIM, OUT_DIM), dtype=jnp.float32) * 0.05
    attn_vec = jax.random.normal(ks[6], (HEADS, 2 * D_HEAD), dtype=jnp.float32) * 0.05
    gamma = jnp.ones((OUT_DIM,), dtype=jnp.float32)
    beta = jnp.zeros((OUT_DIM,), dtype=jnp.float32)
    return {"x": x, "emb": emb, "edge_index": edge_index, "Wq": Wq, "Wk": Wk,
            "Wv": Wv, "attn_vec": attn_vec, "gamma": gamma, "beta": beta}


def reference(x, emb, edge_index, Wq, Wk, Wv, attn_vec, gamma, beta):
    src = edge_index[0]
    dst = edge_index[1]
    Q = (emb @ Wq).reshape(BN, HEADS, D_HEAD)
    K = (emb @ Wk).reshape(BN, HEADS, D_HEAD)
    q_dst = jnp.take(Q, dst, axis=0)
    k_src = jnp.take(K, src, axis=0)
    qk = jnp.concatenate([q_dst, k_src], axis=-1)  # (E, H, 2*dh)
    e = (qk * attn_vec[None, :, :]).sum(axis=-1)   # (E, H)
    e = jnp.where(e >= 0, e, 0.2 * e)              # LeakyReLU(0.2)
    e_max = jax.ops.segment_max(e, dst, num_segments=BN)  # (BN, H)
    e_exp = jnp.exp(e - jnp.take(e_max, dst, axis=0))
    e_sum = jax.ops.segment_sum(e_exp, dst, num_segments=BN)
    alpha = e_exp / (jnp.take(e_sum, dst, axis=0) + 1e-08)  # dropout is identity in eval
    val_input = jnp.concatenate([x, emb], axis=-1)
    V = (val_input @ Wv).reshape(BN, HEADS, D_HEAD)
    V_src = jnp.take(V, src, axis=0)
    weighted = alpha[:, :, None] * V_src
    z = jax.ops.segment_sum(weighted, dst, num_segments=BN).reshape(BN, OUT_DIM)
    z = jnp.where(z > 0, z, jnp.exp(jnp.minimum(z, 0.0)) - 1.0)  # ELU
    mean = z.mean(axis=-1, keepdims=True)
    var = ((z - mean) ** 2).mean(axis=-1, keepdims=True)
    zn = (z - mean) / jnp.sqrt(var + 1e-05)
    return zn * gamma + beta

if __name__ == "__main__":
    import jax
    _d = setup_inputs()
    print(jax.jit(kernel)(*tuple(_d.values())))

</pallas_src>

<mosaic_0001>
#map = affine_map<(d0, d1) -> (0, 0)>
#map1 = affine_map<(d0, d1) -> (0)>
#map2 = affine_map<(d0, d1) -> (0, 0, 0)>
module attributes {stable_mosaic.version = 14 : i64} {
  func.func @_sc_body(%arg0: i32, %arg1: i32, %arg2: memref<10000x16xf32, #tpu.memory_space<hbm>>, %arg3: memref<320000xi32, #tpu.memory_space<hbm>>, %arg4: memref<320000xi32, #tpu.memory_space<hbm>>, %arg5: memref<10000x128xf32, #tpu.memory_space<hbm>>, %arg6: memref<64xf32, #tpu.memory_space<hbm>>, %arg7: memref<2x10000x128xf32, #tpu.memory_space<hbm>>, %arg8: memref<2x10000x8xf32, #tpu.memory_space<hbm>>, %arg9: memref<80x128xf32, #tpu.memory_space<vmem>>, %arg10: memref<80x8xf32, #tpu.memory_space<vmem>>, %arg11: memref<80x16xf32, #tpu.memory_space<vmem>>, %arg12: memref<80x16xf32, #tpu.memory_space<vmem>>, %arg13: memref<80xi32, #tpu.memory_space<vmem>>, %arg14: memref<80xi32, #tpu.memory_space<vmem>>, %arg15: memref<80xi32, #tpu.memory_space<vmem>>, %arg16: memref<64xf32, #tpu.memory_space<vmem>>, %arg17: memref<10000x128xf32, #tpu.memory_space<vmem_shared>>, %arg18: memref<10000x8xf32, #tpu.memory_space<vmem_shared>>, %arg19: memref<!tpu.dma_semaphore, #tpu.memory_space<semaphore_mem>>, %arg20: memref<!tpu.dma_semaphore, #tpu.memory_space<semaphore_mem>>, %arg21: memref<!tpu.dma_semaphore, #tpu.memory_space<semaphore_mem>>, %arg22: memref<!tpu.dma_semaphore, #tpu.memory_space<semaphore_mem>>, %arg23: memref<!tpu.dma_semaphore, #tpu.memory_space<semaphore_mem>>) attributes {dimension_semantics = [#tpu.dimension_semantics<core_parallel>, #tpu.dimension_semantics<subcore_parallel>], iteration_bounds = array<i64: 2, 16>, scalar_prefetch = 0 : i64, scratch_operands = 15 : i64, tpu.core_type = #tpu.core_type<sc_vector_subcore>, window_params = [{transform_indices = #map}, {transform_indices = #map1}, {transform_indices = #map1}, {transform_indices = #map}, {transform_indices = #map1}, {transform_indices = #map2}, {transform_indices = #map2}]} {
    %mul3A = arith.constant 16 : i32
    %mul3A_0 = arith.muli %arg0, %mul3A : i32
    %add3A = arith.addi %mul3A_0, %arg1 : i32
    %iota3A = tpu.iota {dimensions = array<i32: 0>} : vector<16xi32>
    %broadcast_in_dim3A = arith.constant 0.000000e+00 : f32
    %broadcast_in_dim3A_1 = vector.broadcast %broadcast_in_dim3A : f32 to vector<16xf32>
    %scan3A = arith.constant 0 : i32
    %scan3A_2 = arith.constant 0 : i32
    %scan3A_3 = arith.constant 80 : i32
    %scan3A_4 = arith.addi %scan3A_2, %scan3A_3 : i32
    %scan3A_5 = arith.constant 1 : i32
    %scan3A_6 = scf.for %scan3A_266 = %scan3A_2 to %scan3A_4 step %scan3A_5 iter_args(%scan3A_267 = %scan3A) -> (i32)  : i32 {
      %swap3A = arith.index_cast %scan3A_266 : i32 to index
      %swap3A_268 = arith.constant 0 : index
      %swap3A_269 = tpu.vector_load %arg9[%swap3A, %swap3A_268] {strides = array<i32>} : memref<80x128xf32, #tpu.memory_space<vmem>>, vector<16xf32>,
      tpu.vector_store %arg9[%swap3A, %swap3A_268], %broadcast_in_dim3A_1 {strides = array<i32>} : memref<80x128xf32, #tpu.memory_space<vmem>>, vector<16xf32>,
      %swap3A_270 = arith.index_cast %scan3A_266 : i32 to index
      %swap3A_271 = arith.constant 16 : index
      %swap3A_272 = tpu.vector_load %arg9[%swap3A_270, %swap3A_271] {strides = array<i32>} : memref<80x128xf32, #tpu.memory_space<vmem>>, vector<16xf32>,
      tpu.vector_store %arg9[%swap3A_270, %swap3A_271], %broadcast_in_dim3A_1 {strides = array<i32>} : memref<80x128xf32, #tpu.memory_space<vmem>>, vector<16xf32>,
      %swap3A_273 = arith.index_cast %scan3A_266 : i32 to index
      %swap3A_274 = arith.constant 32 : index
      %swap3A_275 = tpu.vector_load %arg9[%swap3A_273, %swap3A_274] {strides = array<i32>} : memref<80x128xf32, #tpu.memory_space<vmem>>, vector<16xf32>,
      tpu.vector_store %arg9[%swap3A_273, %swap3A_274], %broadcast_in_dim3A_1 {strides = array<i32>} : memref<80x128xf32, #tpu.memory_space<vmem>>, vector<16xf32>,
      %swap3A_276 = arith.index_cast %scan3A_266 : i32 to index
      %swap3A_277 = arith.constant 48 : index
      %swap3A_278 = tpu.vector_load %arg9[%swap3A_276, %swap3A_277] {strides = array<i32>} : memref<80x128xf32, #tpu.memory_space<vmem>>, vector<16xf32>,
      tpu.vector_store %arg9[%swap3A_276, %swap3A_277], %broadcast_in_dim3A_1 {strides = array<i32>} : memref<80x128xf32, #tpu.memory_space<vmem>>, vector<16xf32>,
      %swap3A_279 = arith.index_cast %scan3A_266 : i32 to index
      %swap3A_280 = arith.constant 64 : index
      %swap3A_281 = tpu.vector_load %arg9[%swap3A_279, %swap3A_280] {strides = array<i32>} : memref<80x128xf32, #tpu.memory_space<vmem>>, vector<16xf32>,
      tpu.vector_store %arg9[%swap3A_279, %swap3A_280], %broadcast_in_dim3A_1 {strides = array<i32>} : memref<80x128xf32, #tpu.memory_space<vmem>>, vector<16xf32>,
      %swap3A_282 = arith.index_cast %scan3A_266 : i32 to index
      %swap3A_283 = arith.constant 80 : index
      %swap3A_284 = tpu.vector_load %arg9[%swap3A_282, %swap3A_283] {strides = array<i32>} : memref<80x128xf32, #tpu.memory_space<vmem>>, vector<16xf32>,
      tpu.vector_store %arg9[%swap3A_282, %swap3A_283], %broadcast_in_dim3A_1 {strides = array<i32>} : memref<80x128xf32, #tpu.memory_space<vmem>>, vector<16xf32>,
      %swap3A_285 = arith.index_cast %scan3A_266 : i32 to index
      %swap3A_286 = arith.constant 96 : index
      %swap3A_287 = tpu.vector_load %arg9[%swap3A_285, %swap3A_286] {strides = array<i32>} : memref<80x128xf32, #tpu.memory_space<vmem>>, vector<16xf32>,
      tpu.vector_store %arg9[%swap3A_285, %swap3A_286], %broadcast_in_dim3A_1 {strides = array<i32>} : memref<80x128xf32, #tpu.memory_space<vmem>>, vector<16xf32>,
      %swap3A_288 = arith.index_cast %scan3A_266 : i32 to index
      %swap3A_289 = arith.constant 112 : index
      %swap3A_290 = tpu.vector_load %arg9[%swap3A_288, %swap3A_289] {strides = array<i32>} : memref<80x128xf32, #tpu.memory_space<vmem>>, vector<16xf32>,
      tpu.vector_store %arg9[%swap3A_288, %swap3A_289], %broadcast_in_dim3A_1 {strides = array<i32>} : memref<80x128xf32, #tpu.memory_space<vmem>>, vector<16xf32>,
      %scan3A_291 = arith.constant 0 : i32
      scf.yield %scan3A_291 : i32
    }
    %scan3A_7 = arith.constant 80 : i32
    %broadcast_in_dim3A_8 = arith.constant 0.000000e+00 : f32
    %broadcast_in_dim3A_9 = vector.broadcast %broadcast_in_dim3A_8 : f32 to vector<16xf32>
    %add3A_10 = arith.constant 0 : i32
    %add3A_11 = vector.broadcast %add3A_10 : i32 to vector<16xi32>
    %add3A_12 = arith.addi %iota3A, %add3A_11 : vector<16xi32>
    %broadcast_in_dim3A_13 = arith.constant 0 : i32
    %broadcast_in_dim3A_14 = vector.broadcast %broadcast_in_dim3A_13 : i32 to vector<16xi32>
    tpu.vector_store_idx %arg10[%add3A_12, %broadcast_in_dim3A_14], %broadcast_in_dim3A_9 : memref<80x8xf32, #tpu.memory_space<vmem>>[vector<16xi32>, vector<16xi32>], vector<16xf32>,
    %add3A_15 = arith.constant 16 : i32
    %add3A_16 = vector.broadcast %add3A_15 : i32 to vector<16xi32>
    %add3A_17 = arith.addi %iota3A, %add3A_16 : vector<16xi32>
    %broadcast_in_dim3A_18 = arith.constant 0 : i32
    %broadcast_in_dim3A_19 = vector.broadcast %broadcast_in_dim3A_18 : i32 to vector<16xi32>
    tpu.vector_store_idx %arg10[%add3A_17, %broadcast_in_dim3A_19], %broadcast_in_dim3A_9 : memref<80x8xf32, #tpu.memory_space<vmem>>[vector<16xi32>, vector<16xi32>], vector<16xf32>,
    %add3A_20 = arith.constant 32 : i32
    %add3A_21 = vector.broadcast %add3A_20 : i32 to vector<16xi32>
    %add3A_22 = arith.addi %iota3A, %add3A_21 : vector<16xi32>
    %broadcast_in_dim3A_23 = arith.constant 0 : i32
    %broadcast_in_dim3A_24 = vector.broadcast %broadcast_in_dim3A_23 : i32 to vector<16xi32>
    tpu.vector_store_idx %arg10[%add3A_22, %broadcast_in_dim3A_24], %broadcast_in_dim3A_9 : memref<80x8xf32, #tpu.memory_space<vmem>>[vector<16xi32>, vector<16xi32>], vector<16xf32>,
    %add3A_25 = arith.constant 48 : i32
    %add3A_26 = vector.broadcast %add3A_25 : i32 to vector<16xi32>
    %add3A_27 = arith.addi %iota3A, %add3A_26 : vector<16xi32>
    %broadcast_in_dim3A_28 = arith.constant 0 : i32
    %broadcast_in_dim3A_29 = vector.broadcast %broadcast_in_dim3A_28 : i32 to vector<16xi32>
    tpu.vector_store_idx %arg10[%add3A_27, %broadcast_in_dim3A_29], %broadcast_in_dim3A_9 : memref<80x8xf32, #tpu.memory_space<vmem>>[vector<16xi32>, vector<16xi32>], vector<16xf32>,
    %add3A_30 = arith.constant 64 : i32
    %add3A_31 = vector.broadcast %add3A_30 : i32 to vector<16xi32>
    %add3A_32 = arith.addi %iota3A, %add3A_31 : vector<16xi32>
    %broadcast_in_dim3A_33 = arith.constant 0 : i32
    %broadcast_in_dim3A_34 = vector.broadcast %broadcast_in_dim3A_33 : i32 to vector<16xi32>
    tpu.vector_store_idx %arg10[%add3A_32, %broadcast_in_dim3A_34], %broadcast_in_dim3A_9 : memref<80x8xf32, #tpu.memory_space<vmem>>[vector<16xi32>, vector<16xi32>], vector<16xf32>,
    %add3A_35 = arith.constant 0 : i32
    %add3A_36 = vector.broadcast %add3A_35 : i32 to vector<16xi32>
    %add3A_37 = arith.addi %iota3A, %add3A_36 : vector<16xi32>
    %broadcast_in_dim3A_38 = arith.constant 1 : i32
    %broadcast_in_dim3A_39 = vector.broadcast %broadcast_in_dim3A_38 : i32 to vector<16xi32>
    tpu.vector_store_idx %arg10[%add3A_37, %broadcast_in_dim3A_39], %broadcast_in_dim3A_9 : memref<80x8xf32, #tpu.memory_space<vmem>>[vector<16xi32>, vector<16xi32>], vector<16xf32>,
    %add3A_40 = arith.constant 16 : i32
    %add3A_41 = vector.broadcast %add3A_40 : i32 to vector<16xi32>
    %add3A_42 = arith.addi %iota3A, %add3A_41 : vector<16xi32>
    %broadcast_in_dim3A_43 = arith.constant 1 : i32
    %broadcast_in_dim3A_44 = vector.broadcast %broadcast_in_dim3A_43 : i32 to vector<16xi32>
    tpu.vector_store_idx %arg10[%add3A_42, %broadcast_in_dim3A_44], %broadcast_in_dim3A_9 : memref<80x8xf32, #tpu.memory_space<vmem>>[vector<16xi32>, vector<16xi32>], vector<16xf32>,
    %add3A_45 = arith.constant 32 : i32
    %add3A_46 = vector.broadcast %add3A_45 : i32 to vector<16xi32>
    %add3A_47 = arith.addi %iota3A, %add3A_46 : vector<16xi32>
    %broadcast_in_dim3A_48 = arith.constant 1 : i32
    %broadcast_in_dim3A_49 = vector.broadcast %broadcast_in_dim3A_48 : i32 to vector<16xi32>
    tpu.vector_store_idx %arg10[%add3A_47, %broadcast_in_dim3A_49], %broadcast_in_dim3A_9 : memref<80x8xf32, #tpu.memory_space<vmem>>[vector<16xi32>, vector<16xi32>], vector<16xf32>,
    %add3A_50 = arith.constant 48 : i32
    %add3A_51 = vector.broadcast %add3A_50 : i32 to vector<16xi32>
    %add3A_52 = arith.addi %iota3A, %add3A_51 : vector<16xi32>
    %broadcast_in_dim3A_53 = arith.constant 1 : i32
    %broadcast_in_dim3A_54 = vector.broadcast %broadcast_in_dim3A_53 : i32 to vector<16xi32>
    tpu.vector_store_idx %arg10[%add3A_52, %broadcast_in_dim3A_54], %broadcast_in_dim3A_9 : memref<80x8xf32, #tpu.memory_space<vmem>>[vector<16xi32>, vector<16xi32>], vector<16xf32>,
    %add3A_55 = arith.constant 64 : i32
    %add3A_56 = vector.broadcast %add3A_55 : i32 to vector<16xi32>
    %add3A_57 = arith.addi %iota3A, %add3A_56 : vector<16xi32>
    %broadcast_in_dim3A_58 = arith.constant 1 : i32
    %broadcast_in_dim3A_59 = vector.broadcast %broadcast_in_dim3A_58 : i32 to vector<16xi32>
    tpu.vector_store_idx %arg10[%add3A_57, %broadcast_in_dim3A_59], %broadcast_in_dim3A_9 : memref<80x8xf32, #tpu.memory_space<vmem>>[vector<16xi32>, vector<16xi32>], vector<16xf32>,
    %add3A_60 = arith.constant 0 : i32
    %add3A_61 = vector.broadcast %add3A_60 : i32 to vector<16xi32>
    %add3A_62 = arith.addi %iota3A, %add3A_61 : vector<16xi32>
    %broadcast_in_dim3A_63 = arith.constant 2 : i32
    %broadcast_in_dim3A_64 = vector.broadcast %broadcast_in_dim3A_63 : i32 to vector<16xi32>
    tpu.vector_store_idx %arg10[%add3A_62, %broadcast_in_dim3A_64], %broadcast_in_dim3A_9 : memref<80x8xf32, #tpu.memory_space<vmem>>[vector<16xi32>, vector<16xi32>], vector<16xf32>,
    %add3A_65 = arith.constant 16 : i32
    %add3A_66 = vector.broadcast %add3A_65 : i32 to vector<16xi32>
    %add3A_67 = arith.addi %iota3A, %add3A_66 : vector<16xi32>
    %broadcast_in_dim3A_68 = arith.constant 2 : i32
    %broadcast_in_dim3A_69 = vector.broadcast %broadcast_in_dim3A_68 : i32 to vector<16xi32>
    tpu.vector_store_idx %arg10[%add3A_67, %broadcast_in_dim3A_69], %broadcast_in_dim3A_9 : memref<80x8xf32, #tpu.memory_space<vmem>>[vector<16xi32>, vector<16xi32>], vector<16xf32>,
    %add3A_70 = arith.constant 32 : i32
    %add3A_71 = vector.broadcast %add3A_70 : i32 to vector<16xi32>
    %add3A_72 = arith.addi %iota3A, %add3A_71 : vector<16xi32>
    %broadcast_in_dim3A_73 = arith.constant 2 : i32
    %broadcast_in_dim3A_74 = vector.broadcast %broadcast_in_dim3A_73 : i32 to vector<16xi32>
    tpu.vector_store_idx %arg10[%add3A_72, %broadcast_in_dim3A_74], %broadcast_in_dim3A_9 : memref<80x8xf32, #tpu.memory_space<vmem>>[vector<16xi32>, vector<16xi32>], vector<16xf32>,
    %add3A_75 = arith.constant 48 : i32
    %add3A_76 = vector.broadcast %add3A_75 : i32 to vector<16xi32>
    %add3A_77 = arith.addi %iota3A, %add3A_76 : vector<16xi32>
    %broadcast_in_dim3A_78 = arith.constant 2 : i32
    %broadcast_in_dim3A_79 = vector.broadcast %broadcast_in_dim3A_78 : i32 to vector<16xi32>
    tpu.vector_store_idx %arg10[%add3A_77, %broadcast_in_dim3A_79], %broadcast_in_dim3A_9 : memref<80x8xf32, #tpu.memory_space<vmem>>[vector<16xi32>, vector<16xi32>], vector<16xf32>,
    %add3A_80 = arith.constant 64 : i32
    %add3A_81 = vector.broadcast %add3A_80 : i32 to vector<16xi32>
    %add3A_82 = arith.addi %iota3A, %add3A_81 : vector<16xi32>
    %broadcast_in_dim3A_83 = arith.constant 2 : i32
    %broadcast_in_dim3A_84 = vector.broadcast %broadcast_in_dim3A_83 : i32 to vector<16xi32>
    tpu.vector_store_idx %arg10[%add3A_82, %broadcast_in_dim3A_84], %broadcast_in_dim3A_9 : memref<80x8xf32, #tpu.memory_space<vmem>>[vector<16xi32>, vector<16xi32>], vector<16xf32>,
    %add3A_85 = arith.constant 0 : i32
    %add3A_86 = vector.broadcast %add3A_85 : i32 to vector<16xi32>
    %add3A_87 = arith.addi %iota3A, %add3A_86 : vector<16xi32>
    %broadcast_in_dim3A_88 = arith.constant 3 : i32
    %broadcast_in_dim3A_89 = vector.broadcast %broadcast_in_dim3A_88 : i32 to vector<16xi32>
    tpu.vector_store_idx %arg10[%add3A_87, %broadcast_in_dim3A_89], %broadcast_in_dim3A_9 : memref<80x8xf32, #tpu.memory_space<vmem>>[vector<16xi32>, vector<16xi32>], vector<16xf32>,
    %add3A_90 = arith.constant 16 : i32
    %add3A_91 = vector.broadcast %add3A_90 : i32 to vector<16xi32>
    %add3A_92 = arith.addi %iota3A, %add3A_91 : vector<16xi32>
    %broadcast_in_dim3A_93 = arith.constant 3 : i32
    %broadcast_in_dim3A_94 = vector.broadcast %broadcast_in_dim3A_93 : i32 to vector<16xi32>
    tpu.vector_store_idx %arg10[%add3A_92, %broadcast_in_dim3A_94], %broadcast_in_dim3A_9 : memref<80x8xf32, #tpu.memory_space<vmem>>[vector<16xi32>, vector<16xi32>], vector<16xf32>,
    %add3A_95 = arith.constant 32 : i32
    %add3A_96 = vector.broadcast %add3A_95 : i32 to vector<16xi32>
    %add3A_97 = arith.addi %iota3A, %add3A_96 : vector<16xi32>
    %broadcast_in_dim3A_98 = arith.constant 3 : i32
    %broadcast_in_dim3A_99 = vector.broadcast %broadcast_in_dim3A_98 : i32 to vector<16xi32>
    tpu.vector_store_idx %arg10[%add3A_97, %broadcast_in_dim3A_99], %broadcast_in_dim3A_9 : memref<80x8xf32, #tpu.memory_space<vmem>>[vector<16xi32>, vector<16xi32>], vector<16xf32>,
    %add3A_100 = arith.constant 48 : i32
    %add3A_101 = vector.broadcast %add3A_100 : i32 to vector<16xi32>
    %add3A_102 = arith.addi %iota3A, %add3A_101 : vector<16xi32>
    %broadcast_in_dim3A_103 = arith.constant 3 : i32
    %broadcast_in_dim3A_104 = vector.broadcast %broadcast_in_dim3A_103 : i32 to vector<16xi32>
    tpu.vector_store_idx %arg10[%add3A_102, %broadcast_in_dim3A_104], %broadcast_in_dim3A_9 : memref<80x8xf32, #tpu.memory_space<vmem>>[vector<16xi32>, vector<16xi32>], vector<16xf32>,
    %add3A_105 = arith.constant 64 : i32
    %add3A_106 = vector.broadcast %add3A_105 : i32 to vector<16xi32>
    %add3A_107 = arith.addi %iota3A, %add3A_106 : vector<16xi32>
    %broadcast_in_dim3A_108 = arith.constant 3 : i32
    %broadcast_in_dim3A_109 = vector.broadcast %broadcast_in_dim3A_108 : i32 to vector<16xi32>
    tpu.vector_store_idx %arg10[%add3A_107, %broadcast_in_dim3A_109], %broadcast_in_dim3A_9 : memref<80x8xf32, #tpu.memory_space<vmem>>[vector<16xi32>, vector<16xi32>], vector<16xf32>,
    %add3A_110 = arith.constant 0 : i32
    %add3A_111 = vector.broadcast %add3A_110 : i32 to vector<16xi32>
    %add3A_112 = arith.addi %iota3A, %add3A_111 : vector<16xi32>
    %broadcast_in_dim3A_113 = arith.constant 4 : i32
    %broadcast_in_dim3A_114 = vector.broadcast %broadcast_in_dim3A_113 : i32 to vector<16xi32>
    tpu.vector_store_idx %arg10[%add3A_112, %broadcast_in_dim3A_114], %broadcast_in_dim3A_9 : memref<80x8xf32, #tpu.memory_space<vmem>>[vector<16xi32>, vector<16xi32>], vector<16xf32>,
    %add3A_115 = arith.constant 16 : i32
    %add3A_116 = vector.broadcast %add3A_115 : i32 to vector<16xi32>
    %add3A_117 = arith.addi %iota3A, %add3A_116 : vector<16xi32>
    %broadcast_in_dim3A_118 = arith.constant 4 : i32
    %broadcast_in_dim3A_119 = vector.broadcast %broadcast_in_dim3A_118 : i32 to vector<16xi32>
    tpu.vector_store_idx %arg10[%add3A_117, %broadcast_in_dim3A_119], %broadcast_in_dim3A_9 : memref<80x8xf32, #tpu.memory_space<vmem>>[vector<16xi32>, vector<16xi32>], vector<16xf32>,
    %add3A_120 = arith.constant 32 : i32
    %add3A_121 = vector.broadcast %add3A_120 : i32 to vector<16xi32>
    %add3A_122 = arith.addi %iota3A, %add3A_121 : vector<16xi32>
    %broadcast_in_dim3A_123 = arith.constant 4 : i32
    %broadcast_in_dim3A_124 = vector.broadcast %broadcast_in_dim3A_123 : i32 to vector<16xi32>
    tpu.vector_store_idx %arg10[%add3A_122, %broadcast_in_dim3A_124], %broadcast_in_dim3A_9 : memref<80x8xf32, #tpu.memory_space<vmem>>[vector<16xi32>, vector<16xi32>], vector<16xf32>,
    %add3A_125 = arith.constant 48 : i32
    %add3A_126 = vector.broadcast %add3A_125 : i32 to vector<16xi32>
    %add3A_127 = arith.addi %iota3A, %add3A_126 : vector<16xi32>
    %broadcast_in_dim3A_128 = arith.constant 4 : i32
    %broadcast_in_dim3A_129 = vector.broadcast %broadcast_in_dim3A_128 : i32 to vector<16xi32>
    tpu.vector_store_idx %arg10[%add3A_127, %broadcast_in_dim3A_129], %broadcast_in_dim3A_9 : memref<80x8xf32, #tpu.memory_space<vmem>>[vector<16xi32>, vector<16xi32>], vector<16xf32>,
    %add3A_130 = arith.constant 64 : i32
    %add3A_131 = vector.broadcast %add3A_130 : i32 to vector<16xi32>
    %add3A_132 = arith.addi %iota3A, %add3A_131 : vector<16xi32>
    %broadcast_in_dim3A_133 = arith.constant 4 : i32
    %broadcast_in_dim3A_134 = vector.broadcast %broadcast_in_dim3A_133 : i32 to vector<16xi32>
    tpu.vector_store_idx %arg10[%add3A_132, %broadcast_in_dim3A_134], %broadcast_in_dim3A_9 : memref<80x8xf32, #tpu.memory_space<vmem>>[vector<16xi32>, vector<16xi32>], vector<16xf32>,
    %add3A_135 = arith.constant 0 : i32
    %add3A_136 = vector.broadcast %add3A_135 : i32 to vector<16xi32>
    %add3A_137 = arith.addi %iota3A, %add3A_136 : vector<16xi32>
    %broadcast_in_dim3A_138 = arith.constant 5 : i32
    %broadcast_in_dim3A_139 = vector.broadcast %broadcast_in_dim3A_138 : i32 to vector<16xi32>
    tpu.vector_store_idx %arg10[%add3A_137, %broadcast_in_dim3A_139], %broadcast_in_dim3A_9 : memref<80x8xf32, #tpu.memory_space<vmem>>[vector<16xi32>, vector<16xi32>], vector<16xf32>,
    %add3A_140 = arith.constant 16 : i32
    %add3A_141 = vector.broadcast %add3A_140 : i32 to vector<16xi32>
    %add3A_142 = arith.addi %iota3A, %add3A_141 : vector<16xi32>
    %broadcast_in_dim3A_143 = arith.constant 5 : i32
    %broadcast_in_dim3A_144 = vector.broadcast %broadcast_in_dim3A_143 : i32 to vector<16xi32>
    tpu.vector_store_idx %arg10[%add3A_142, %broadcast_in_dim3A_144], %broadcast_in_dim3A_9 : memref<80x8xf32, #tpu.memory_space<vmem>>[vector<16xi32>, vector<16xi32>], vector<16xf32>,
    %add3A_145 = arith.constant 32 : i32
    %add3A_146 = vector.broadcast %add3A_145 : i32 to vector<16xi32>
    %add3A_147 = arith.addi %iota3A, %add3A_146 : vector<16xi32>
    %broadcast_in_dim3A_148 = arith.constant 5 : i32
    %broadcast_in_dim3A_149 = vector.broadcast %broadcast_in_dim3A_148 : i32 to vector<16xi32>
    tpu.vector_store_idx %arg10[%add3A_147, %broadcast_in_dim3A_149], %broadcast_in_dim3A_9 : memref<80x8xf32, #tpu.memory_space<vmem>>[vector<16xi32>, vector<16xi32>], vector<16xf32>,
    %add3A_150 = arith.constant 48 : i32
    %add3A_151 = vector.broadcast %add3A_150 : i32 to vector<16xi32>
    %add3A_152 = arith.addi %iota3A, %add3A_151 : vector<16xi32>
    %broadcast_in_dim3A_153 = arith.constant 5 : i32
    %broadcast_in_dim3A_154 = vector.broadcast %broadcast_in_dim3A_153 : i32 to vector<16xi32>
    tpu.vector_store_idx %arg10[%add3A_152, %broadcast_in_dim3A_154], %broadcast_in_dim3A_9 : memref<80x8xf32, #tpu.memory_space<vmem>>[vector<16xi32>, vector<16xi32>], vector<16xf32>,
    %add3A_155 = arith.constant 64 : i32
    %add3A_156 = vector.broadcast %add3A_155 : i32 to vector<16xi32>
    %add3A_157 = arith.addi %iota3A, %add3A_156 : vector<16xi32>
    %broadcast_in_dim3A_158 = arith.constant 5 : i32
    %broadcast_in_dim3A_159 = vector.broadcast %broadcast_in_dim3A_158 : i32 to vector<16xi32>
    tpu.vector_store_idx %arg10[%add3A_157, %broadcast_in_dim3A_159], %broadcast_in_dim3A_9 : memref<80x8xf32, #tpu.memory_space<vmem>>[vector<16xi32>, vector<16xi32>], vector<16xf32>,
    %add3A_160 = arith.constant 0 : i32
    %add3A_161 = vector.broadcast %add3A_160 : i32 to vector<16xi32>
    %add3A_162 = arith.addi %iota3A, %add3A_161 : vector<16xi32>
    %broadcast_in_dim3A_163 = arith.constant 6 : i32
    %broadcast_in_dim3A_164 = vector.broadcast %broadcast_in_dim3A_163 : i32 to vector<16xi32>
    tpu.vector_store_idx %arg10[%add3A_162, %broadcast_in_dim3A_164], %broadcast_in_dim3A_9 : memref<80x8xf32, #tpu.memory_space<vmem>>[vector<16xi32>, vector<16xi32>], vector<16xf32>,
    %add3A_165 = arith.constant 16 : i32
    %add3A_166 = vector.broadcast %add3A_165 : i32 to vector<16xi32>
    %add3A_167 = arith.addi %iota3A, %add3A_166 : vector<16xi32>
    %broadcast_in_dim3A_168 = arith.constant 6 : i32
    %broadcast_in_dim3A_169 = vector.broadcast %broadcast_in_dim3A_168 : i32 to vector<16xi32>
    tpu.vector_store_idx %arg10[%add3A_167, %broadcast_in_dim3A_169], %broadcast_in_dim3A_9 : memref<80x8xf32, #tpu.memory_space<vmem>>[vector<16xi32>, vector<16xi32>], vector<16xf32>,
    %add3A_170 = arith.constant 32 : i32
    %add3A_171 = vector.broadcast %add3A_170 : i32 to vector<16xi32>
    %add3A_172 = arith.addi %iota3A, %add3A_171 : vector<16xi32>
    %broadcast_in_dim3A_173 = arith.constant 6 : i32
    %broadcast_in_dim3A_174 = vector.broadcast %broadcast_in_dim3A_173 : i32 to vector<16xi32>
    tpu.vector_store_idx %arg10[%add3A_172, %broadcast_in_dim3A_174], %broadcast_in_dim3A_9 : memref<80x8xf32, #tpu.memory_space<vmem>>[vector<16xi32>, vector<16xi32>], vector<16xf32>,
    %add3A_175 = arith.constant 48 : i32
    %add3A_176 = vector.broadcast %add3A_175 : i32 to vector<16xi32>
    %add3A_177 = arith.addi %iota3A, %add3A_176 : vector<16xi32>
    %broadcast_in_dim3A_178 = arith.constant 6 : i32
    %broadcast_in_dim3A_179 = vector.broadcast %broadcast_in_dim3A_178 : i32 to vector<16xi32>
    tpu.vector_store_idx %arg10[%add3A_177, %broadcast_in_dim3A_179], %broadcast_in_dim3A_9 : memref<80x8xf32, #tpu.memory_space<vmem>>[vector<16xi32>, vector<16xi32>], vector<16xf32>,
    %add3A_180 = arith.constant 64 : i32
    %add3A_181 = vector.broadcast %add3A_180 : i32 to vector<16xi32>
    %add3A_182 = arith.addi %iota3A, %add3A_181 : vector<16xi32>
    %broadcast_in_dim3A_183 = arith.constant 6 : i32
    %broadcast_in_dim3A_184 = vector.broadcast %broadcast_in_dim3A_183 : i32 to vector<16xi32>
    tpu.vector_store_idx %arg10[%add3A_182, %broadcast_in_dim3A_184], %broadcast_in_dim3A_9 : memref<80x8xf32, #tpu.memory_space<vmem>>[vector<16xi32>, vector<16xi32>], vector<16xf32>,
    %add3A_185 = arith.constant 0 : i32
    %add3A_186 = vector.broadcast %add3A_185 : i32 to vector<16xi32>
    %add3A_187 = arith.addi %iota3A, %add3A_186 : vector<16xi32>
    %broadcast_in_dim3A_188 = arith.constant 7 : i32
    %broadcast_in_dim3A_189 = vector.broadcast %broadcast_in_dim3A_188 : i32 to vector<16xi32>
    tpu.vector_store_idx %arg10[%add3A_187, %broadcast_in_dim3A_189], %broadcast_in_dim3A_9 : memref<80x8xf32, #tpu.memory_space<vmem>>[vector<16xi32>, vector<16xi32>], vector<16xf32>,
    %add3A_190 = arith.constant 16 : i32
    %add3A_191 = vector.broadcast %add3A_190 : i32 to vector<16xi32>
    %add3A_192 = arith.addi %iota3A, %add3A_191 : vector<16xi32>
    %broadcast_in_dim3A_193 = arith.constant 7 : i32
    %broadcast_in_dim3A_194 = vector.broadcast %broadcast_in_dim3A_193 : i32 to vector<16xi32>
    tpu.vector_store_idx %arg10[%add3A_192, %broadcast_in_dim3A_194], %broadcast_in_dim3A_9 : memref<80x8xf32, #tpu.memory_space<vmem>>[vector<16xi32>, vector<16xi32>], vector<16xf32>,
    %add3A_195 = arith.constant 32 : i32
    %add3A_196 = vector.broadcast %add3A_195 : i32 to vector<16xi32>
    %add3A_197 = arith.addi %iota3A, %add3A_196 : vector<16xi32>
    %broadcast_in_dim3A_198 = arith.constant 7 : i32
    %broadcast_in_dim3A_199 = vector.broadcast %broadcast_in_dim3A_198 : i32 to vector<16xi32>
    tpu.vector_store_idx %arg10[%add3A_197, %broadcast_in_dim3A_199], %broadcast_in_dim3A_9 : memref<80x8xf32, #tpu.memory_space<vmem>>[vector<16xi32>, vector<16xi32>], vector<16xf32>,
    %add3A_200 = arith.constant 48 : i32
    %add3A_201 = vector.broadcast %add3A_200 : i32 to vector<16xi32>
    %add3A_202 = arith.addi %iota3A, %add3A_201 : vector<16xi32>
    %broadcast_in_dim3A_203 = arith.constant 7 : i32
    %broadcast_in_dim3A_204 = vector.broadcast %broadcast_in_dim3A_203 : i32 to vector<16xi32>
    tpu.vector_store_idx %arg10[%add3A_202, %broadcast_in_dim3A_204], %broadcast_in_dim3A_9 : memref<80x8xf32, #tpu.memory_space<vmem>>[vector<16xi32>, vector<16xi32>], vector<16xf32>,
    %add3A_205 = arith.constant 64 : i32
    %add3A_206 = vector.broadcast %add3A_205 : i32 to vector<16xi32>
    %add3A_207 = arith.addi %iota3A, %add3A_206 : vector<16xi32>
    %broadcast_in_dim3A_208 = arith.constant 7 : i32
    %broadcast_in_dim3A_209 = vector.broadcast %broadcast_in_dim3A_208 : i32 to vector<16xi32>
    tpu.vector_store_idx %arg10[%add3A_207, %broadcast_in_dim3A_209], %broadcast_in_dim3A_9 : memref<80x8xf32, #tpu.memory_space<vmem>>[vector<16xi32>, vector<16xi32>], vector<16xf32>,
    %mul3A_210 = arith.constant 624 : i32
    %mul3A_211 = arith.muli %arg1, %mul3A_210 : i32
    %add3A_212 = arith.constant 0 : i32
    %add3A_213 = arith.addi %mul3A_211, %add3A_212 : i32
    "tpu.region"() ({
      %run_scoped3A = tpu.sem_alloc : memref<!tpu.dma_semaphore, #tpu.memory_space<semaphore_mem>>
      %dma_start3A = arith.constant 0 : i32
      %dma_start3A_266 = tpu.memref_slice %arg17[%add3A_213, %dma_start3A] : memref<10000x128xf32, #tpu.memory_space<vmem_shared>> -> memref<80x128xf32, #tpu.memory_space<vmem_shared>>
      %dma_start3A_267 = arith.constant 0 : i32
      %dma_start3A_268 = tpu.memref_slice %arg17[%add3A_213, %dma_start3A_267] : memref<10000x128xf32, #tpu.memory_space<vmem_shared>> -> memref<80x128xf32, #tpu.memory_space<vmem_shared>>
      tpu.enqueue_dma source(%arg9 : memref<80x128xf32, #tpu.memory_space<vmem>>) target(%dma_start3A_268 : memref<80x128xf32, #tpu.memory_space<vmem_shared>>) target_semaphore(%run_scoped3A : memref<!tpu.dma_semaphore, #tpu.memory_space<semaphore_mem>>)
      %dma_wait3A = arith.constant 0 : i32
      %dma_wait3A_269 = tpu.memref_slice %arg17[%add3A_213, %dma_wait3A] : memref<10000x128xf32, #tpu.memory_space<vmem_shared>> -> memref<80x128xf32, #tpu.memory_space<vmem_shared>>
      %dma_wait3A_270 = arith.constant 0 : i32
      %dma_wait3A_271 = tpu.memref_slice %arg17[%add3A_213, %dma_wait3A_270] : memref<10000x128xf32, #tpu.memory_space<vmem_shared>> -> memref<80x128xf32, #tpu.memory_space<vmem_shared>>
      tpu.wait_dma2 semaphore(%run_scoped3A : memref<!tpu.dma_semaphore, #tpu.memory_space<semaphore_mem>>) src(%arg9 : memref<80x128xf32, #tpu.memory_space<vmem>>) dst(%dma_wait3A_271 : memref<80x128xf32, #tpu.memory_space<vmem_shared>>)
      tpu.yield
    }) : () -> ()
    %add3A_214 = arith.constant 0 : i32
    %add3A_215 = arith.addi %mul3A_211, %add3A_214 : i32
    "tpu.region"() ({
      %run_scoped3A = tpu.sem_alloc : memref<!tpu.dma_semaphore, #tpu.memory_space<semaphore_mem>>
      %dma_start3A = arith.constant 0 : i32
      %dma_start3A_266 = tpu.memref_slice %arg18[%add3A_215, %dma_start3A] : memref<10000x8xf32, #tpu.memory_space<vmem_shared>> -> memref<80x8xf32, #tpu.memory_space<vmem_shared>>
      %dma_start3A_267 = arith.constant 0 : i32
      %dma_start3A_268 = tpu.memref_slice %arg18[%add3A_215, %dma_start3A_267] : memref<10000x8xf32, #tpu.memory_space<vmem_shared>> -> memref<80x8xf32, #tpu.memory_space<vmem_shared>>
      tpu.enqueue_dma source(%arg10 : memref<80x8xf32, #tpu.memory_space<vmem>>) target(%dma_start3A_268 : memref<80x8xf32, #tpu.memory_space<vmem_shared>>) target_semaphore(%run_scoped3A : memref<!tpu.dma_semaphore, #tpu.memory_space<semaphore_mem>>)
      %dma_wait3A = arith.constant 0 : i32
      %dma_wait3A_269 = tpu.memref_slice %arg18[%add3A_215, %dma_wait3A] : memref<10000x8xf32, #tpu.memory_space<vmem_shared>> -> memref<80x8xf32, #tpu.memory_space<vmem_shared>>
      %dma_wait3A_270 = arith.constant 0 : i32
      %dma_wait3A_271 = tpu.memref_slice %arg18[%add3A_215, %dma_wait3A_270] : memref<10000x8xf32, #tpu.memory_space<vmem_shared>> -> memref<80x8xf32, #tpu.memory_space<vmem_shared>>
      tpu.wait_dma2 semaphore(%run_scoped3A : memref<!tpu.dma_semaphore, #tpu.memory_space<semaphore_mem>>) src(%arg10 : memref<80x8xf32, #tpu.memory_space<vmem>>) dst(%dma_wait3A_271 : memref<80x8xf32, #tpu.memory_space<vmem_shared>>)
      tpu.yield
    }) : () -> ()
    %add3A_216 = arith.constant 80 : i32
    %add3A_217 = arith.addi %mul3A_211, %add3A_216 : i32
    "tpu.region"() ({
      %run_scoped3A = tpu.sem_alloc : memref<!tpu.dma_semaphore, #tpu.memory_space<semaphore_mem>>
      %dma_start3A = arith.constant 0 : i32
      %dma_start3A_266 = tpu.memref_slice %arg17[%add3A_217, %dma_start3A] : memref<10000x128xf32, #tpu.memory_space<vmem_shared>> -> memref<80x128xf32, #tpu.memory_space<vmem_shared>>
      %dma_start3A_267 = arith.constant 0 : i32
      %dma_start3A_268 = tpu.memref_slice %arg17[%add3A_217, %dma_start3A_267] : memref<10000x128xf32, #tpu.memory_space<vmem_shared>> -> memref<80x128xf32, #tpu.memory_space<vmem_shared>>
      tpu.enqueue_dma source(%arg9 : memref<80x128xf32, #tpu.memory_space<vmem>>) target(%dma_start3A_268 : memref<80x128xf32, #tpu.memory_space<vmem_shared>>) target_semaphore(%run_scoped3A : memref<!tpu.dma_semaphore, #tpu.memory_space<semaphore_mem>>)
      %dma_wait3A = arith.constant 0 : i32
      %dma_wait3A_269 = tpu.memref_slice %arg17[%add3A_217, %dma_wait3A] : memref<10000x128xf32, #tpu.memory_space<vmem_shared>> -> memref<80x128xf32, #tpu.memory_space<vmem_shared>>
      %dma_wait3A_270 = arith.constant 0 : i32
      %dma_wait3A_271 = tpu.memref_slice %arg17[%add3A_217, %dma_wait3A_270] : memref<10000x128xf32, #tpu.memory_space<vmem_shared>> -> memref<80x128xf32, #tpu.memory_space<vmem_shared>>
      tpu.wait_dma2 semaphore(%run_scoped3A : memref<!tpu.dma_semaphore, #tpu.memory_space<semaphore_mem>>) src(%arg9 : memref<80x128xf32, #tpu.memory_space<vmem>>) dst(%dma_wait3A_271 : memref<80x128xf32, #tpu.memory_space<vmem_shared>>)
      tpu.yield
    }) : () -> ()
    %add3A_218 = arith.constant 80 : i32
    %add3A_219 = arith.addi %mul3A_211, %add3A_218 : i32
    "tpu.region"() ({
      %run_scoped3A = tpu.sem_alloc : memref<!tpu.dma_semaphore, #tpu.memory_space<semaphore_mem>>
      %dma_start3A = arith.constant 0 : i32
      %dma_start3A_266 = tpu.memref_slice %arg18[%add3A_219, %dma_start3A] : memref<10000x8xf32, #tpu.memory_space<vmem_shared>> -> memref<80x8xf32, #tpu.memory_space<vmem_shared>>
      %dma_start3A_267 = arith.constant 0 : i32
      %dma_start3A_268 = tpu.memref_slice %arg18[%add3A_219, %dma_start3A_267] : memref<10000x8xf32, #tpu.memory_space<vmem_shared>> -> memref<80x8xf32, #tpu.memory_space<vmem_shared>>
      tpu.enqueue_dma source(%arg10 : memref<80x8xf32, #tpu.memory_space<vmem>>) target(%dma_start3A_268 : memref<80x8xf32, #tpu.memory_space<vmem_shared>>) target_semaphore(%run_scoped3A : memref<!tpu.dma_semaphore, #tpu.memory_space<semaphore_mem>>)
      %dma_wait3A = arith.constant 0 : i32
      %dma_wait3A_269 = tpu.memref_slice %arg18[%add3A_219, %dma_wait3A] : memref<10000x8xf32, #tpu.memory_space<vmem_shared>> -> memref<80x8xf32, #tpu.memory_space<vmem_shared>>
      %dma_wait3A_270 = arith.constant 0 : i32
      %dma_wait3A_271 = tpu.memref_slice %arg18[%add3A_219, %dma_wait3A_270] : memref<10000x8xf32, #tpu.memory_space<vmem_shared>> -> memref<80x8xf32, #tpu.memory_space<vmem_shared>>
      tpu.wait_dma2 semaphore(%run_scoped3A : memref<!tpu.dma_semaphore, #tpu.memory_space<semaphore_mem>>) src(%arg10 : memref<80x8xf32, #tpu.memory_space<vmem>>) dst(%dma_wait3A_271 : memref<80x8xf32, #tpu.memory_space<vmem_shared>>)
      tpu.yield
    }) : () -> ()
    %add3A_220 = arith.constant 160 : i32
    %add3A_221 = arith.addi %mul3A_211, %add3A_220 : i32
    "tpu.region"() ({
      %run_scoped3A = tpu.sem_alloc : memref<!tpu.dma_semaphore, #tpu.memory_space<semaphore_mem>>
      %dma_start3A = arith.constant 0 : i32
      %dma_start3A_266 = tpu.memref_slice %arg17[%add3A_221, %dma_start3A] : memref<10000x128xf32, #tpu.memory_space<vmem_shared>> -> memref<80x128xf32, #tpu.memory_space<vmem_shared>>
      %dma_start3A_267 = arith.constant 0 : i32
      %dma_start3A_268 = tpu.memref_slice %arg17[%add3A_221, %dma_start3A_267] : memref<10000x128xf32, #tpu.memory_space<vmem_shared>> -> memref<80x128xf32, #tpu.memory_space<vmem_shared>>
      tpu.enqueue_dma source(%arg9 : memref<80x128xf32, #tpu.memory_space<vmem>>) target(%dma_start3A_268 : memref<80x128xf32, #tpu.memory_space<vmem_shared>>) target_semaphore(%run_scoped3A : memref<!tpu.dma_semaphore, #tpu.memory_space<semaphore_mem>>)
      %dma_wait3A = arith.constant 0 : i32
      %dma_wait3A_269 = tpu.memref_slice %arg17[%add3A_221, %dma_wait3A] : memref<10000x128xf32, #tpu.memory_space<vmem_shared>> -> memref<80x128xf32, #tpu.memory_space<vmem_shared>>
      %dma_wait3A_270 = arith.constant 0 : i32
      %dma_wait3A_271 = tpu.memref_slice %arg17[%add3A_221, %dma_wait3A_270] : memref<10000x128xf32, #tpu.memory_space<vmem_shared>> -> memref<80x128xf32, #tpu.memory_space<vmem_shared>>
      tpu.wait_dma2 semaphore(%run_scoped3A : memref<!tpu.dma_semaphore, #tpu.memory_space<semaphore_mem>>) src(%arg9 : memref<80x128xf32, #tpu.memory_space<vmem>>) dst(%dma_wait3A_271 : memref<80x128xf32, #tpu.memory_space<vmem_shared>>)
      tpu.yield
    }) : () -> ()
    %add3A_222 = arith.constant 160 : i32
    %add3A_223 = arith.addi %mul3A_211, %add3A_222 : i32
    "tpu.region"() ({
      %run_scoped3A = tpu.sem_alloc : memref<!tpu.dma_semaphore, #tpu.memory_space<semaphore_mem>>
      %dma_start3A = arith.constant 0 : i32
      %dma_start3A_266 = tpu.memref_slice %arg18[%add3A_223, %dma_start3A] : memref<10000x8xf32, #tpu.memory_space<vmem_shared>> -> memref<80x8xf32, #tpu.memory_space<vmem_shared>>
      %dma_start3A_267 = arith.constant 0 : i32
      %dma_start3A_268 = tpu.memref_slice %arg18[%add3A_223, %dma_start3A_267] : memref<10000x8xf32, #tpu.memory_space<vmem_shared>> -> memref<80x8xf32, #tpu.memory_space<vmem_shared>>
      tpu.enqueue_dma source(%arg10 : memref<80x8xf32, #tpu.memory_space<vmem>>) target(%dma_start3A_268 : memref<80x8xf32, #tpu.memory_space<vmem_shared>>) target_semaphore(%run_scoped3A : memref<!tpu.dma_semaphore, #tpu.memory_space<semaphore_mem>>)
      %dma_wait3A = arith.constant 0 : i32
      %dma_wait3A_269 = tpu.memref_slice %arg18[%add3A_223, %dma_wait3A] : memref<10000x8xf32, #tpu.memory_space<vmem_shared>> -> memref<80x8xf32, #tpu.memory_space<vmem_shared>>
      %dma_wait3A_270 = arith.constant 0 : i32
      %dma_wait3A_271 = tpu.memref_slice %arg18[%add3A_223, %dma_wait3A_270] : memref<10000x8xf32, #tpu.memory_space<vmem_shared>> -> memref<80x8xf32, #tpu.memory_space<vmem_shared>>
      tpu.wait_dma2 semaphore(%run_scoped3A : memref<!tpu.dma_semaphore, #tpu.memory_space<semaphore_mem>>) src(%arg10 : memref<80x8xf32, #tpu.memory_space<vmem>>) dst(%dma_wait3A_271 : memref<80x8xf32, #tpu.memory_space<vmem_shared>>)
      tpu.yield
    }) : () -> ()
    %add3A_224 = arith.constant 240 : i32
    %add3A_225 = arith.addi %mul3A_211, %add3A_224 : i32
    "tpu.region"() ({
      %run_scoped3A = tpu.sem_alloc : memref<!tpu.dma_semaphore, #tpu.memory_space<semaphore_mem>>
      %dma_start3A = arith.constant 0 : i32
      %dma_start3A_266 = tpu.memref_slice %arg17[%add3A_225, %dma_start3A] : memref<10000x128xf32, #tpu.memory_space<vmem_shared>> -> memref<80x128xf32, #tpu.memory_space<vmem_shared>>
      %dma_start3A_267 = arith.constant 0 : i32
      %dma_start3A_268 = tpu.memref_slice %arg17[%add3A_225, %dma_start3A_267] : memref<10000x128xf32, #tpu.memory_space<vmem_shared>> -> memref<80x128xf32, #tpu.memory_space<vmem_shared>>
      tpu.enqueue_dma source(%arg9 : memref<80x128xf32, #tpu.memory_space<vmem>>) target(%dma_start3A_268 : memref<80x128xf32, #tpu.memory_space<vmem_shared>>) target_semaphore(%run_scoped3A : memref<!tpu.dma_semaphore, #tpu.memory_space<semaphore_mem>>)
      %dma_wait3A = arith.constant 0 : i32
      %dma_wait3A_269 = tpu.memref_slice %arg17[%add3A_225, %dma_wait3A] : memref<10000x128xf32, #tpu.memory_space<vmem_shared>> -> memref<80x128xf32, #tpu.memory_space<vmem_shared>>
      %dma_wait3A_270 = arith.constant 0 : i32
      %dma_wait3A_271 = tpu.memref_slice %arg17[%add3A_225, %dma_wait3A_270] : memref<10000x128xf32, #tpu.memory_space<vmem_shared>> -> memref<80x128xf32, #tpu.memory_space<vmem_shared>>
      tpu.wait_dma2 semaphore(%run_scoped3A : memref<!tpu.dma_semaphore, #tpu.memory_space<semaphore_mem>>) src(%arg9 : memref<80x128xf32, #tpu.memory_space<vmem>>) dst(%dma_wait3A_271 : memref<80x128xf32, #tpu.memory_space<vmem_shared>>)
      tpu.yield
    }) : () -> ()
    %add3A_226 = arith.constant 240 : i32
    %add3A_227 = arith.addi %mul3A_211, %add3A_226 : i32
    "tpu.region"() ({
      %run_scoped3A = tpu.sem_alloc : memref<!tpu.dma_semaphore, #tpu.memory_space<semaphore_mem>>
      %dma_start3A = arith.constant 0 : i32
      %dma_start3A_266 = tpu.memref_slice %arg18[%add3A_227, %dma_start3A] : memref<10000x8xf32, #tpu.memory_space<vmem_shared>> -> memref<80x8xf32, #tpu.memory_space<vmem_shared>>
      %dma_start3A_267 = arith.constant 0 : i32
      %dma_start3A_268 = tpu.memref_slice %arg18[%add3A_227, %dma_start3A_267] : memref<10000x8xf32, #tpu.memory_space<vmem_shared>> -> memref<80x8xf32, #tpu.memory_space<vmem_shared>>
      tpu.enqueue_dma source(%arg10 : memref<80x8xf32, #tpu.memory_space<vmem>>) target(%dma_start3A_268 : memref<80x8xf32, #tpu.memory_space<vmem_shared>>) target_semaphore(%run_scoped3A : memref<!tpu.dma_semaphore, #tpu.memory_space<semaphore_mem>>)
      %dma_wait3A = arith.constant 0 : i32
      %dma_wait3A_269 = tpu.memref_slice %arg18[%add3A_227, %dma_wait3A] : memref<10000x8xf32, #tpu.memory_space<vmem_shared>> -> memref<80x8xf32, #tpu.memory_space<vmem_shared>>
      %dma_wait3A_270 = arith.constant 0 : i32
      %dma_wait3A_271 = tpu.memref_slice %arg18[%add3A_227, %dma_wait3A_270] : memref<10000x8xf32, #tpu.memory_space<vmem_shared>> -> memref<80x8xf32, #tpu.memory_space<vmem_shared>>
      tpu.wait_dma2 semaphore(%run_scoped3A : memref<!tpu.dma_semaphore, #tpu.memory_space<semaphore_mem>>) src(%arg10 : memref<80x8xf32, #tpu.memory_space<vmem>>) dst(%dma_wait3A_271 : memref<80x8xf32, #tpu.memory_space<vmem_shared>>)
      tpu.yield
    }) : () -> ()
    %add3A_228 = arith.constant 320 : i32
    %add3A_229 = arith.addi %mul3A_211, %add3A_228 : i32
    "tpu.region"() ({
      %run_scoped3A = tpu.sem_alloc : memref<!tpu.dma_semaphore, #tpu.memory_space<semaphore_mem>>
      %dma_start3A = arith.constant 0 : i32
      %dma_start3A_266 = tpu.memref_slice %arg17[%add3A_229, %dma_start3A] : memref<10000x128xf32, #tpu.memory_space<vmem_shared>> -> memref<80x128xf32, #tpu.memory_space<vmem_shared>>
      %dma_start3A_267 = arith.constant 0 : i32
      %dma_start3A_268 = tpu.memref_slice %arg17[%add3A_229, %dma_start3A_267] : memref<10000x128xf32, #tpu.memory_space<vmem_shared>> -> memref<80x128xf32, #tpu.memory_space<vmem_shared>>
      tpu.enqueue_dma source(%arg9 : memref<80x128xf32, #tpu.memory_space<vmem>>) target(%dma_start3A_268 : memref<80x128xf32, #tpu.memory_space<vmem_shared>>) target_semaphore(%run_scoped3A : memref<!tpu.dma_semaphore, #tpu.memory_space<semaphore_mem>>)
      %dma_wait3A = arith.constant 0 : i32
      %dma_wait3A_269 = tpu.memref_slice %arg17[%add3A_229, %dma_wait3A] : memref<10000x128xf32, #tpu.memory_space<vmem_shared>> -> memref<80x128xf32, #tpu.memory_space<vmem_shared>>
      %dma_wait3A_270 = arith.constant 0 : i32
      %dma_wait3A_271 = tpu.memref_slice %arg17[%add3A_229, %dma_wait3A_270] : memref<10000x128xf32, #tpu.memory_space<vmem_shared>> -> memref<80x128xf32, #tpu.memory_space<vmem_shared>>
      tpu.wait_dma2 semaphore(%run_scoped3A : memref<!tpu.dma_semaphore, #tpu.memory_space<semaphore_mem>>) src(%arg9 : memref<80x128xf32, #tpu.memory_space<vmem>>) dst(%dma_wait3A_271 : memref<80x128xf32, #tpu.memory_space<vmem_shared>>)
      tpu.yield
    }) : () -> ()
    %add3A_230 = arith.constant 320 : i32
    %add3A_231 = arith.addi %mul3A_211, %add3A_230 : i32
    "tpu.region"() ({
      %run_scoped3A = tpu.sem_alloc : memref<!tpu.dma_semaphore, #tpu.memory_space<semaphore_mem>>
      %dma_start3A = arith.constant 0 : i32
      %dma_start3A_266 = tpu.memref_slice %arg18[%add3A_231, %dma_start3A] : memref<10000x8xf32, #tpu.memory_space<vmem_shared>> -> memref<80x8xf32, #tpu.memory_space<vmem_shared>>
      %dma_start3A_267 = arith.constant 0 : i32
      %dma_start3A_268 = tpu.memref_slice %arg18[%add3A_231, %dma_start3A_267] : memref<10000x8xf32, #tpu.memory_space<vmem_shared>> -> memref<80x8xf32, #tpu.memory_space<vmem_shared>>
      tpu.enqueue_dma source(%arg10 : memref<80x8xf32, #tpu.memory_space<vmem>>) target(%dma_start3A_268 : memref<80x8xf32, #tpu.memory_space<vmem_shared>>) target_semaphore(%run_scoped3A : memref<!tpu.dma_semaphore, #tpu.memory_space<semaphore_mem>>)
      %dma_wait3A = arith.constant 0 : i32
      %dma_wait3A_269 = tpu.memref_slice %arg18[%add3A_231, %dma_wait3A] : memref<10000x8xf32, #tpu.memory_space<vmem_shared>> -> memref<80x8xf32, #tpu.memory_space<vmem_shared>>
      %dma_wait3A_270 = arith.constant 0 : i32
      %dma_wait3A_271 = tpu.memref_slice %arg18[%add3A_231, %dma_wait3A_270] : memref<10000x8xf32, #tpu.memory_space<vmem_shared>> -> memref<80x8xf32, #tpu.memory_space<vmem_shared>>
      tpu.wait_dma2 semaphore(%run_scoped3A : memref<!tpu.dma_semaphore, #tpu.memory_space<semaphore_mem>>) src(%arg10 : memref<80x8xf32, #tpu.memory_space<vmem>>) dst(%dma_wait3A_271 : memref<80x8xf32, #tpu.memory_space<vmem_shared>>)
      tpu.yield
    }) : () -> ()
    %add3A_232 = arith.constant 400 : i32
    %add3A_233 = arith.addi %mul3A_211, %add3A_232 : i32
    "tpu.region"() ({
      %run_scoped3A = tpu.sem_alloc : memref<!tpu.dma_semaphore, #tpu.memory_space<semaphore_mem>>
      %dma_start3A = arith.constant 0 : i32
      %dma_start3A_266 = tpu.memref_slice %arg17[%add3A_233, %dma_start3A] : memref<10000x128xf32, #tpu.memory_space<vmem_shared>> -> memref<80x128xf32, #tpu.memory_space<vmem_shared>>
      %dma_start3A_267 = arith.constant 0 : i32
      %dma_start3A_268 = tpu.memref_slice %arg17[%add3A_233, %dma_start3A_267] : memref<10000x128xf32, #tpu.memory_space<vmem_shared>> -> memref<80x128xf32, #tpu.memory_space<vmem_shared>>
      tpu.enqueue_dma source(%arg9 : memref<80x128xf32, #tpu.memory_space<vmem>>) target(%dma_start3A_268 : memref<80x128xf32, #tpu.memory_space<vmem_shared>>) target_semaphore(%run_scoped3A : memref<!tpu.dma_semaphore, #tpu.memory_space<semaphore_mem>>)
      %dma_wait3A = arith.constant 0 : i32
      %dma_wait3A_269 = tpu.memref_slice %arg17[%add3A_233, %dma_wait3A] : memref<10000x128xf32, #tpu.memory_space<vmem_shared>> -> memref<80x128xf32, #tpu.memory_space<vmem_shared>>
      %dma_wait3A_270 = arith.constant 0 : i32
      %dma_wait3A_271 = tpu.memref_slice %arg17[%add3A_233, %dma_wait3A_270] : memref<10000x128xf32, #tpu.memory_space<vmem_shared>> -> memref<80x128xf32, #tpu.memory_space<vmem_shared>>
      tpu.wait_dma2 semaphore(%run_scoped3A : memref<!tpu.dma_semaphore, #tpu.memory_space<semaphore_mem>>) src(%arg9 : memref<80x128xf32, #tpu.memory_space<vmem>>) dst(%dma_wait3A_271 : memref<80x128xf32, #tpu.memory_space<vmem_shared>>)
      tpu.yield
    }) : () -> ()
    %add3A_234 = arith.constant 400 : i32
    %add3A_235 = arith.addi %mul3A_211, %add3A_234 : i32
    "tpu.region"() ({
      %run_scoped3A = tpu.sem_alloc : memref<!tpu.dma_semaphore, #tpu.memory_space<semaphore_mem>>
      %dma_start3A = arith.constant 0 : i32
      %dma_start3A_266 = tpu.memref_slice %arg18[%add3A_235, %dma_start3A] : memref<10000x8xf32, #tpu.memory_space<vmem_shared>> -> memref<80x8xf32, #tpu.memory_space<vmem_shared>>
      %dma_start3A_267 = arith.constant 0 : i32
      %dma_start3A_268 = tpu.memref_slice %arg18[%add3A_235, %dma_start3A_267] : memref<10000x8xf32, #tpu.memory_space<vmem_shared>> -> memref<80x8xf32, #tpu.memory_space<vmem_shared>>
      tpu.enqueue_dma source(%arg10 : memref<80x8xf32, #tpu.memory_space<vmem>>) target(%dma_start3A_268 : memref<80x8xf32, #tpu.memory_space<vmem_shared>>) target_semaphore(%run_scoped3A : memref<!tpu.dma_semaphore, #tpu.memory_space<semaphore_mem>>)
      %dma_wait3A = arith.constant 0 : i32
      %dma_wait3A_269 = tpu.memref_slice %arg18[%add3A_235, %dma_wait3A] : memref<10000x8xf32, #tpu.memory_space<vmem_shared>> -> memref<80x8xf32, #tpu.memory_space<vmem_shared>>
      %dma_wait3A_270 = arith.constant 0 : i32
      %dma_wait3A_271 = tpu.memref_slice %arg18[%add3A_235, %dma_wait3A_270] : memref<10000x8xf32, #tpu.memory_space<vmem_shared>> -> memref<80x8xf32, #tpu.memory_space<vmem_shared>>
      tpu.wait_dma2 semaphore(%run_scoped3A : memref<!tpu.dma_semaphore, #tpu.memory_space<semaphore_mem>>) src(%arg10 : memref<80x8xf32, #tpu.memory_space<vmem>>) dst(%dma_wait3A_271 : memref<80x8xf32, #tpu.memory_space<vmem_shared>>)
      tpu.yield
    }) : () -> ()
    %add3A_236 = arith.constant 480 : i32
    %add3A_237 = arith.addi %mul3A_211, %add3A_236 : i32
    "tpu.region"() ({
      %run_scoped3A = tpu.sem_alloc : memref<!tpu.dma_semaphore, #tpu.memory_space<semaphore_mem>>
      %dma_start3A = arith.constant 0 : i32
      %dma_start3A_266 = tpu.memref_slice %arg17[%add3A_237, %dma_start3A] : memref<10000x128xf32, #tpu.memory_space<vmem_shared>> -> memref<80x128xf32, #tpu.memory_space<vmem_shared>>
      %dma_start3A_267 = arith.constant 0 : i32
      %dma_start3A_268 = tpu.memref_slice %arg17[%add3A_237, %dma_start3A_267] : memref<10000x128xf32, #tpu.memory_space<vmem_shared>> -> memref<80x128xf32, #tpu.memory_space<vmem_shared>>
      tpu.enqueue_dma source(%arg9 : memref<80x128xf32, #tpu.memory_space<vmem>>) target(%dma_start3A_268 : memref<80x128xf32, #tpu.memory_space<vmem_shared>>) target_semaphore(%run_scoped3A : memref<!tpu.dma_semaphore, #tpu.memory_space<semaphore_mem>>)
      %dma_wait3A = arith.constant 0 : i32
      %dma_wait3A_269 = tpu.memref_slice %arg17[%add3A_237, %dma_wait3A] : memref<10000x128xf32, #tpu.memory_space<vmem_shared>> -> memref<80x128xf32, #tpu.memory_space<vmem_shared>>
      %dma_wait3A_270 = arith.constant 0 : i32
      %dma_wait3A_271 = tpu.memref_slice %arg17[%add3A_237, %dma_wait3A_270] : memref<10000x128xf32, #tpu.memory_space<vmem_shared>> -> memref<80x128xf32, #tpu.memory_space<vmem_shared>>
      tpu.wait_dma2 semaphore(%run_scoped3A : memref<!tpu.dma_semaphore, #tpu.memory_space<semaphore_mem>>) src(%arg9 : memref<80x128xf32, #tpu.memory_space<vmem>>) dst(%dma_wait3A_271 : memref<80x128xf32, #tpu.memory_space<vmem_shared>>)
      tpu.yield
    }) : () -> ()
    %add3A_238 = arith.constant 480 : i32
    %add3A_239 = arith.addi %mul3A_211, %add3A_238 : i32
    "tpu.region"() ({
      %run_scoped3A = tpu.sem_alloc : memref<!tpu.dma_semaphore, #tpu.memory_space<semaphore_mem>>
      %dma_start3A = arith.constant 0 : i32
      %dma_start3A_266 = tpu.memref_slice %arg18[%add3A_239, %dma_start3A] : memref<10000x8xf32, #tpu.memory_space<vmem_shared>> -> memref<80x8xf32, #tpu.memory_space<vmem_shared>>
      %dma_start3A_267 = arith.constant 0 : i32
      %dma_start3A_268 = tpu.memref_slice %arg18[%add3A_239, %dma_start3A_267] : memref<10000x8xf32, #tpu.memory_space<vmem_shared>> -> memref<80x8xf32, #tpu.memory_space<vmem_shared>>
      tpu.enqueue_dma source(%arg10 : memref<80x8xf32, #tpu.memory_space<vmem>>) target(%dma_start3A_268 : memref<80x8xf32, #tpu.memory_space<vmem_shared>>) target_semaphore(%run_scoped3A : memref<!tpu.dma_semaphore, #tpu.memory_space<semaphore_mem>>)
      %dma_wait3A = arith.constant 0 : i32
      %dma_wait3A_269 = tpu.memref_slice %arg18[%add3A_239, %dma_wait3A] : memref<10000x8xf32, #tpu.memory_space<vmem_shared>> -> memref<80x8xf32, #tpu.memory_space<vmem_shared>>
      %dma_wait3A_270 = arith.constant 0 : i32
      %dma_wait3A_271 = tpu.memref_slice %arg18[%add3A_239, %dma_wait3A_270] : memref<10000x8xf32, #tpu.memory_space<vmem_shared>> -> memref<80x8xf32, #tpu.memory_space<vmem_shared>>
      tpu.wait_dma2 semaphore(%run_scoped3A : memref<!tpu.dma_semaphore, #tpu.memory_space<semaphore_mem>>) src(%arg10 : memref<80x8xf32, #tpu.memory_space<vmem>>) dst(%dma_wait3A_271 : memref<80x8xf32, #tpu.memory_space<vmem_shared>>)
      tpu.yield
    }) : () -> ()
    %add3A_240 = arith.constant 560 : i32
    %add3A_241 = arith.addi %mul3A_211, %add3A_240 : i32
    "tpu.region"() ({
      %run_scoped3A = tpu.sem_alloc : memref<!tpu.dma_semaphore, #tpu.memory_space<semaphore_mem>>
      %dma_start3A = arith.constant 0 : i32
      %dma_start3A_266 = arith.constant 0 : i32
      %dma_start3A_267 = tpu.memref_slice %arg9[%dma_start3A, %dma_start3A_266] : memref<80x128xf32, #tpu.memory_space<vmem>> -> memref<64x128xf32, #tpu.memory_space<vmem>>
      %dma_start3A_268 = arith.constant 0 : i32
      %dma_start3A_269 = tpu.memref_slice %arg17[%add3A_241, %dma_start3A_268] : memref<10000x128xf32, #tpu.memory_space<vmem_shared>> -> memref<64x128xf32, #tpu.memory_space<vmem_shared>>
      %dma_start3A_270 = arith.constant 0 : i32
      %dma_start3A_271 = tpu.memref_slice %arg17[%add3A_241, %dma_start3A_270] : memref<10000x128xf32, #tpu.memory_space<vmem_shared>> -> memref<64x128xf32, #tpu.memory_space<vmem_shared>>
      %dma_start3A_272 = arith.constant 0 : i32
      %dma_start3A_273 = arith.constant 0 : i32
      %dma_start3A_274 = tpu.memref_slice %arg9[%dma_start3A_272, %dma_start3A_273] : memref<80x128xf32, #tpu.memory_space<vmem>> -> memref<64x128xf32, #tpu.memory_space<vmem>>
      tpu.enqueue_dma source(%dma_start3A_274 : memref<64x128xf32, #tpu.memory_space<vmem>>) target(%dma_start3A_271 : memref<64x128xf32, #tpu.memory_space<vmem_shared>>) target_semaphore(%run_scoped3A : memref<!tpu.dma_semaphore, #tpu.memory_space<semaphore_mem>>)
      %dma_wait3A = arith.constant 0 : i32
      %dma_wait3A_275 = arith.constant 0 : i32
      %dma_wait3A_276 = tpu.memref_slice %arg9[%dma_wait3A, %dma_wait3A_275] : memref<80x128xf32, #tpu.memory_space<vmem>> -> memref<64x128xf32, #tpu.memory_space<vmem>>
      %dma_wait3A_277 = arith.constant 0 : i32
      %dma_wait3A_278 = tpu.memref_slice %arg17[%add3A_241, %dma_wait3A_277] : memref<10000x128xf32, #tpu.memory_space<vmem_shared>> -> memref<64x128xf32, #tpu.memory_space<vmem_shared>>
      %dma_wait3A_279 = arith.constant 0 : i32
      %dma_wait3A_280 = tpu.memref_slice %arg17[%add3A_241, %dma_wait3A_279] : memref<10000x128xf32, #tpu.memory_space<vmem_shared>> -> memref<64x128xf32, #tpu.memory_space<vmem_shared>>
      %dma_wait3A_281 = arith.constant 0 : i32
      %dma_wait3A_282 = arith.constant 0 : i32
      %dma_wait3A_283 = tpu.memref_slice %arg9[%dma_wait3A_281, %dma_wait3A_282] : memref<80x128xf32, #tpu.memory_space<vmem>> -> memref<64x128xf32, #tpu.memory_space<vmem>>
      tpu.wait_dma2 semaphore(%run_scoped3A : memref<!tpu.dma_semaphore, #tpu.memory_space<semaphore_mem>>) src(%dma_wait3A_283 : memref<64x128xf32, #tpu.memory_space<vmem>>) dst(%dma_wait3A_280 : memref<64x128xf32, #tpu.memory_space<vmem_shared>>)
      tpu.yield
    }) : () -> ()
    %add3A_242 = arith.constant 560 : i32
    %add3A_243 = arith.addi %mul3A_211, %add3A_242 : i32
    "tpu.region"() ({
      %run_scoped3A = tpu.sem_alloc : memref<!tpu.dma_semaphore, #tpu.memory_space<semaphore_mem>>
      %dma_start3A = arith.constant 0 : i32
      %dma_start3A_266 = arith.constant 0 : i32
      %dma_start3A_267 = tpu.memref_slice %arg10[%dma_start3A, %dma_start3A_266] : memref<80x8xf32, #tpu.memory_space<vmem>> -> memref<64x8xf32, #tpu.memory_space<vmem>>
      %dma_start3A_268 = arith.constant 0 : i32
      %dma_start3A_269 = tpu.memref_slice %arg18[%add3A_243, %dma_start3A_268] : memref<10000x8xf32, #tpu.memory_space<vmem_shared>> -> memref<64x8xf32, #tpu.memory_space<vmem_shared>>
      %dma_start3A_270 = arith.constant 0 : i32
      %dma_start3A_271 = tpu.memref_slice %arg18[%add3A_243, %dma_start3A_270] : memref<10000x8xf32, #tpu.memory_space<vmem_shared>> -> memref<64x8xf32, #tpu.memory_space<vmem_shared>>
      %dma_start3A_272 = arith.constant 0 : i32
      %dma_start3A_273 = arith.constant 0 : i32
      %dma_start3A_274 = tpu.memref_slice %arg10[%dma_start3A_272, %dma_start3A_273] : memref<80x8xf32, #tpu.memory_space<vmem>> -> memref<64x8xf32, #tpu.memory_space<vmem>>
      tpu.enqueue_dma source(%dma_start3A_274 : memref<64x8xf32, #tpu.memory_space<vmem>>) target(%dma_start3A_271 : memref<64x8xf32, #tpu.memory_space<vmem_shared>>) target_semaphore(%run_scoped3A : memref<!tpu.dma_semaphore, #tpu.memory_space<semaphore_mem>>)
      %dma_wait3A = arith.constant 0 : i32
      %dma_wait3A_275 = arith.constant 0 : i32
      %dma_wait3A_276 = tpu.memref_slice %arg10[%dma_wait3A, %dma_wait3A_275] : memref<80x8xf32, #tpu.memory_space<vmem>> -> memref<64x8xf32, #tpu.memory_space<vmem>>
      %dma_wait3A_277 = arith.constant 0 : i32
      %dma_wait3A_278 = tpu.memref_slice %arg18[%add3A_243, %dma_wait3A_277] : memref<10000x8xf32, #tpu.memory_space<vmem_shared>> -> memref<64x8xf32, #tpu.memory_space<vmem_shared>>
      %dma_wait3A_279 = arith.constant 0 : i32
      %dma_wait3A_280 = tpu.memref_slice %arg18[%add3A_243, %dma_wait3A_279] : memref<10000x8xf32, #tpu.memory_space<vmem_shared>> -> memref<64x8xf32, #tpu.memory_space<vmem_shared>>
      %dma_wait3A_281 = arith.constant 0 : i32
      %dma_wait3A_282 = arith.constant 0 : i32
      %dma_wait3A_283 = tpu.memref_slice %arg10[%dma_wait3A_281, %dma_wait3A_282] : memref<80x8xf32, #tpu.memory_space<vmem>> -> memref<64x8xf32, #tpu.memory_space<vmem>>
      tpu.wait_dma2 semaphore(%run_scoped3A : memref<!tpu.dma_semaphore, #tpu.memory_space<semaphore_mem>>) src(%dma_wait3A_283 : memref<64x8xf32, #tpu.memory_space<vmem>>) dst(%dma_wait3A_280 : memref<64x8xf32, #tpu.memory_space<vmem_shared>>)
      tpu.yield
    }) : () -> ()
    %eq3A = arith.constant 15 : i32
    %eq3A_244 = arith.cmpi eq, %arg1, %eq3A : i32
    %convert_element_type3A = arith.extui %eq3A_244 : i1 to i32
    %cond3A = arith.constant 0 : i32
    %cond3A_245 = arith.cmpi ne, %convert_element_type3A, %cond3A : i32
    scf.if %cond3A_245 {
      "tpu.region"() ({
        %run_scoped3A = tpu.sem_alloc : memref<!tpu.dma_semaphore, #tpu.memory_space<semaphore_mem>>
        %dma_start3A = arith.constant 0 : i32
        %dma_start3A_266 = arith.constant 0 : i32
        %dma_start3A_267 = tpu.memref_slice %arg9[%dma_start3A, %dma_start3A_266] : memref<80x128xf32, #tpu.memory_space<vmem>> -> memref<16x128xf32, #tpu.memory_space<vmem>>
        %dma_start3A_268 = arith.constant 9984 : i32
        %dma_start3A_269 = arith.constant 0 : i32
        %dma_start3A_270 = tpu.memref_slice %arg17[%dma_start3A_268, %dma_start3A_269] : memref<10000x128xf32, #tpu.memory_space<vmem_shared>> -> memref<16x128xf32, #tpu.memory_space<vmem_shared>>
        %dma_start3A_271 = arith.constant 9984 : i32
        %dma_start3A_272 = arith.constant 0 : i32
        %dma_start3A_273 = tpu.memref_slice %arg17[%dma_start3A_271, %dma_start3A_272] : memref<10000x128xf32, #tpu.memory_space<vmem_shared>> -> memref<16x128xf32, #tpu.memory_space<vmem_shared>>
        %dma_start3A_274 = arith.constant 0 : i32
        %dma_start3A_275 = arith.constant 0 : i32
        %dma_start3A_276 = tpu.memref_slice %arg9[%dma_start3A_274, %dma_start3A_275] : memref<80x128xf32, #tpu.memory_space<vmem>> -> memref<16x128xf32, #tpu.memory_space<vmem>>
        tpu.enqueue_dma source(%dma_start3A_276 : memref<16x128xf32, #tpu.memory_space<vmem>>) target(%dma_start3A_273 : memref<16x128xf32, #tpu.memory_space<vmem_shared>>) target_semaphore(%run_scoped3A : memref<!tpu.dma_semaphore, #tpu.memory_space<semaphore_mem>>)
        %dma_wait3A = arith.constant 0 : i32
        %dma_wait3A_277 = arith.constant 0 : i32
        %dma_wait3A_278 = tpu.memref_slice %arg9[%dma_wait3A, %dma_wait3A_277] : memref<80x128xf32, #tpu.memory_space<vmem>> -> memref<16x128xf32, #tpu.memory_space<vmem>>
        %dma_wait3A_279 = arith.constant 9984 : i32
        %dma_wait3A_280 = arith.constant 0 : i32
        %dma_wait3A_281 = tpu.memref_slice %arg17[%dma_wait3A_279, %dma_wait3A_280] : memref<10000x128xf32, #tpu.memory_space<vmem_shared>> -> memref<16x128xf32, #tpu.memory_space<vmem_shared>>
        %dma_wait3A_282 = arith.constant 9984 : i32
        %dma_wait3A_283 = arith.constant 0 : i32
        %dma_wait3A_284 = tpu.memref_slice %arg17[%dma_wait3A_282, %dma_wait3A_283] : memref<10000x128xf32, #tpu.memory_space<vmem_shared>> -> memref<16x128xf32, #tpu.memory_space<vmem_shared>>
        %dma_wait3A_285 = arith.constant 0 : i32
        %dma_wait3A_286 = arith.constant 0 : i32
        %dma_wait3A_287 = tpu.memref_slice %arg9[%dma_wait3A_285, %dma_wait3A_286] : memref<80x128xf32, #tpu.memory_space<vmem>> -> memref<16x128xf32, #tpu.memory_space<vmem>>
        tpu.wait_dma2 semaphore(%run_scoped3A : memref<!tpu.dma_semaphore, #tpu.memory_space<semaphore_mem>>) src(%dma_wait3A_287 : memref<16x128xf32, #tpu.memory_space<vmem>>) dst(%dma_wait3A_284 : memref<16x128xf32, #tpu.memory_space<vmem_shared>>)
        tpu.yield
      }) : () -> ()
      "tpu.region"() ({
        %run_scoped3A = tpu.sem_alloc : memref<!tpu.dma_semaphore, #tpu.memory_space<semaphore_mem>>
        %dma_start3A = arith.constant 0 : i32
        %dma_start3A_266 = arith.constant 0 : i32
        %dma_start3A_267 = tpu.memref_slice %arg10[%dma_start3A, %dma_start3A_266] : memref<80x8xf32, #tpu.memory_space<vmem>> -> memref<16x8xf32, #tpu.memory_space<vmem>>
        %dma_start3A_268 = arith.constant 9984 : i32
        %dma_start3A_269 = arith.constant 0 : i32
        %dma_start3A_270 = tpu.memref_slice %arg18[%dma_start3A_268, %dma_start3A_269] : memref<10000x8xf32, #tpu.memory_space<vmem_shared>> -> memref<16x8xf32, #tpu.memory_space<vmem_shared>>
        %dma_start3A_271 = arith.constant 9984 : i32
        %dma_start3A_272 = arith.constant 0 : i32
        %dma_start3A_273 = tpu.memref_slice %arg18[%dma_start3A_271, %dma_start3A_272] : memref<10000x8xf32, #tpu.memory_space<vmem_shared>> -> memref<16x8xf32, #tpu.memory_space<vmem_shared>>
        %dma_start3A_274 = arith.constant 0 : i32
        %dma_start3A_275 = arith.constant 0 : i32
        %dma_start3A_276 = tpu.memref_slice %arg10[%dma_start3A_274, %dma_start3A_275] : memref<80x8xf32, #tpu.memory_space<vmem>> -> memref<16x8xf32, #tpu.memory_space<vmem>>
        tpu.enqueue_dma source(%dma_start3A_276 : memref<16x8xf32, #tpu.memory_space<vmem>>) target(%dma_start3A_273 : memref<16x8xf32, #tpu.memory_space<vmem_shared>>) target_semaphore(%run_scoped3A : memref<!tpu.dma_semaphore, #tpu.memory_space<semaphore_mem>>)
        %dma_wait3A = arith.constant 0 : i32
        %dma_wait3A_277 = arith.constant 0 : i32
        %dma_wait3A_278 = tpu.memref_slice %arg10[%dma_wait3A, %dma_wait3A_277] : memref<80x8xf32, #tpu.memory_space<vmem>> -> memref<16x8xf32, #tpu.memory_space<vmem>>
        %dma_wait3A_279 = arith.constant 9984 : i32
        %dma_wait3A_280 = arith.constant 0 : i32
        %dma_wait3A_281 = tpu.memref_slice %arg18[%dma_wait3A_279, %dma_wait3A_280] : memref<10000x8xf32, #tpu.memory_space<vmem_shared>> -> memref<16x8xf32, #tpu.memory_space<vmem_shared>>
        %dma_wait3A_282 = arith.constant 9984 : i32
        %dma_wait3A_283 = arith.constant 0 : i32
        %dma_wait3A_284 = tpu.memref_slice %arg18[%dma_wait3A_282, %dma_wait3A_283] : memref<10000x8xf32, #tpu.memory_space<vmem_shared>> -> memref<16x8xf32, #tpu.memory_space<vmem_shared>>
        %dma_wait3A_285 = arith.constant 0 : i32
        %dma_wait3A_286 = arith.constant 0 : i32
        %dma_wait3A_287 = tpu.memref_slice %arg10[%dma_wait3A_285, %dma_wait3A_286] : memref<80x8xf32, #tpu.memory_space<vmem>> -> memref<16x8xf32, #tpu.memory_space<vmem>>
        tpu.wait_dma2 semaphore(%run_scoped3A : memref<!tpu.dma_semaphore, #tpu.memory_space<semaphore_mem>>) src(%dma_wait3A_287 : memref<16x8xf32, #tpu.memory_space<vmem>>) dst(%dma_wait3A_284 : memref<16x8xf32, #tpu.memory_space<vmem_shared>>)
        tpu.yield
      }) : () -> ()
    } else {
    }
    "tpu.region"() ({
      %run_scoped3A = tpu.sem_alloc : memref<!tpu.dma_semaphore, #tpu.memory_space<semaphore_mem>>
      tpu.enqueue_dma source(%arg6 : memref<64xf32, #tpu.memory_space<hbm>>) target(%arg16 : memref<64xf32, #tpu.memory_space<vmem>>) target_semaphore(%run_scoped3A : memref<!tpu.dma_semaphore, #tpu.memory_space<semaphore_mem>>)
      tpu.wait_dma2 semaphore(%run_scoped3A : memref<!tpu.dma_semaphore, #tpu.memory_space<semaphore_mem>>) src(%arg6 : memref<64xf32, #tpu.memory_space<hbm>>) dst(%arg16 : memref<64xf32, #tpu.memory_space<vmem>>)
      tpu.yield
    }) : () -> ()
    %get3A = arith.constant 0 : index
    %get3A_246 = tpu.vector_load %arg16[%get3A] {strides = array<i32>} : memref<64xf32, #tpu.memory_space<vmem>>, vector<16xf32>,
    %get3A_247 = arith.constant 16 : index
    %get3A_248 = tpu.vector_load %arg16[%get3A_247] {strides = array<i32>} : memref<64xf32, #tpu.memory_space<vmem>>, vector<16xf32>,
    %get3A_249 = arith.constant 32 : index
    %get3A_250 = tpu.vector_load %arg16[%get3A_249] {strides = array<i32>} : memref<64xf32, #tpu.memory_space<vmem>>, vector<16xf32>,
    %get3A_251 = arith.constant 48 : index
    %get3A_252 = tpu.vector_load %arg16[%get3A_251] {strides = array<i32>} : memref<64xf32, #tpu.memory_space<vmem>>, vector<16xf32>,
    %barrier3A = arith.constant 0 : index
    tpu.barrier barrier_id(%barrier3A)
    %scan3A_253 = arith.constant 0 : i32
    %scan3A_254 = arith.constant 0 : i32
    %scan3A_255 = arith.constant 125 : i32
    %scan3A_256 = arith.addi %scan3A_254, %scan3A_255 : i32
    %scan3A_257 = arith.constant 1 : i32
    %scan3A_258 = scf.for %scan3A_266 = %scan3A_254 to %scan3A_256 step %scan3A_257 iter_args(%scan3A_267 = %scan3A_253) -> (i32)  : i32 {
      %mul3A_268 = arith.constant 10000 : i32
      %mul3A_269 = arith.muli %add3A, %mul3A_268 : i32
      %mul3A_270 = arith.constant 80 : i32
      %mul3A_271 = arith.muli %scan3A_266, %mul3A_270 : i32
      %add3A_272 = arith.addi %mul3A_269, %mul3A_271 : i32
      "tpu.region"() ({
        %run_scoped3A = tpu.sem_alloc : memref<!tpu.dma_semaphore, #tpu.memory_space<semaphore_mem>>
        %dma_start3A_673 = tpu.memref_slice %arg3[%add3A_272] : memref<320000xi32, #tpu.memory_space<hbm>> -> memref<80xi32, #tpu.memory_space<hbm>>
        %dma_start3A_674 = tpu.memref_slice %arg3[%add3A_272] : memref<320000xi32, #tpu.memory_space<hbm>> -> memref<80xi32, #tpu.memory_space<hbm>>
        tpu.enqueue_dma source(%dma_start3A_674 : memref<80xi32, #tpu.memory_space<hbm>>) target(%arg13 : memref<80xi32, #tpu.memory_space<vmem>>) target_semaphore(%run_scoped3A : memref<!tpu.dma_semaphore, #tpu.memory_space<semaphore_mem>>)
        %dma_wait3A_675 = tpu.memref_slice %arg3[%add3A_272] : memref<320000xi32, #tpu.memory_space<hbm>> -> memref<80xi32, #tpu.memory_space<hbm>>
        %dma_wait3A_676 = tpu.memref_slice %arg3[%add3A_272] : memref<320000xi32, #tpu.memory_space<hbm>> -> memref<80xi32, #tpu.memory_space<hbm>>
        tpu.wait_dma2 semaphore(%run_scoped3A : memref<!tpu.dma_semaphore, #tpu.memory_space<semaphore_mem>>) src(%dma_wait3A_676 : memref<80xi32, #tpu.memory_space<hbm>>) dst(%arg13 : memref<80xi32, #tpu.memory_space<vmem>>)
        tpu.yield
      }) : () -> ()
      "tpu.region"() ({
        %run_scoped3A = tpu.sem_alloc : memref<!tpu.dma_semaphore, #tpu.memory_space<semaphore_mem>>
        %dma_start3A_673 = tpu.memref_slice %arg4[%add3A_272] : memref<320000xi32, #tpu.memory_space<hbm>> -> memref<80xi32, #tpu.memory_space<hbm>>
        %dma_start3A_674 = tpu.memref_slice %arg4[%add3A_272] : memref<320000xi32, #tpu.memory_space<hbm>> -> memref<80xi32, #tpu.memory_space<hbm>>
        tpu.enqueue_dma source(%dma_start3A_674 : memref<80xi32, #tpu.memory_space<hbm>>) target(%arg14 : memref<80xi32, #tpu.memory_space<vmem>>) target_semaphore(%run_scoped3A : memref<!tpu.dma_semaphore, #tpu.memory_space<semaphore_mem>>)
        %dma_wait3A_675 = tpu.memref_slice %arg4[%add3A_272] : memref<320000xi32, #tpu.memory_space<hbm>> -> memref<80xi32, #tpu.memory_space<hbm>>
        %dma_wait3A_676 = tpu.memref_slice %arg4[%add3A_272] : memref<320000xi32, #tpu.memory_space<hbm>> -> memref<80xi32, #tpu.memory_space<hbm>>
        tpu.wait_dma2 semaphore(%run_scoped3A : memref<!tpu.dma_semaphore, #tpu.memory_space<semaphore_mem>>) src(%dma_wait3A_676 : memref<80xi32, #tpu.memory_space<hbm>>) dst(%arg14 : memref<80xi32, #tpu.memory_space<vmem>>)
        tpu.yield
      }) : () -> ()
      %dma_start3A = arith.constant 0 : i32
      %dma_start3A_273 = arith.constant 0 : i32
      %dma_start3A_274 = tpu.memref_slice %arg5[%dma_start3A, %dma_start3A_273] : memref<10000x128xf32, #tpu.memory_space<hbm>> -> memref<10000x128xf32, #tpu.memory_space<hbm>>
      tpu.enqueue_indirect_dma source(%dma_start3A_274 : memref<10000x128xf32, #tpu.memory_space<hbm>>) target(%arg9 : memref<80x128xf32, #tpu.memory_space<vmem>>) offsets(%arg13 : memref<80xi32, #tpu.memory_space<vmem>>) semaphore(%arg19 : memref<!tpu.dma_semaphore, #tpu.memory_space<semaphore_mem>>)
      %dma_start3A_275 = arith.constant 0 : i32
      %dma_start3A_276 = arith.constant 0 : i32
      %dma_start3A_277 = tpu.memref_slice %arg2[%dma_start3A_275, %dma_start3A_276] : memref<10000x16xf32, #tpu.memory_space<hbm>> -> memref<10000x16xf32, #tpu.memory_space<hbm>>
      tpu.enqueue_indirect_dma source(%dma_start3A_277 : memref<10000x16xf32, #tpu.memory_space<hbm>>) target(%arg11 : memref<80x16xf32, #tpu.memory_space<vmem>>) offsets(%arg14 : memref<80xi32, #tpu.memory_space<vmem>>) semaphore(%arg20 : memref<!tpu.dma_semaphore, #tpu.memory_space<semaphore_mem>>)
      %dma_start3A_278 = arith.constant 0 : i32
      %dma_start3A_279 = arith.constant 0 : i32
      %dma_start3A_280 = tpu.memref_slice %arg2[%dma_start3A_278, %dma_start3A_279] : memref<10000x16xf32, #tpu.memory_space<hbm>> -> memref<10000x16xf32, #tpu.memory_space<hbm>>
      tpu.enqueue_indirect_dma source(%dma_start3A_280 : memref<10000x16xf32, #tpu.memory_space<hbm>>) target(%arg12 : memref<80x16xf32, #tpu.memory_space<vmem>>) offsets(%arg13 : memref<80xi32, #tpu.memory_space<vmem>>) semaphore(%arg21 : memref<!tpu.dma_semaphore, #tpu.memory_space<semaphore_mem>>)
      %dma_wait3A = arith.constant 0 : i32
      %dma_wait3A_281 = arith.constant 0 : i32
      %dma_wait3A_282 = tpu.memref_slice %arg2[%dma_wait3A, %dma_wait3A_281] : memref<10000x16xf32, #tpu.memory_space<hbm>> -> memref<10000x16xf32, #tpu.memory_space<hbm>>
      tpu.wait_indirect_dma semaphore(%arg20 : memref<!tpu.dma_semaphore, #tpu.memory_space<semaphore_mem>>) src(%dma_wait3A_282 : memref<10000x16xf32, #tpu.memory_space<hbm>>) dst(%arg11 : memref<80x16xf32, #tpu.memory_space<vmem>>)
      %dma_wait3A_283 = arith.constant 0 : i32
      %dma_wait3A_284 = arith.constant 0 : i32
      %dma_wait3A_285 = tpu.memref_slice %arg2[%dma_wait3A_283, %dma_wait3A_284] : memref<10000x16xf32, #tpu.memory_space<hbm>> -> memref<10000x16xf32, #tpu.memory_space<hbm>>
      tpu.wait_indirect_dma semaphore(%arg21 : memref<!tpu.dma_semaphore, #tpu.memory_space<semaphore_mem>>) src(%dma_wait3A_285 : memref<10000x16xf32, #tpu.memory_space<hbm>>) dst(%arg12 : memref<80x16xf32, #tpu.memory_space<vmem>>)
      %add3A_286 = arith.constant 0 : i32
      %add3A_287 = vector.broadcast %add3A_286 : i32 to vector<16xi32>
      %add3A_288 = arith.addi %iota3A, %add3A_287 : vector<16xi32>
      %broadcast_in_dim3A_289 = arith.constant 0 : i32
      %broadcast_in_dim3A_290 = vector.broadcast %broadcast_in_dim3A_289 : i32 to vector<16xi32>
      %gather3A = tpu.vector_load_idx %arg11[%add3A_288, %broadcast_in_dim3A_290] : memref<80x16xf32, #tpu.memory_space<vmem>>[vector<16xi32>, vector<16xi32>], vector<16xf32>,
      %broadcast_in_dim3A_291 = arith.constant 4 : i32
      %broadcast_in_dim3A_292 = vector.broadcast %broadcast_in_dim3A_291 : i32 to vector<16xi32>
      %gather3A_293 = tpu.vector_load_idx %arg12[%add3A_288, %broadcast_in_dim3A_292] : memref<80x16xf32, #tpu.memory_space<vmem>>[vector<16xi32>, vector<16xi32>], vector<16xf32>,
      %add3A_294 = arith.addf %gather3A, %gather3A_293 : vector<16xf32>
      %ge3A = arith.constant 0.000000e+00 : f32
      %ge3A_295 = vector.broadcast %ge3A : f32 to vector<16xf32>
      %ge3A_296 = arith.cmpf oge, %add3A_294, %ge3A_295 : vector<16xf32>
      %mul3A_297 = arith.constant 2.000000e-01 : f32
      %mul3A_298 = vector.broadcast %mul3A_297 : f32 to vector<16xf32>
      %mul3A_299 = arith.mulf %mul3A_298, %add3A_294 : vector<16xf32>
      %select_n3A = arith.select %ge3A_296, %add3A_294, %mul3A_299 : vector<16xi1>, vector<16xf32>
      %sub3A = arith.subf %select_n3A, %get3A_246 : vector<16xf32>
      %exp3A = math.exp %sub3A : vector<16xf32>
      %broadcast_in_dim3A_300 = arith.constant 4 : i32
      %broadcast_in_dim3A_301 = vector.broadcast %broadcast_in_dim3A_300 : i32 to vector<16xi32>
      tpu.vector_store_idx %arg10[%add3A_288, %broadcast_in_dim3A_301], %exp3A : memref<80x8xf32, #tpu.memory_space<vmem>>[vector<16xi32>, vector<16xi32>], vector<16xf32>,
      %broadcast_in_dim3A_302 = arith.constant 1 : i32
      %broadcast_in_dim3A_303 = vector.broadcast %broadcast_in_dim3A_302 : i32 to vector<16xi32>
      %gather3A_304 = tpu.vector_load_idx %arg11[%add3A_288, %broadcast_in_dim3A_303] : memref<80x16xf32, #tpu.memory_space<vmem>>[vector<16xi32>, vector<16xi32>], vector<16xf32>,
      %broadcast_in_dim3A_305 = arith.constant 5 : i32
      %broadcast_in_dim3A_306 = vector.broadcast %broadcast_in_dim3A_305 : i32 to vector<16xi32>
      %gather3A_307 = tpu.vector_load_idx %arg12[%add3A_288, %broadcast_in_dim3A_306] : memref<80x16xf32, #tpu.memory_space<vmem>>[vector<16xi32>, vector<16xi32>], vector<16xf32>,
      %add3A_308 = arith.addf %gather3A_304, %gather3A_307 : vector<16xf32>
      %ge3A_309 = arith.constant 0.000000e+00 : f32
      %ge3A_310 = vector.broadcast %ge3A_309 : f32 to vector<16xf32>
      %ge3A_311 = arith.cmpf oge, %add3A_308, %ge3A_310 : vector<16xf32>
      %mul3A_312 = arith.constant 2.000000e-01 : f32
      %mul3A_313 = vector.broadcast %mul3A_312 : f32 to vector<16xf32>
      %mul3A_314 = arith.mulf %mul3A_313, %add3A_308 : vector<16xf32>
      %select_n3A_315 = arith.select %ge3A_311, %add3A_308, %mul3A_314 : vector<16xi1>, vector<16xf32>
      %sub3A_316 = arith.subf %select_n3A_315, %get3A_248 : vector<16xf32>
      %exp3A_317 = math.exp %sub3A_316 : vector<16xf32>
      %broadcast_in_dim3A_318 = arith.constant 5 : i32
      %broadcast_in_dim3A_319 = vector.broadcast %broadcast_in_dim3A_318 : i32 to vector<16xi32>
      tpu.vector_store_idx %arg10[%add3A_288, %broadcast_in_dim3A_319], %exp3A_317 : memref<80x8xf32, #tpu.memory_space<vmem>>[vector<16xi32>, vector<16xi32>], vector<16xf32>,
      %broadcast_in_dim3A_320 = arith.constant 2 : i32
      %broadcast_in_dim3A_321 = vector.broadcast %broadcast_in_dim3A_320 : i32 to vector<16xi32>
      %gather3A_322 = tpu.vector_load_idx %arg11[%add3A_288, %broadcast_in_dim3A_321] : memref<80x16xf32, #tpu.memory_space<vmem>>[vector<16xi32>, vector<16xi32>], vector<16xf32>,
      %broadcast_in_dim3A_323 = arith.constant 6 : i32
      %broadcast_in_dim3A_324 = vector.broadcast %broadcast_in_dim3A_323 : i32 to vector<16xi32>
      %gather3A_325 = tpu.vector_load_idx %arg12[%add3A_288, %broadcast_in_dim3A_324] : memref<80x16xf32, #tpu.memory_space<vmem>>[vector<16xi32>, vector<16xi32>], vector<16xf32>,
      %add3A_326 = arith.addf %gather3A_322, %gather3A_325 : vector<16xf32>
      %ge3A_327 = arith.constant 0.000000e+00 : f32
      %ge3A_328 = vector.broadcast %ge3A_327 : f32 to vector<16xf32>
      %ge3A_329 = arith.cmpf oge, %add3A_326, %ge3A_328 : vector<16xf32>
      %mul3A_330 = arith.constant 2.000000e-01 : f32
      %mul3A_331 = vector.broadcast %mul3A_330 : f32 to vector<16xf32>
      %mul3A_332 = arith.mulf %mul3A_331, %add3A_326 : vector<16xf32>
      %select_n3A_333 = arith.select %ge3A_329, %add3A_326, %mul3A_332 : vector<16xi1>, vector<16xf32>
      %sub3A_334 = arith.subf %select_n3A_333, %get3A_250 : vector<16xf32>
      %exp3A_335 = math.exp %sub3A_334 : vector<16xf32>
      %broadcast_in_dim3A_336 = arith.constant 6 : i32
      %broadcast_in_dim3A_337 = vector.broadcast %broadcast_in_dim3A_336 : i32 to vector<16xi32>
      tpu.vector_store_idx %arg10[%add3A_288, %broadcast_in_dim3A_337], %exp3A_335 : memref<80x8xf32, #tpu.memory_space<vmem>>[vector<16xi32>, vector<16xi32>], vector<16xf32>,
      %broadcast_in_dim3A_338 = arith.constant 3 : i32
      %broadcast_in_dim3A_339 = vector.broadcast %broadcast_in_dim3A_338 : i32 to vector<16xi32>
      %gather3A_340 = tpu.vector_load_idx %arg11[%add3A_288, %broadcast_in_dim3A_339] : memref<80x16xf32, #tpu.memory_space<vmem>>[vector<16xi32>, vector<16xi32>], vector<16xf32>,
      %broadcast_in_dim3A_341 = arith.constant 7 : i32
      %broadcast_in_dim3A_342 = vector.broadcast %broadcast_in_dim3A_341 : i32 to vector<16xi32>
      %gather3A_343 = tpu.vector_load_idx %arg12[%add3A_288, %broadcast_in_dim3A_342] : memref<80x16xf32, #tpu.memory_space<vmem>>[vector<16xi32>, vector<16xi32>], vector<16xf32>,
      %add3A_344 = arith.addf %gather3A_340, %gather3A_343 : vector<16xf32>
      %ge3A_345 = arith.constant 0.000000e+00 : f32
      %ge3A_346 = vector.broadcast %ge3A_345 : f32 to vector<16xf32>
      %ge3A_347 = arith.cmpf oge, %add3A_344, %ge3A_346 : vector<16xf32>
      %mul3A_348 = arith.constant 2.000000e-01 : f32
      %mul3A_349 = vector.broadcast %mul3A_348 : f32 to vector<16xf32>
      %mul3A_350 = arith.mulf %mul3A_349, %add3A_344 : vector<16xf32>
      %select_n3A_351 = arith.select %ge3A_347, %add3A_344, %mul3A_350 : vector<16xi1>, vector<16xf32>
      %sub3A_352 = arith.subf %select_n3A_351, %get3A_252 : vector<16xf32>
      %exp3A_353 = math.exp %sub3A_352 : vector<16xf32>
      %broadcast_in_dim3A_354 = arith.constant 7 : i32
      %broadcast_in_dim3A_355 = vector.broadcast %broadcast_in_dim3A_354 : i32 to vector<16xi32>
      tpu.vector_store_idx %arg10[%add3A_288, %broadcast_in_dim3A_355], %exp3A_353 : memref<80x8xf32, #tpu.memory_space<vmem>>[vector<16xi32>, vector<16xi32>], vector<16xf32>,
      %add3A_356 = arith.constant 16 : i32
      %add3A_357 = vector.broadcast %add3A_356 : i32 to vector<16xi32>
      %add3A_358 = arith.addi %iota3A, %add3A_357 : vector<16xi32>
      %broadcast_in_dim3A_359 = arith.constant 0 : i32
      %broadcast_in_dim3A_360 = vector.broadcast %broadcast_in_dim3A_359 : i32 to vector<16xi32>
      %gather3A_361 = tpu.vector_load_idx %arg11[%add3A_358, %broadcast_in_dim3A_360] : memref<80x16xf32, #tpu.memory_space<vmem>>[vector<16xi32>, vector<16xi32>], vector<16xf32>,
      %broadcast_in_dim3A_362 = arith.constant 4 : i32
      %broadcast_in_dim3A_363 = vector.broadcast %broadcast_in_dim3A_362 : i32 to vector<16xi32>
      %gather3A_364 = tpu.vector_load_idx %arg12[%add3A_358, %broadcast_in_dim3A_363] : memref<80x16xf32, #tpu.memory_space<vmem>>[vector<16xi32>, vector<16xi32>], vector<16xf32>,
      %add3A_365 = arith.addf %gather3A_361, %gather3A_364 : vector<16xf32>
      %ge3A_366 = arith.constant 0.000000e+00 : f32
      %ge3A_367 = vector.broadcast %ge3A_366 : f32 to vector<16xf32>
      %ge3A_368 = arith.cmpf oge, %add3A_365, %ge3A_367 : vector<16xf32>
      %mul3A_369 = arith.constant 2.000000e-01 : f32
      %mul3A_370 = vector.broadcast %mul3A_369 : f32 to vector<16xf32>
      %mul3A_371 = arith.mulf %mul3A_370, %add3A_365 : vector<16xf32>
      %select_n3A_372 = arith.select %ge3A_368, %add3A_365, %mul3A_371 : vector<16xi1>, vector<16xf32>
      %sub3A_373 = arith.subf %select_n3A_372, %get3A_246 : vector<16xf32>
      %exp3A_374 = math.exp %sub3A_373 : vector<16xf32>
      %broadcast_in_dim3A_375 = arith.constant 4 : i32
      %broadcast_in_dim3A_376 = vector.broadcast %broadcast_in_dim3A_375 : i32 to vector<16xi32>
      tpu.vector_store_idx %arg10[%add3A_358, %broadcast_in_dim3A_376], %exp3A_374 : memref<80x8xf32, #tpu.memory_space<vmem>>[vector<16xi32>, vector<16xi32>], vector<16xf32>,
      %broadcast_in_dim3A_377 = arith.constant 1 : i32
      %broadcast_in_dim3A_378 = vector.broadcast %broadcast_in_dim3A_377 : i32 to vector<16xi32>
      %gather3A_379 = tpu.vector_load_idx %arg11[%add3A_358, %broadcast_in_dim3A_378] : memref<80x16xf32, #tpu.memory_space<vmem>>[vector<16xi32>, vector<16xi32>], vector<16xf32>,
      %broadcast_in_dim3A_380 = arith.constant 5 : i32
      %broadcast_in_dim3A_381 = vector.broadcast %broadcast_in_dim3A_380 : i32 to vector<16xi32>
      %gather3A_382 = tpu.vector_load_idx %arg12[%add3A_358, %broadcast_in_dim3A_381] : memref<80x16xf32, #tpu.memory_space<vmem>>[vector<16xi32>, vector<16xi32>], vector<16xf32>,
      %add3A_383 = arith.addf %gather3A_379, %gather3A_382 : vector<16xf32>
      %ge3A_384 = arith.constant 0.000000e+00 : f32
      %ge3A_385 = vector.broadcast %ge3A_384 : f32 to vector<16xf32>
      %ge3A_386 = arith.cmpf oge, %add3A_383, %ge3A_385 : vector<16xf32>
      %mul3A_387 = arith.constant 2.000000e-01 : f32
      %mul3A_388 = vector.broadcast %mul3A_387 : f32 to vector<16xf32>
      %mul3A_389 = arith.mulf %mul3A_388, %add3A_383 : vector<16xf32>
      %select_n3A_390 = arith.select %ge3A_386, %add3A_383, %mul3A_389 : vector<16xi1>, vector<16xf32>
      %sub3A_391 = arith.subf %select_n3A_390, %get3A_248 : vector<16xf32>
      %exp3A_392 = math.exp %sub3A_391 : vector<16xf32>
      %broadcast_in_dim3A_393 = arith.constant 5 : i32
      %broadcast_in_dim3A_394 = vector.broadcast %broadcast_in_dim3A_393 : i32 to vector<16xi32>
      tpu.vector_store_idx %arg10[%add3A_358, %broadcast_in_dim3A_394], %exp3A_392 : memref<80x8xf32, #tpu.memory_space<vmem>>[vector<16xi32>, vector<16xi32>], vector<16xf32>,
      %broadcast_in_dim3A_395 = arith.constant 2 : i32
      %broadcast_in_dim3A_396 = vector.broadcast %broadcast_in_dim3A_395 : i32 to vector<16xi32>
      %gather3A_397 = tpu.vector_load_idx %arg11[%add3A_358, %broadcast_in_dim3A_396] : memref<80x16xf32, #tpu.memory_space<vmem>>[vector<16xi32>, vector<16xi32>], vector<16xf32>,
      %broadcast_in_dim3A_398 = arith.constant 6 : i32
      %broadcast_in_dim3A_399 = vector.broadcast %broadcast_in_dim3A_398 : i32 to vector<16xi32>
      %gather3A_400 = tpu.vector_load_idx %arg12[%add3A_358, %broadcast_in_dim3A_399] : memref<80x16xf32, #tpu.memory_space<vmem>>[vector<16xi32>, vector<16xi32>], vector<16xf32>,
      %add3A_401 = arith.addf %gather3A_397, %gather3A_400 : vector<16xf32>
      %ge3A_402 = arith.constant 0.000000e+00 : f32
      %ge3A_403 = vector.broadcast %ge3A_402 : f32 to vector<16xf32>
      %ge3A_404 = arith.cmpf oge, %add3A_401, %ge3A_403 : vector<16xf32>
      %mul3A_405 = arith.constant 2.000000e-01 : f32
      %mul3A_406 = vector.broadcast %mul3A_405 : f32 to vector<16xf32>
      %mul3A_407 = arith.mulf %mul3A_406, %add3A_401 : vector<16xf32>
      %select_n3A_408 = arith.select %ge3A_404, %add3A_401, %mul3A_407 : vector<16xi1>, vector<16xf32>
      %sub3A_409 = arith.subf %select_n3A_408, %get3A_250 : vector<16xf32>
      %exp3A_410 = math.exp %sub3A_409 : vector<16xf32>
      %broadcast_in_dim3A_411 = arith.constant 6 : i32
      %broadcast_in_dim3A_412 = vector.broadcast %broadcast_in_dim3A_411 : i32 to vector<16xi32>
      tpu.vector_store_idx %arg10[%add3A_358, %broadcast_in_dim3A_412], %exp3A_410 : memref<80x8xf32, #tpu.memory_space<vmem>>[vector<16xi32>, vector<16xi32>], vector<16xf32>,
      %broadcast_in_dim3A_413 = arith.constant 3 : i32
      %broadcast_in_dim3A_414 = vector.broadcast %broadcast_in_dim3A_413 : i32 to vector<16xi32>
      %gather3A_415 = tpu.vector_load_idx %arg11[%add3A_358, %broadcast_in_dim3A_414] : memref<80x16xf32, #tpu.memory_space<vmem>>[vector<16xi32>, vector<16xi32>], vector<16xf32>,
      %broadcast_in_dim3A_416 = arith.constant 7 : i32
      %broadcast_in_dim3A_417 = vector.broadcast %broadcast_in_dim3A_416 : i32 to vector<16xi32>
      %gather3A_418 = tpu.vector_load_idx %arg12[%add3A_358, %broadcast_in_dim3A_417] : memref<80x16xf32, #tpu.memory_space<vmem>>[vector<16xi32>, vector<16xi32>], vector<16xf32>,
      %add3A_419 = arith.addf %gather3A_415, %gather3A_418 : vector<16xf32>
      %ge3A_420 = arith.constant 0.000000e+00 : f32
      %ge3A_421 = vector.broadcast %ge3A_420 : f32 to vector<16xf32>
      %ge3A_422 = arith.cmpf oge, %add3A_419, %ge3A_421 : vector<16xf32>
      %mul3A_423 = arith.constant 2.000000e-01 : f32
      %mul3A_424 = vector.broadcast %mul3A_423 : f32 to vector<16xf32>
      %mul3A_425 = arith.mulf %mul3A_424, %add3A_419 : vector<16xf32>
      %select_n3A_426 = arith.select %ge3A_422, %add3A_419, %mul3A_425 : vector<16xi1>, vector<16xf32>
      %sub3A_427 = arith.subf %select_n3A_426, %get3A_252 : vector<16xf32>
      %exp3A_428 = math.exp %sub3A_427 : vector<16xf32>
      %broadcast_in_dim3A_429 = arith.constant 7 : i32
      %broadcast_in_dim3A_430 = vector.broadcast %broadcast_in_dim3A_429 : i32 to vector<16xi32>
      tpu.vector_store_idx %arg10[%add3A_358, %broadcast_in_dim3A_430], %exp3A_428 : memref<80x8xf32, #tpu.memory_space<vmem>>[vector<16xi32>, vector<16xi32>], vector<16xf32>,
      %add3A_431 = arith.constant 32 : i32
      %add3A_432 = vector.broadcast %add3A_431 : i32 to vector<16xi32>
      %add3A_433 = arith.addi %iota3A, %add3A_432 : vector<16xi32>
      %broadcast_in_dim3A_434 = arith.constant 0 : i32
      %broadcast_in_dim3A_435 = vector.broadcast %broadcast_in_dim3A_434 : i32 to vector<16xi32>
      %gather3A_436 = tpu.vector_load_idx %arg11[%add3A_433, %broadcast_in_dim3A_435] : memref<80x16xf32, #tpu.memory_space<vmem>>[vector<16xi32>, vector<16xi32>], vector<16xf32>,
      %broadcast_in_dim3A_437 = arith.constant 4 : i32
      %broadcast_in_dim3A_438 = vector.broadcast %broadcast_in_dim3A_437 : i32 to vector<16xi32>
      %gather3A_439 = tpu.vector_load_idx %arg12[%add3A_433, %broadcast_in_dim3A_438] : memref<80x16xf32, #tpu.memory_space<vmem>>[vector<16xi32>, vector<16xi32>], vector<16xf32>,
      %add3A_440 = arith.addf %gather3A_436, %gather3A_439 : vector<16xf32>
      %ge3A_441 = arith.constant 0.000000e+00 : f32
      %ge3A_442 = vector.broadcast %ge3A_441 : f32 to vector<16xf32>
      %ge3A_443 = arith.cmpf oge, %add3A_440, %ge3A_442 : vector<16xf32>
      %mul3A_444 = arith.constant 2.000000e-01 : f32
      %mul3A_445 = vector.broadcast %mul3A_444 : f32 to vector<16xf32>
      %mul3A_446 = arith.mulf %mul3A_445, %add3A_440 : vector<16xf32>
      %select_n3A_447 = arith.select %ge3A_443, %add3A_440, %mul3A_446 : vector<16xi1>, vector<16xf32>
      %sub3A_448 = arith.subf %select_n3A_447, %get3A_246 : vector<16xf32>
      %exp3A_449 = math.exp %sub3A_448 : vector<16xf32>
      %broadcast_in_dim3A_450 = arith.constant 4 : i32
      %broadcast_in_dim3A_451 = vector.broadcast %broadcast_in_dim3A_450 : i32 to vector<16xi32>
      tpu.vector_store_idx %arg10[%add3A_433, %broadcast_in_dim3A_451], %exp3A_449 : memref<80x8xf32, #tpu.memory_space<vmem>>[vector<16xi32>, vector<16xi32>], vector<16xf32>,
      %broadcast_in_dim3A_452 = arith.constant 1 : i32
      %broadcast_in_dim3A_453 = vector.broadcast %broadcast_in_dim3A_452 : i32 to vector<16xi32>
      %gather3A_454 = tpu.vector_load_idx %arg11[%add3A_433, %broadcast_in_dim3A_453] : memref<80x16xf32, #tpu.memory_space<vmem>>[vector<16xi32>, vector<16xi32>], vector<16xf32>,
      %broadcast_in_dim3A_455 = arith.constant 5 : i32
      %broadcast_in_dim3A_456 = vector.broadcast %broadcast_in_dim3A_455 : i32 to vector<16xi32>
      %gather3A_457 = tpu.vector_load_idx %arg12[%add3A_433, %broadcast_in_dim3A_456] : memref<80x16xf32, #tpu.memory_space<vmem>>[vector<16xi32>, vector<16xi32>], vector<16xf32>,
      %add3A_458 = arith.addf %gather3A_454, %gather3A_457 : vector<16xf32>
      %ge3A_459 = arith.constant 0.000000e+00 : f32
      %ge3A_460 = vector.broadcast %ge3A_459 : f32 to vector<16xf32>
      %ge3A_461 = arith.cmpf oge, %add3A_458, %ge3A_460 : vector<16xf32>
      %mul3A_462 = arith.constant 2.000000e-01 : f32
      %mul3A_463 = vector.broadcast %mul3A_462 : f32 to vector<16xf32>
      %mul3A_464 = arith.mulf %mul3A_463, %add3A_458 : vector<16xf32>
      %select_n3A_465 = arith.select %ge3A_461, %add3A_458, %mul3A_464 : vector<16xi1>, vector<16xf32>
      %sub3A_466 = arith.subf %select_n3A_465, %get3A_248 : vector<16xf32>
      %exp3A_467 = math.exp %sub3A_466 : vector<16xf32>
      %broadcast_in_dim3A_468 = arith.constant 5 : i32
      %broadcast_in_dim3A_469 = vector.broadcast %broadcast_in_dim3A_468 : i32 to vector<16xi32>
      tpu.vector_store_idx %arg10[%add3A_433, %broadcast_in_dim3A_469], %exp3A_467 : memref<80x8xf32, #tpu.memory_space<vmem>>[vector<16xi32>, vector<16xi32>], vector<16xf32>,
      %broadcast_in_dim3A_470 = arith.constant 2 : i32
      %broadcast_in_dim3A_471 = vector.broadcast %broadcast_in_dim3A_470 : i32 to vector<16xi32>
      %gather3A_472 = tpu.vector_load_idx %arg11[%add3A_433, %broadcast_in_dim3A_471] : memref<80x16xf32, #tpu.memory_space<vmem>>[vector<16xi32>, vector<16xi32>], vector<16xf32>,
      %broadcast_in_dim3A_473 = arith.constant 6 : i32
      %broadcast_in_dim3A_474 = vector.broadcast %broadcast_in_dim3A_473 : i32 to vector<16xi32>
      %gather3A_475 = tpu.vector_load_idx %arg12[%add3A_433, %broadcast_in_dim3A_474] : memref<80x16xf32, #tpu.memory_space<vmem>>[vector<16xi32>, vector<16xi32>], vector<16xf32>,
      %add3A_476 = arith.addf %gather3A_472, %gather3A_475 : vector<16xf32>
      %ge3A_477 = arith.constant 0.000000e+00 : f32
      %ge3A_478 = vector.broadcast %ge3A_477 : f32 to vector<16xf32>
      %ge3A_479 = arith.cmpf oge, %add3A_476, %ge3A_478 : vector<16xf32>
      %mul3A_480 = arith.constant 2.000000e-01 : f32
      %mul3A_481 = vector.broadcast %mul3A_480 : f32 to vector<16xf32>
      %mul3A_482 = arith.mulf %mul3A_481, %add3A_476 : vector<16xf32>
      %select_n3A_483 = arith.select %ge3A_479, %add3A_476, %mul3A_482 : vector<16xi1>, vector<16xf32>
      %sub3A_484 = arith.subf %select_n3A_483, %get3A_250 : vector<16xf32>
      %exp3A_485 = math.exp %sub3A_484 : vector<16xf32>
      %broadcast_in_dim3A_486 = arith.constant 6 : i32
      %broadcast_in_dim3A_487 = vector.broadcast %broadcast_in_dim3A_486 : i32 to vector<16xi32>
      tpu.vector_store_idx %arg10[%add3A_433, %broadcast_in_dim3A_487], %exp3A_485 : memref<80x8xf32, #tpu.memory_space<vmem>>[vector<16xi32>, vector<16xi32>], vector<16xf32>,
      %broadcast_in_dim3A_488 = arith.constant 3 : i32
      %broadcast_in_dim3A_489 = vector.broadcast %broadcast_in_dim3A_488 : i32 to vector<16xi32>
      %gather3A_490 = tpu.vector_load_idx %arg11[%add3A_433, %broadcast_in_dim3A_489] : memref<80x16xf32, #tpu.memory_space<vmem>>[vector<16xi32>, vector<16xi32>], vector<16xf32>,
      %broadcast_in_dim3A_491 = arith.constant 7 : i32
      %broadcast_in_dim3A_492 = vector.broadcast %broadcast_in_dim3A_491 : i32 to vector<16xi32>
      %gather3A_493 = tpu.vector_load_idx %arg12[%add3A_433, %broadcast_in_dim3A_492] : memref<80x16xf32, #tpu.memory_space<vmem>>[vector<16xi32>, vector<16xi32>], vector<16xf32>,
      %add3A_494 = arith.addf %gather3A_490, %gather3A_493 : vector<16xf32>
      %ge3A_495 = arith.constant 0.000000e+00 : f32
      %ge3A_496 = vector.broadcast %ge3A_495 : f32 to vector<16xf32>
      %ge3A_497 = arith.cmpf oge, %add3A_494, %ge3A_496 : vector<16xf32>
      %mul3A_498 = arith.constant 2.000000e-01 : f32
      %mul3A_499 = vector.broadcast %mul3A_498 : f32 to vector<16xf32>
      %mul3A_500 = arith.mulf %mul3A_499, %add3A_494 : vector<16xf32>
      %select_n3A_501 = arith.select %ge3A_497, %add3A_494, %mul3A_500 : vector<16xi1>, vector<16xf32>
      %sub3A_502 = arith.subf %select_n3A_501, %get3A_252 : vector<16xf32>
      %exp3A_503 = math.exp %sub3A_502 : vector<16xf32>
      %broadcast_in_dim3A_504 = arith.constant 7 : i32
      %broadcast_in_dim3A_505 = vector.broadcast %broadcast_in_dim3A_504 : i32 to vector<16xi32>
      tpu.vector_store_idx %arg10[%add3A_433, %broadcast_in_dim3A_505], %exp3A_503 : memref<80x8xf32, #tpu.memory_space<vmem>>[vector<16xi32>, vector<16xi32>], vector<16xf32>,
      %add3A_506 = arith.constant 48 : i32
      %add3A_507 = vector.broadcast %add3A_506 : i32 to vector<16xi32>
      %add3A_508 = arith.addi %iota3A, %add3A_507 : vector<16xi32>
      %broadcast_in_dim3A_509 = arith.constant 0 : i32
      %broadcast_in_dim3A_510 = vector.broadcast %broadcast_in_dim3A_509 : i32 to vector<16xi32>
      %gather3A_511 = tpu.vector_load_idx %arg11[%add3A_508, %broadcast_in_dim3A_510] : memref<80x16xf32, #tpu.memory_space<vmem>>[vector<16xi32>, vector<16xi32>], vector<16xf32>,
      %broadcast_in_dim3A_512 = arith.constant 4 : i32
      %broadcast_in_dim3A_513 = vector.broadcast %broadcast_in_dim3A_512 : i32 to vector<16xi32>
      %gather3A_514 = tpu.vector_load_idx %arg12[%add3A_508, %broadcast_in_dim3A_513] : memref<80x16xf32, #tpu.memory_space<vmem>>[vector<16xi32>, vector<16xi32>], vector<16xf32>,
      %add3A_515 = arith.addf %gather3A_511, %gather3A_514 : vector<16xf32>
      %ge3A_516 = arith.constant 0.000000e+00 : f32
      %ge3A_517 = vector.broadcast %ge3A_516 : f32 to vector<16xf32>
      %ge3A_518 = arith.cmpf oge, %add3A_515, %ge3A_517 : vector<16xf32>
      %mul3A_519 = arith.constant 2.000000e-01 : f32
      %mul3A_520 = vector.broadcast %mul3A_519 : f32 to vector<16xf32>
      %mul3A_521 = arith.mulf %mul3A_520, %add3A_515 : vector<16xf32>
      %select_n3A_522 = arith.select %ge3A_518, %add3A_515, %mul3A_521 : vector<16xi1>, vector<16xf32>
      %sub3A_523 = arith.subf %select_n3A_522, %get3A_246 : vector<16xf32>
      %exp3A_524 = math.exp %sub3A_523 : vector<16xf32>
      %broadcast_in_dim3A_525 = arith.constant 4 : i32
      %broadcast_in_dim3A_526 = vector.broadcast %broadcast_in_dim3A_525 : i32 to vector<16xi32>
      tpu.vector_store_idx %arg10[%add3A_508, %broadcast_in_dim3A_526], %exp3A_524 : memref<80x8xf32, #tpu.memory_space<vmem>>[vector<16xi32>, vector<16xi32>], vector<16xf32>,
      %broadcast_in_dim3A_527 = arith.constant 1 : i32
      %broadcast_in_dim3A_528 = vector.broadcast %broadcast_in_dim3A_527 : i32 to vector<16xi32>
      %gather3A_529 = tpu.vector_load_idx %arg11[%add3A_508, %broadcast_in_dim3A_528] : memref<80x16xf32, #tpu.memory_space<vmem>>[vector<16xi32>, vector<16xi32>], vector<16xf32>,
      %broadcast_in_dim3A_530 = arith.constant 5 : i32
      %broadcast_in_dim3A_531 = vector.broadcast %broadcast_in_dim3A_530 : i32 to vector<16xi32>
      %gather3A_532 = tpu.vector_load_idx %arg12[%add3A_508, %broadcast_in_dim3A_531] : memref<80x16xf32, #tpu.memory_space<vmem>>[vector<16xi32>, vector<16xi32>], vector<16xf32>,
      %add3A_533 = arith.addf %gather3A_529, %gather3A_532 : vector<16xf32>
      %ge3A_534 = arith.constant 0.000000e+00 : f32
      %ge3A_535 = vector.broadcast %ge3A_534 : f32 to vector<16xf32>
      %ge3A_536 = arith.cmpf oge, %add3A_533, %ge3A_535 : vector<16xf32>
      %mul3A_537 = arith.constant 2.000000e-01 : f32
      %mul3A_538 = vector.broadcast %mul3A_537 : f32 to vector<16xf32>
      %mul3A_539 = arith.mulf %mul3A_538, %add3A_533 : vector<16xf32>
      %select_n3A_540 = arith.select %ge3A_536, %add3A_533, %mul3A_539 : vector<16xi1>, vector<16xf32>
      %sub3A_541 = arith.subf %select_n3A_540, %get3A_248 : vector<16xf32>
      %exp3A_542 = math.exp %sub3A_541 : vector<16xf32>
      %broadcast_in_dim3A_543 = arith.constant 5 : i32
      %broadcast_in_dim3A_544 = vector.broadcast %broadcast_in_dim3A_543 : i32 to vector<16xi32>
      tpu.vector_store_idx %arg10[%add3A_508, %broadcast_in_dim3A_544], %exp3A_542 : memref<80x8xf32, #tpu.memory_space<vmem>>[vector<16xi32>, vector<16xi32>], vector<16xf32>,
      %broadcast_in_dim3A_545 = arith.constant 2 : i32
      %broadcast_in_dim3A_546 = vector.broadcast %broadcast_in_dim3A_545 : i32 to vector<16xi32>
      %gather3A_547 = tpu.vector_load_idx %arg11[%add3A_508, %broadcast_in_dim3A_546] : memref<80x16xf32, #tpu.memory_space<vmem>>[vector<16xi32>, vector<16xi32>], vector<16xf32>,
      %broadcast_in_dim3A_548 = arith.constant 6 : i32
      %broadcast_in_dim3A_549 = vector.broadcast %broadcast_in_dim3A_548 : i32 to vector<16xi32>
      %gather3A_550 = tpu.vector_load_idx %arg12[%add3A_508, %broadcast_in_dim3A_549] : memref<80x16xf32, #tpu.memory_space<vmem>>[vector<16xi32>, vector<16xi32>], vector<16xf32>,
      %add3A_551 = arith.addf %gather3A_547, %gather3A_550 : vector<16xf32>
      %ge3A_552 = arith.constant 0.000000e+00 : f32
      %ge3A_553 = vector.broadcast %ge3A_552 : f32 to vector<16xf32>
      %ge3A_554 = arith.cmpf oge, %add3A_551, %ge3A_553 : vector<16xf32>
      %mul3A_555 = arith.constant 2.000000e-01 : f32
      %mul3A_556 = vector.broadcast %mul3A_555 : f32 to vector<16xf32>
      %mul3A_557 = arith.mulf %mul3A_556, %add3A_551 : vector<16xf32>
      %select_n3A_558 = arith.select %ge3A_554, %add3A_551, %mul3A_557 : vector<16xi1>, vector<16xf32>
      %sub3A_559 = arith.subf %select_n3A_558, %get3A_250 : vector<16xf32>
      %exp3A_560 = math.exp %sub3A_559 : vector<16xf32>
      %broadcast_in_dim3A_561 = arith.constant 6 : i32
      %broadcast_in_dim3A_562 = vector.broadcast %broadcast_in_dim3A_561 : i32 to vector<16xi32>
      tpu.vector_store_idx %arg10[%add3A_508, %broadcast_in_dim3A_562], %exp3A_560 : memref<80x8xf32, #tpu.memory_space<vmem>>[vector<16xi32>, vector<16xi32>], vector<16xf32>,
      %broadcast_in_dim3A_563 = arith.constant 3 : i32
      %broadcast_in_dim3A_564 = vector.broadcast %broadcast_in_dim3A_563 : i32 to vector<16xi32>
      %gather3A_565 = tpu.vector_load_idx %arg11[%add3A_508, %broadcast_in_dim3A_564] : memref<80x16xf32, #tpu.memory_space<vmem>>[vector<16xi32>, vector<16xi32>], vector<16xf32>,
      %broadcast_in_dim3A_566 = arith.constant 7 : i32
      %broadcast_in_dim3A_567 = vector.broadcast %broadcast_in_dim3A_566 : i32 to vector<16xi32>
      %gather3A_568 = tpu.vector_load_idx %arg12[%add3A_508, %broadcast_in_dim3A_567] : memref<80x16xf32, #tpu.memory_space<vmem>>[vector<16xi32>, vector<16xi32>], vector<16xf32>,
      %add3A_569 = arith.addf %gather3A_565, %gather3A_568 : vector<16xf32>
      %ge3A_570 = arith.constant 0.000000e+00 : f32
      %ge3A_571 = vector.broadcast %ge3A_570 : f32 to vector<16xf32>
      %ge3A_572 = arith.cmpf oge, %add3A_569, %ge3A_571 : vector<16xf32>
      %mul3A_573 = arith.constant 2.000000e-01 : f32
      %mul3A_574 = vector.broadcast %mul3A_573 : f32 to vector<16xf32>
      %mul3A_575 = arith.mulf %mul3A_574, %add3A_569 : vector<16xf32>
      %select_n3A_576 = arith.select %ge3A_572, %add3A_569, %mul3A_575 : vector<16xi1>, vector<16xf32>
      %sub3A_577 = arith.subf %select_n3A_576, %get3A_252 : vector<16xf32>
      %exp3A_578 = math.exp %sub3A_577 : vector<16xf32>
      %broadcast_in_dim3A_579 = arith.constant 7 : i32
      %broadcast_in_dim3A_580 = vector.broadcast %broadcast_in_dim3A_579 : i32 to vector<16xi32>
      tpu.vector_store_idx %arg10[%add3A_508, %broadcast_in_dim3A_580], %exp3A_578 : memref<80x8xf32, #tpu.memory_space<vmem>>[vector<16xi32>, vector<16xi32>], vector<16xf32>,
      %add3A_581 = arith.constant 64 : i32
      %add3A_582 = vector.broadcast %add3A_581 : i32 to vector<16xi32>
      %add3A_583 = arith.addi %iota3A, %add3A_582 : vector<16xi32>
      %broadcast_in_dim3A_584 = arith.constant 0 : i32
      %broadcast_in_dim3A_585 = vector.broadcast %broadcast_in_dim3A_584 : i32 to vector<16xi32>
      %gather3A_586 = tpu.vector_load_idx %arg11[%add3A_583, %broadcast_in_dim3A_585] : memref<80x16xf32, #tpu.memory_space<vmem>>[vector<16xi32>, vector<16xi32>], vector<16xf32>,
      %broadcast_in_dim3A_587 = arith.constant 4 : i32
      %broadcast_in_dim3A_588 = vector.broadcast %broadcast_in_dim3A_587 : i32 to vector<16xi32>
      %gather3A_589 = tpu.vector_load_idx %arg12[%add3A_583, %broadcast_in_dim3A_588] : memref<80x16xf32, #tpu.memory_space<vmem>>[vector<16xi32>, vector<16xi32>], vector<16xf32>,
      %add3A_590 = arith.addf %gather3A_586, %gather3A_589 : vector<16xf32>
      %ge3A_591 = arith.constant 0.000000e+00 : f32
      %ge3A_592 = vector.broadcast %ge3A_591 : f32 to vector<16xf32>
      %ge3A_593 = arith.cmpf oge, %add3A_590, %ge3A_592 : vector<16xf32>
      %mul3A_594 = arith.constant 2.000000e-01 : f32
      %mul3A_595 = vector.broadcast %mul3A_594 : f32 to vector<16xf32>
      %mul3A_596 = arith.mulf %mul3A_595, %add3A_590 : vector<16xf32>
      %select_n3A_597 = arith.select %ge3A_593, %add3A_590, %mul3A_596 : vector<16xi1>, vector<16xf32>
      %sub3A_598 = arith.subf %select_n3A_597, %get3A_246 : vector<16xf32>
      %exp3A_599 = math.exp %sub3A_598 : vector<16xf32>
      %broadcast_in_dim3A_600 = arith.constant 4 : i32
      %broadcast_in_dim3A_601 = vector.broadcast %broadcast_in_dim3A_600 : i32 to vector<16xi32>
      tpu.vector_store_idx %arg10[%add3A_583, %broadcast_in_dim3A_601], %exp3A_599 : memref<80x8xf32, #tpu.memory_space<vmem>>[vector<16xi32>, vector<16xi32>], vector<16xf32>,
      %broadcast_in_dim3A_602 = arith.constant 1 : i32
      %broadcast_in_dim3A_603 = vector.broadcast %broadcast_in_dim3A_602 : i32 to vector<16xi32>
      %gather3A_604 = tpu.vector_load_idx %arg11[%add3A_583, %broadcast_in_dim3A_603] : memref<80x16xf32, #tpu.memory_space<vmem>>[vector<16xi32>, vector<16xi32>], vector<16xf32>,
      %broadcast_in_dim3A_605 = arith.constant 5 : i32
      %broadcast_in_dim3A_606 = vector.broadcast %broadcast_in_dim3A_605 : i32 to vector<16xi32>
      %gather3A_607 = tpu.vector_load_idx %arg12[%add3A_583, %broadcast_in_dim3A_606] : memref<80x16xf32, #tpu.memory_space<vmem>>[vector<16xi32>, vector<16xi32>], vector<16xf32>,
      %add3A_608 = arith.addf %gather3A_604, %gather3A_607 : vector<16xf32>
      %ge3A_609 = arith.constant 0.000000e+00 : f32
      %ge3A_610 = vector.broadcast %ge3A_609 : f32 to vector<16xf32>
      %ge3A_611 = arith.cmpf oge, %add3A_608, %ge3A_610 : vector<16xf32>
      %mul3A_612 = arith.constant 2.000000e-01 : f32
      %mul3A_613 = vector.broadcast %mul3A_612 : f32 to vector<16xf32>
      %mul3A_614 = arith.mulf %mul3A_613, %add3A_608 : vector<16xf32>
      %select_n3A_615 = arith.select %ge3A_611, %add3A_608, %mul3A_614 : vector<16xi1>, vector<16xf32>
      %sub3A_616 = arith.subf %select_n3A_615, %get3A_248 : vector<16xf32>
      %exp3A_617 = math.exp %sub3A_616 : vector<16xf32>
      %broadcast_in_dim3A_618 = arith.constant 5 : i32
      %broadcast_in_dim3A_619 = vector.broadcast %broadcast_in_dim3A_618 : i32 to vector<16xi32>
      tpu.vector_store_idx %arg10[%add3A_583, %broadcast_in_dim3A_619], %exp3A_617 : memref<80x8xf32, #tpu.memory_space<vmem>>[vector<16xi32>, vector<16xi32>], vector<16xf32>,
      %broadcast_in_dim3A_620 = arith.constant 2 : i32
      %broadcast_in_dim3A_621 = vector.broadcast %broadcast_in_dim3A_620 : i32 to vector<16xi32>
      %gather3A_622 = tpu.vector_load_idx %arg11[%add3A_583, %broadcast_in_dim3A_621] : memref<80x16xf32, #tpu.memory_space<vmem>>[vector<16xi32>, vector<16xi32>], vector<16xf32>,
      %broadcast_in_dim3A_623 = arith.constant 6 : i32
      %broadcast_in_dim3A_624 = vector.broadcast %broadcast_in_dim3A_623 : i32 to vector<16xi32>
      %gather3A_625 = tpu.vector_load_idx %arg12[%add3A_583, %broadcast_in_dim3A_624] : memref<80x16xf32, #tpu.memory_space<vmem>>[vector<16xi32>, vector<16xi32>], vector<16xf32>,
      %add3A_626 = arith.addf %gather3A_622, %gather3A_625 : vector<16xf32>
      %ge3A_627 = arith.constant 0.000000e+00 : f32
      %ge3A_628 = vector.broadcast %ge3A_627 : f32 to vector<16xf32>
      %ge3A_629 = arith.cmpf oge, %add3A_626, %ge3A_628 : vector<16xf32>
      %mul3A_630 = arith.constant 2.000000e-01 : f32
      %mul3A_631 = vector.broadcast %mul3A_630 : f32 to vector<16xf32>
      %mul3A_632 = arith.mulf %mul3A_631, %add3A_626 : vector<16xf32>
      %select_n3A_633 = arith.select %ge3A_629, %add3A_626, %mul3A_632 : vector<16xi1>, vector<16xf32>
      %sub3A_634 = arith.subf %select_n3A_633, %get3A_250 : vector<16xf32>
      %exp3A_635 = math.exp %sub3A_634 : vector<16xf32>
      %broadcast_in_dim3A_636 = arith.constant 6 : i32
      %broadcast_in_dim3A_637 = vector.broadcast %broadcast_in_dim3A_636 : i32 to vector<16xi32>
      tpu.vector_store_idx %arg10[%add3A_583, %broadcast_in_dim3A_637], %exp3A_635 : memref<80x8xf32, #tpu.memory_space<vmem>>[vector<16xi32>, vector<16xi32>], vector<16xf32>,
      %broadcast_in_dim3A_638 = arith.constant 3 : i32
      %broadcast_in_dim3A_639 = vector.broadcast %broadcast_in_dim3A_638 : i32 to vector<16xi32>
      %gather3A_640 = tpu.vector_load_idx %arg11[%add3A_583, %broadcast_in_dim3A_639] : memref<80x16xf32, #tpu.memory_space<vmem>>[vector<16xi32>, vector<16xi32>], vector<16xf32>,
      %broadcast_in_dim3A_641 = arith.constant 7 : i32
      %broadcast_in_dim3A_642 = vector.broadcast %broadcast_in_dim3A_641 : i32 to vector<16xi32>
      %gather3A_643 = tpu.vector_load_idx %arg12[%add3A_583, %broadcast_in_dim3A_642] : memref<80x16xf32, #tpu.memory_space<vmem>>[vector<16xi32>, vector<16xi32>], vector<16xf32>,
      %add3A_644 = arith.addf %gather3A_640, %gather3A_643 : vector<16xf32>
      %ge3A_645 = arith.constant 0.000000e+00 : f32
      %ge3A_646 = vector.broadcast %ge3A_645 : f32 to vector<16xf32>
      %ge3A_647 = arith.cmpf oge, %add3A_644, %ge3A_646 : vector<16xf32>
      %mul3A_648 = arith.constant 2.000000e-01 : f32
      %mul3A_649 = vector.broadcast %mul3A_648 : f32 to vector<16xf32>
      %mul3A_650 = arith.mulf %mul3A_649, %add3A_644 : vector<16xf32>
      %select_n3A_651 = arith.select %ge3A_647, %add3A_644, %mul3A_650 : vector<16xi1>, vector<16xf32>
      %sub3A_652 = arith.subf %select_n3A_651, %get3A_252 : vector<16xf32>
      %exp3A_653 = math.exp %sub3A_652 : vector<16xf32>
      %broadcast_in_dim3A_654 = arith.constant 7 : i32
      %broadcast_in_dim3A_655 = vector.broadcast %broadcast_in_dim3A_654 : i32 to vector<16xi32>
      tpu.vector_store_idx %arg10[%add3A_583, %broadcast_in_dim3A_655], %exp3A_653 : memref<80x8xf32, #tpu.memory_space<vmem>>[vector<16xi32>, vector<16xi32>], vector<16xf32>,
      %dma_start3A_656 = arith.constant 0 : i32
      %dma_start3A_657 = arith.constant 0 : i32
      %dma_start3A_658 = tpu.memref_slice %arg18[%dma_start3A_656, %dma_start3A_657] : memref<10000x8xf32, #tpu.memory_space<vmem_shared>> -> memref<10000x8xf32, #tpu.memory_space<vmem_shared>>
      tpu.enqueue_indirect_dma source(%arg10 : memref<80x8xf32, #tpu.memory_space<vmem>>) target(%dma_start3A_658 : memref<10000x8xf32, #tpu.memory_space<vmem_shared>>) offsets(%arg14 : memref<80xi32, #tpu.memory_space<vmem>>) semaphore(%arg22 : memref<!tpu.dma_semaphore, #tpu.memory_space<semaphore_mem>>) {add = true}
      %dma_wait3A_659 = arith.constant 0 : i32
      %dma_wait3A_660 = arith.constant 0 : i32
      %dma_wait3A_661 = tpu.memref_slice %arg5[%dma_wait3A_659, %dma_wait3A_660] : memref<10000x128xf32, #tpu.memory_space<hbm>> -> memref<10000x128xf32, #tpu.memory_space<hbm>>
      tpu.wait_indirect_dma semaphore(%arg19 : memref<!tpu.dma_semaphore, #tpu.memory_space<semaphore_mem>>) src(%dma_wait3A_661 : memref<10000x128xf32, #tpu.memory_space<hbm>>) dst(%arg9 : memref<80x128xf32, #tpu.memory_space<vmem>>)
      %scan3A_662 = arith.constant 0 : i32
      %scan3A_663 = arith.constant 0 : i32
      %scan3A_664 = arith.constant 80 : i32
      %scan3A_665 = arith.addi %scan3A_663, %scan3A_664 : i32
      %scan3A_666 = arith.constant 1 : i32
      %scan3A_667 = scf.for %scan3A_673 = %scan3A_663 to %scan3A_665 step %scan3A_666 iter_args(%scan3A_674 = %scan3A_662) -> (i32)  : i32 {
        %broadcast_in_dim3A_675 = vector.broadcast %scan3A_673 : i32 to vector<16xi32>
        %broadcast_in_dim3A_676 = arith.constant 4 : i32
        %broadcast_in_dim3A_677 = vector.broadcast %broadcast_in_dim3A_676 : i32 to vector<16xi32>
        %gather3A_678 = tpu.vector_load_idx %arg10[%broadcast_in_dim3A_675, %broadcast_in_dim3A_677] : memref<80x8xf32, #tpu.memory_space<vmem>>[vector<16xi32>, vector<16xi32>], vector<16xf32>,
        %get3A_679 = arith.index_cast %scan3A_673 : i32 to index
        %get3A_680 = arith.constant 0 : index
        %get3A_681 = tpu.vector_load %arg9[%get3A_679, %get3A_680] {strides = array<i32>} : memref<80x128xf32, #tpu.memory_space<vmem>>, vector<16xf32>,
        %mul3A_682 = arith.mulf %get3A_681, %gather3A_678 : vector<16xf32>
        %swap3A = arith.index_cast %scan3A_673 : i32 to index
        %swap3A_683 = arith.constant 0 : index
        %swap3A_684 = tpu.vector_load %arg9[%swap3A, %swap3A_683] {strides = array<i32>} : memref<80x128xf32, #tpu.memory_space<vmem>>, vector<16xf32>,
        tpu.vector_store %arg9[%swap3A, %swap3A_683], %mul3A_682 {strides = array<i32>} : memref<80x128xf32, #tpu.memory_space<vmem>>, vector<16xf32>,
        %get3A_685 = arith.index_cast %scan3A_673 : i32 to index
        %get3A_686 = arith.constant 16 : index
        %get3A_687 = tpu.vector_load %arg9[%get3A_685, %get3A_686] {strides = array<i32>} : memref<80x128xf32, #tpu.memory_space<vmem>>, vector<16xf32>,
        %mul3A_688 = arith.mulf %get3A_687, %gather3A_678 : vector<16xf32>
        %swap3A_689 = arith.index_cast %scan3A_673 : i32 to index
        %swap3A_690 = arith.constant 16 : index
        %swap3A_691 = tpu.vector_load %arg9[%swap3A_689, %swap3A_690] {strides = array<i32>} : memref<80x128xf32, #tpu.memory_space<vmem>>, vector<16xf32>,
        tpu.vector_store %arg9[%swap3A_689, %swap3A_690], %mul3A_688 {strides = array<i32>} : memref<80x128xf32, #tpu.memory_space<vmem>>, vector<16xf32>,
        %broadcast_in_dim3A_692 = vector.broadcast %scan3A_673 : i32 to vector<16xi32>
        %broadcast_in_dim3A_693 = arith.constant 5 : i32
        %broadcast_in_dim3A_694 = vector.broadcast %broadcast_in_dim3A_693 : i32 to vector<16xi32>
        %gather3A_695 = tpu.vector_load_idx %arg10[%broadcast_in_dim3A_692, %broadcast_in_dim3A_694] : memref<80x8xf32, #tpu.memory_space<vmem>>[vector<16xi32>, vector<16xi32>], vector<16xf32>,
        %get3A_696 = arith.index_cast %scan3A_673 : i32 to index
        %get3A_697 = arith.constant 32 : index
        %get3A_698 = tpu.vector_load %arg9[%get3A_696, %get3A_697] {strides = array<i32>} : memref<80x128xf32, #tpu.memory_space<vmem>>, vector<16xf32>,
        %mul3A_699 = arith.mulf %get3A_698, %gather3A_695 : vector<16xf32>
        %swap3A_700 = arith.index_cast %scan3A_673 : i32 to index
        %swap3A_701 = arith.constant 32 : index
        %swap3A_702 = tpu.vector_load %arg9[%swap3A_700, %swap3A_701] {strides = array<i32>} : memref<80x128xf32, #tpu.memory_space<vmem>>, vector<16xf32>,
        tpu.vector_store %arg9[%swap3A_700, %swap3A_701], %mul3A_699 {strides = array<i32>} : memref<80x128xf32, #tpu.memory_space<vmem>>, vector<16xf32>,
        %get3A_703 = arith.index_cast %scan3A_673 : i32 to index
        %get3A_704 = arith.constant 48 : index
        %get3A_705 = tpu.vector_load %arg9[%get3A_703, %get3A_704] {strides = array<i32>} : memref<80x128xf32, #tpu.memory_space<vmem>>, vector<16xf32>,
        %mul3A_706 = arith.mulf %get3A_705, %gather3A_695 : vector<16xf32>
        %swap3A_707 = arith.index_cast %scan3A_673 : i32 to index
        %swap3A_708 = arith.constant 48 : index
        %swap3A_709 = tpu.vector_load %arg9[%swap3A_707, %swap3A_708] {strides = array<i32>} : memref<80x128xf32, #tpu.memory_space<vmem>>, vector<16xf32>,
        tpu.vector_store %arg9[%swap3A_707, %swap3A_708], %mul3A_706 {strides = array<i32>} : memref<80x128xf32, #tpu.memory_space<vmem>>, vector<16xf32>,
        %broadcast_in_dim3A_710 = vector.broadcast %scan3A_673 : i32 to vector<16xi32>
        %broadcast_in_dim3A_711 = arith.constant 6 : i32
        %broadcast_in_dim3A_712 = vector.broadcast %broadcast_in_dim3A_711 : i32 to vector<16xi32>
        %gather3A_713 = tpu.vector_load_idx %arg10[%broadcast_in_dim3A_710, %broadcast_in_dim3A_712] : memref<80x8xf32, #tpu.memory_space<vmem>>[vector<16xi32>, vector<16xi32>], vector<16xf32>,
        %get3A_714 = arith.index_cast %scan3A_673 : i32 to index
        %get3A_715 = arith.constant 64 : index
        %get3A_716 = tpu.vector_load %arg9[%get3A_714, %get3A_715] {strides = array<i32>} : memref<80x128xf32, #tpu.memory_space<vmem>>, vector<16xf32>,
        %mul3A_717 = arith.mulf %get3A_716, %gather3A_713 : vector<16xf32>
        %swap3A_718 = arith.index_cast %scan3A_673 : i32 to index
        %swap3A_719 = arith.constant 64 : index
        %swap3A_720 = tpu.vector_load %arg9[%swap3A_718, %swap3A_719] {strides = array<i32>} : memref<80x128xf32, #tpu.memory_space<vmem>>, vector<16xf32>,
        tpu.vector_store %arg9[%swap3A_718, %swap3A_719], %mul3A_717 {strides = array<i32>} : memref<80x128xf32, #tpu.memory_space<vmem>>, vector<16xf32>,
        %get3A_721 = arith.index_cast %scan3A_673 : i32 to index
        %get3A_722 = arith.constant 80 : index
        %get3A_723 = tpu.vector_load %arg9[%get3A_721, %get3A_722] {strides = array<i32>} : memref<80x128xf32, #tpu.memory_space<vmem>>, vector<16xf32>,
        %mul3A_724 = arith.mulf %get3A_723, %gather3A_713 : vector<16xf32>
        %swap3A_725 = arith.index_cast %scan3A_673 : i32 to index
        %swap3A_726 = arith.constant 80 : index
        %swap3A_727 = tpu.vector_load %arg9[%swap3A_725, %swap3A_726] {strides = array<i32>} : memref<80x128xf32, #tpu.memory_space<vmem>>, vector<16xf32>,
        tpu.vector_store %arg9[%swap3A_725, %swap3A_726], %mul3A_724 {strides = array<i32>} : memref<80x128xf32, #tpu.memory_space<vmem>>, vector<16xf32>,
        %broadcast_in_dim3A_728 = vector.broadcast %scan3A_673 : i32 to vector<16xi32>
        %broadcast_in_dim3A_729 = arith.constant 7 : i32
        %broadcast_in_dim3A_730 = vector.broadcast %broadcast_in_dim3A_729 : i32 to vector<16xi32>
        %gather3A_731 = tpu.vector_load_idx %arg10[%broadcast_in_dim3A_728, %broadcast_in_dim3A_730] : memref<80x8xf32, #tpu.memory_space<vmem>>[vector<16xi32>, vector<16xi32>], vector<16xf32>,
        %get3A_732 = arith.index_cast %scan3A_673 : i32 to index
        %get3A_733 = arith.constant 96 : index
        %get3A_734 = tpu.vector_load %arg9[%get3A_732, %get3A_733] {strides = array<i32>} : memref<80x128xf32, #tpu.memory_space<vmem>>, vector<16xf32>,
        %mul3A_735 = arith.mulf %get3A_734, %gather3A_731 : vector<16xf32>
        %swap3A_736 = arith.index_cast %scan3A_673 : i32 to index
        %swap3A_737 = arith.constant 96 : index
        %swap3A_738 = tpu.vector_load %arg9[%swap3A_736, %swap3A_737] {strides = array<i32>} : memref<80x128xf32, #tpu.memory_space<vmem>>, vector<16xf32>,
        tpu.vector_store %arg9[%swap3A_736, %swap3A_737], %mul3A_735 {strides = array<i32>} : memref<80x128xf32, #tpu.memory_space<vmem>>, vector<16xf32>,
        %get3A_739 = arith.index_cast %scan3A_673 : i32 to index
        %get3A_740 = arith.constant 112 : index
        %get3A_741 = tpu.vector_load %arg9[%get3A_739, %get3A_740] {strides = array<i32>} : memref<80x128xf32, #tpu.memory_space<vmem>>, vector<16xf32>,
        %mul3A_742 = arith.mulf %get3A_741, %gather3A_731 : vector<16xf32>
        %swap3A_743 = arith.index_cast %scan3A_673 : i32 to index
        %swap3A_744 = arith.constant 112 : index
        %swap3A_745 = tpu.vector_load %arg9[%swap3A_743, %swap3A_744] {strides = array<i32>} : memref<80x128xf32, #tpu.memory_space<vmem>>, vector<16xf32>,
        tpu.vector_store %arg9[%swap3A_743, %swap3A_744], %mul3A_742 {strides = array<i32>} : memref<80x128xf32, #tpu.memory_space<vmem>>, vector<16xf32>,
        %scan3A_746 = arith.constant 0 : i32
        scf.yield %scan3A_746 : i32
      }
      %scan3A_668 = arith.constant 80 : i32
      %dma_wait3A_669 = arith.constant 0 : i32
      %dma_wait3A_670 = arith.constant 0 : i32
      %dma_wait3A_671 = tpu.memref_slice %arg18[%dma_wait3A_669, %dma_wait3A_670] : memref<10000x8xf32, #tpu.memory_space<vmem_shared>> -> memref<10000x8xf32, #tpu.memory_space<vmem_shared>>
      tpu.wait_indirect_dma semaphore(%arg22 : memref<!tpu.dma_semaphore, #tpu.memory_space<semaphore_mem>>) src(%arg10 : memref<80x8xf32, #tpu.memory_space<vmem>>) dst(%dma_wait3A_671 : memref<10000x8xf32, #tpu.memory_space<vmem_shared>>)
      "tpu.region"() ({
        %run_scoped3A = tpu.sem_alloc : memref<!tpu.dma_semaphore, #tpu.memory_space<semaphore_mem>>
        %dma_start3A_673 = arith.constant 0 : i32
        %dma_start3A_674 = arith.constant 0 : i32
        %dma_start3A_675 = tpu.memref_slice %arg17[%dma_start3A_673, %dma_start3A_674] : memref<10000x128xf32, #tpu.memory_space<vmem_shared>> -> memref<10000x128xf32, #tpu.memory_space<vmem_shared>>
        tpu.enqueue_indirect_dma source(%arg9 : memref<80x128xf32, #tpu.memory_space<vmem>>) target(%dma_start3A_675 : memref<10000x128xf32, #tpu.memory_space<vmem_shared>>) offsets(%arg14 : memref<80xi32, #tpu.memory_space<vmem>>) semaphore(%run_scoped3A : memref<!tpu.dma_semaphore, #tpu.memory_space<semaphore_mem>>) {add = true}
        %dma_wait3A_676 = arith.constant 0 : i32
        %dma_wait3A_677 = arith.constant 0 : i32
        %dma_wait3A_678 = tpu.memref_slice %arg17[%dma_wait3A_676, %dma_wait3A_677] : memref<10000x128xf32, #tpu.memory_space<vmem_shared>> -> memref<10000x128xf32, #tpu.memory_space<vmem_shared>>
        tpu.wait_indirect_dma semaphore(%run_scoped3A : memref<!tpu.dma_semaphore, #tpu.memory_space<semaphore_mem>>) src(%arg9 : memref<80x128xf32, #tpu.memory_space<vmem>>) dst(%dma_wait3A_678 : memref<10000x128xf32, #tpu.memory_space<vmem_shared>>)
        tpu.yield
      }) : () -> ()
      %scan3A_672 = arith.constant 0 : i32
      scf.yield %scan3A_672 : i32
    }
    %scan3A_259 = arith.constant 125 : i32
    %barrier3A_260 = arith.constant 0 : index
    tpu.barrier barrier_id(%barrier3A_260)
    "tpu.region"() ({
      %run_scoped3A = tpu.sem_alloc : memref<!tpu.dma_semaphore, #tpu.memory_space<semaphore_mem>>
      %dma_start3A = arith.constant 0 : i32
      %dma_start3A_266 = tpu.memref_slice %arg7[%arg0, %mul3A_211, %dma_start3A] : memref<2x10000x128xf32, #tpu.memory_space<hbm>> -> memref<1x624x128xf32, #tpu.memory_space<hbm>>
      %dma_start3A_267 = tpu.memref_squeeze %dma_start3A_266 : memref<1x624x128xf32, #tpu.memory_space<hbm>> -> memref<624x128xf32, #tpu.memory_space<hbm>>
      %dma_start3A_268 = arith.constant 0 : i32
      %dma_start3A_269 = tpu.memref_slice %arg17[%mul3A_211, %dma_start3A_268] : memref<10000x128xf32, #tpu.memory_space<vmem_shared>> -> memref<624x128xf32, #tpu.memory_space<vmem_shared>>
      tpu.enqueue_dma source(%dma_start3A_269 : memref<624x128xf32, #tpu.memory_space<vmem_shared>>) target(%dma_start3A_267 : memref<624x128xf32, #tpu.memory_space<hbm>>) target_semaphore(%run_scoped3A : memref<!tpu.dma_semaphore, #tpu.memory_space<semaphore_mem>>)
      %dma_wait3A = arith.constant 0 : i32
      %dma_wait3A_270 = tpu.memref_slice %arg7[%arg0, %mul3A_211, %dma_wait3A] : memref<2x10000x128xf32, #tpu.memory_space<hbm>> -> memref<1x624x128xf32, #tpu.memory_space<hbm>>
      %dma_wait3A_271 = tpu.memref_squeeze %dma_wait3A_270 : memref<1x624x128xf32, #tpu.memory_space<hbm>> -> memref<624x128xf32, #tpu.memory_space<hbm>>
      %dma_wait3A_272 = arith.constant 0 : i32
      %dma_wait3A_273 = tpu.memref_slice %arg17[%mul3A_211, %dma_wait3A_272] : memref<10000x128xf32, #tpu.memory_space<vmem_shared>> -> memref<624x128xf32, #tpu.memory_space<vmem_shared>>
      tpu.wait_dma2 semaphore(%run_scoped3A : memref<!tpu.dma_semaphore, #tpu.memory_space<semaphore_mem>>) src(%dma_wait3A_273 : memref<624x128xf32, #tpu.memory_space<vmem_shared>>) dst(%dma_wait3A_271 : memref<624x128xf32, #tpu.memory_space<hbm>>)
      tpu.yield
    }) : () -> ()
    "tpu.region"() ({
      %run_scoped3A = tpu.sem_alloc : memref<!tpu.dma_semaphore, #tpu.memory_space<semaphore_mem>>
      %dma_start3A = arith.constant 0 : i32
      %dma_start3A_266 = tpu.memref_slice %arg8[%arg0, %mul3A_211, %dma_start3A] : memref<2x10000x8xf32, #tpu.memory_space<hbm>> -> memref<1x624x8xf32, #tpu.memory_space<hbm>>
      %dma_start3A_267 = tpu.memref_squeeze %dma_start3A_266 : memref<1x624x8xf32, #tpu.memory_space<hbm>> -> memref<624x8xf32, #tpu.memory_space<hbm>>
      %dma_start3A_268 = arith.constant 0 : i32
      %dma_start3A_269 = tpu.memref_slice %arg18[%mul3A_211, %dma_start3A_268] : memref<10000x8xf32, #tpu.memory_space<vmem_shared>> -> memref<624x8xf32, #tpu.memory_space<vmem_shared>>
      tpu.enqueue_dma source(%dma_start3A_269 : memref<624x8xf32, #tpu.memory_space<vmem_shared>>) target(%dma_start3A_267 : memref<624x8xf32, #tpu.memory_space<hbm>>) target_semaphore(%run_scoped3A : memref<!tpu.dma_semaphore, #tpu.memory_space<semaphore_mem>>)
      %dma_wait3A = arith.constant 0 : i32
      %dma_wait3A_270 = tpu.memref_slice %arg8[%arg0, %mul3A_211, %dma_wait3A] : memref<2x10000x8xf32, #tpu.memory_space<hbm>> -> memref<1x624x8xf32, #tpu.memory_space<hbm>>
      %dma_wait3A_271 = tpu.memref_squeeze %dma_wait3A_270 : memref<1x624x8xf32, #tpu.memory_space<hbm>> -> memref<624x8xf32, #tpu.memory_space<hbm>>
      %dma_wait3A_272 = arith.constant 0 : i32
      %dma_wait3A_273 = tpu.memref_slice %arg18[%mul3A_211, %dma_wait3A_272] : memref<10000x8xf32, #tpu.memory_space<vmem_shared>> -> memref<624x8xf32, #tpu.memory_space<vmem_shared>>
      tpu.wait_dma2 semaphore(%run_scoped3A : memref<!tpu.dma_semaphore, #tpu.memory_space<semaphore_mem>>) src(%dma_wait3A_273 : memref<624x8xf32, #tpu.memory_space<vmem_shared>>) dst(%dma_wait3A_271 : memref<624x8xf32, #tpu.memory_space<hbm>>)
      tpu.yield
    }) : () -> ()
    %eq3A_261 = arith.constant 15 : i32
    %eq3A_262 = arith.cmpi eq, %arg1, %eq3A_261 : i32
    %convert_element_type3A_263 = arith.extui %eq3A_262 : i1 to i32
    %cond3A_264 = arith.constant 0 : i32
    %cond3A_265 = arith.cmpi ne, %convert_element_type3A_263, %cond3A_264 : i32
    scf.if %cond3A_265 {
      "tpu.region"() ({
        %run_scoped3A = tpu.sem_alloc : memref<!tpu.dma_semaphore, #tpu.memory_space<semaphore_mem>>
        %dma_start3A = arith.constant 9984 : i32
        %dma_start3A_266 = arith.constant 0 : i32
        %dma_start3A_267 = tpu.memref_slice %arg7[%arg0, %dma_start3A, %dma_start3A_266] : memref<2x10000x128xf32, #tpu.memory_space<hbm>> -> memref<1x16x128xf32, #tpu.memory_space<hbm>>
        %dma_start3A_268 = tpu.memref_squeeze %dma_start3A_267 : memref<1x16x128xf32, #tpu.memory_space<hbm>> -> memref<16x128xf32, #tpu.memory_space<hbm>>
        %dma_start3A_269 = arith.constant 9984 : i32
        %dma_start3A_270 = arith.constant 0 : i32
        %dma_start3A_271 = tpu.memref_slice %arg17[%dma_start3A_269, %dma_start3A_270] : memref<10000x128xf32, #tpu.memory_space<vmem_shared>> -> memref<16x128xf32, #tpu.memory_space<vmem_shared>>
        tpu.enqueue_dma source(%dma_start3A_271 : memref<16x128xf32, #tpu.memory_space<vmem_shared>>) target(%dma_start3A_268 : memref<16x128xf32, #tpu.memory_space<hbm>>) target_semaphore(%run_scoped3A : memref<!tpu.dma_semaphore, #tpu.memory_space<semaphore_mem>>)
        %dma_wait3A = arith.constant 9984 : i32
        %dma_wait3A_272 = arith.constant 0 : i32
        %dma_wait3A_273 = tpu.memref_slice %arg7[%arg0, %dma_wait3A, %dma_wait3A_272] : memref<2x10000x128xf32, #tpu.memory_space<hbm>> -> memref<1x16x128xf32, #tpu.memory_space<hbm>>
        %dma_wait3A_274 = tpu.memref_squeeze %dma_wait3A_273 : memref<1x16x128xf32, #tpu.memory_space<hbm>> -> memref<16x128xf32, #tpu.memory_space<hbm>>
        %dma_wait3A_275 = arith.constant 9984 : i32
        %dma_wait3A_276 = arith.constant 0 : i32
        %dma_wait3A_277 = tpu.memref_slice %arg17[%dma_wait3A_275, %dma_wait3A_276] : memref<10000x128xf32, #tpu.memory_space<vmem_shared>> -> memref<16x128xf32, #tpu.memory_space<vmem_shared>>
        tpu.wait_dma2 semaphore(%run_scoped3A : memref<!tpu.dma_semaphore, #tpu.memory_space<semaphore_mem>>) src(%dma_wait3A_277 : memref<16x128xf32, #tpu.memory_space<vmem_shared>>) dst(%dma_wait3A_274 : memref<16x128xf32, #tpu.memory_space<hbm>>)
        tpu.yield
      }) : () -> ()
      "tpu.region"() ({
        %run_scoped3A = tpu.sem_alloc : memref<!tpu.dma_semaphore, #tpu.memory_space<semaphore_mem>>
        %dma_start3A = arith.constant 9984 : i32
        %dma_start3A_266 = arith.constant 0 : i32
        %dma_start3A_267 = tpu.memref_slice %arg8[%arg0, %dma_start3A, %dma_start3A_266] : memref<2x10000x8xf32, #tpu.memory_space<hbm>> -> memref<1x16x8xf32, #tpu.memory_space<hbm>>
        %dma_start3A_268 = tpu.memref_squeeze %dma_start3A_267 : memref<1x16x8xf32, #tpu.memory_space<hbm>> -> memref<16x8xf32, #tpu.memory_space<hbm>>
        %dma_start3A_269 = arith.constant 9984 : i32
        %dma_start3A_270 = arith.constant 0 : i32
        %dma_start3A_271 = tpu.memref_slice %arg18[%dma_start3A_269, %dma_start3A_270] : memref<10000x8xf32, #tpu.memory_space<vmem_shared>> -> memref<16x8xf32, #tpu.memory_space<vmem_shared>>
        tpu.enqueue_dma source(%dma_start3A_271 : memref<16x8xf32, #tpu.memory_space<vmem_shared>>) target(%dma_start3A_268 : memref<16x8xf32, #tpu.memory_space<hbm>>) target_semaphore(%run_scoped3A : memref<!tpu.dma_semaphore, #tpu.memory_space<semaphore_mem>>)
        %dma_wait3A = arith.constant 9984 : i32
        %dma_wait3A_272 = arith.constant 0 : i32
        %dma_wait3A_273 = tpu.memref_slice %arg8[%arg0, %dma_wait3A, %dma_wait3A_272] : memref<2x10000x8xf32, #tpu.memory_space<hbm>> -> memref<1x16x8xf32, #tpu.memory_space<hbm>>
        %dma_wait3A_274 = tpu.memref_squeeze %dma_wait3A_273 : memref<1x16x8xf32, #tpu.memory_space<hbm>> -> memref<16x8xf32, #tpu.memory_space<hbm>>
        %dma_wait3A_275 = arith.constant 9984 : i32
        %dma_wait3A_276 = arith.constant 0 : i32
        %dma_wait3A_277 = tpu.memref_slice %arg18[%dma_wait3A_275, %dma_wait3A_276] : memref<10000x8xf32, #tpu.memory_space<vmem_shared>> -> memref<16x8xf32, #tpu.memory_space<vmem_shared>>
        tpu.wait_dma2 semaphore(%run_scoped3A : memref<!tpu.dma_semaphore, #tpu.memory_space<semaphore_mem>>) src(%dma_wait3A_277 : memref<16x8xf32, #tpu.memory_space<vmem_shared>>) dst(%dma_wait3A_274 : memref<16x8xf32, #tpu.memory_space<hbm>>)
        tpu.yield
      }) : () -> ()
    } else {
    }
    return
  }
}

module attributes {stable_mosaic.version = 14 : i64} {
  func.func @_pre_body(%arg0: i32, %arg1: memref<1000x128xf32, #tpu.memory_space<vmem>>, %arg2: memref<1000x128xf32, #tpu.memory_space<vmem>>, %arg3: memref<128x128xf32, #tpu.memory_space<vmem>>, %arg4: memref<128x128xf32, #tpu.memory_space<vmem>>, %arg5: memref<256x128xf32, #tpu.memory_space<vmem>>, %arg6: memref<128x1xf32, #tpu.memory_space<vmem>>, %arg7: memref<128x1xf32, #tpu.memory_space<vmem>>, %arg8: memref<1000x16xf32, #tpu.memory_space<vmem>>, %arg9: memref<1000x128xf32, #tpu.memory_space<vmem>>, %arg10: memref<1x4xf32, #tpu.memory_space<vmem>>, %arg11: memref<1x16xf32, #tpu.memory_space<vmem>>) attributes {dimension_semantics = [#tpu.dimension_semantics<arbitrary>], iteration_bounds = array<i64: 10>, scalar_prefetch = 0 : i64, scratch_operands = 1 : i64, tpu.core_type = #tpu.core_type<tc>, window_params = [{transform_indices = @transform_0, window_bounds = array<i64: 1000, 128>}, {transform_indices = @transform_1, window_bounds = array<i64: 1000, 128>}, {pipeline_mode = #tpu.pipeline_mode<synchronous>, transform_indices = @transform_2, window_bounds = array<i64: 128, 128>}, {pipeline_mode = #tpu.pipeline_mode<synchronous>, transform_indices = @transform_3, window_bounds = array<i64: 128, 128>}, {pipeline_mode = #tpu.pipeline_mode<synchronous>, transform_indices = @transform_4, window_bounds = array<i64: 256, 128>}, {pipeline_mode = #tpu.pipeline_mode<synchronous>, transform_indices = @transform_5, window_bounds = array<i64: 128, 1>}, {pipeline_mode = #tpu.pipeline_mode<synchronous>, transform_indices = @transform_6, window_bounds = array<i64: 128, 1>}, {transform_indices = @transform_7, window_bounds = array<i64: 1000, 16>}, {transform_indices = @transform_8, window_bounds = array<i64: 1000, 128>}, {pipeline_mode = #tpu.pipeline_mode<synchronous>, transform_indices = @transform_9, window_bounds = array<i64: 1, 4>}]} {
    %iota3A = tpu.iota {dimensions = array<i32: 0>} : vector<128x16xi32>
    %jit3A = arith.constant 32 : i32
    %div3A = vector.broadcast %jit3A : i32 to vector<128x16xi32>
    %div3A_0 = arith.divsi %iota3A, %div3A : vector<128x16xi32>
    %sign3A = arith.constant 0 : i32
    %sign3A_1 = vector.broadcast %sign3A : i32 to vector<128x16xi32>
    %sign3A_2 = arith.cmpi sgt, %iota3A, %sign3A_1 : vector<128x16xi32>
    %sign3A_3 = arith.extui %sign3A_2 : vector<128x16xi1> to vector<128x16xi32>
    %sign3A_4 = arith.constant 0 : i32
    %sign3A_5 = vector.broadcast %sign3A_4 : i32 to vector<128x16xi32>
    %sign3A_6 = arith.cmpi slt, %iota3A, %sign3A_5 : vector<128x16xi32>
    %sign3A_7 = arith.extui %sign3A_6 : vector<128x16xi1> to vector<128x16xi32>
    %sign3A_8 = arith.subi %sign3A_3, %sign3A_7 : vector<128x16xi32>
    %sign3A_9 = arith.constant 0 : i32
    %sign3A_10 = arith.cmpi sgt, %jit3A, %sign3A_9 : i32
    %sign3A_11 = arith.extui %sign3A_10 : i1 to i32
    %sign3A_12 = arith.constant 0 : i32
    %sign3A_13 = arith.cmpi slt, %jit3A, %sign3A_12 : i32
    %sign3A_14 = arith.extui %sign3A_13 : i1 to i32
    %sign3A_15 = arith.subi %sign3A_11, %sign3A_14 : i32
    %ne3A = vector.broadcast %sign3A_15 : i32 to vector<128x16xi32>
    %ne3A_16 = arith.cmpi ne, %sign3A_8, %ne3A : vector<128x16xi32>
    %rem3A = vector.broadcast %jit3A : i32 to vector<128x16xi32>
    %rem3A_17 = arith.remsi %iota3A, %rem3A : vector<128x16xi32>
    %ne3A_18 = arith.constant 0 : i32
    %ne3A_19 = vector.broadcast %ne3A_18 : i32 to vector<128x16xi32>
    %ne3A_20 = arith.cmpi ne, %rem3A_17, %ne3A_19 : vector<128x16xi32>
    %and3A = arith.andi %ne3A_16, %ne3A_20 : vector<128x16xi1>
    %sub3A = arith.constant 1 : i32
    %sub3A_21 = vector.broadcast %sub3A : i32 to vector<128x16xi32>
    %sub3A_22 = arith.subi %div3A_0, %sub3A_21 : vector<128x16xi32>
    %select_n3A = arith.select %and3A, %sub3A_22, %div3A_0 : vector<128x16xi1>, vector<128x16xi32>
    %iota3A_23 = tpu.iota {dimensions = array<i32: 1>} : vector<128x16xi32>
    %get3A = arith.constant 0 : index
    %get3A_24 = arith.constant 0 : index
    %get3A_25 = vector.load %arg6[%get3A, %get3A_24] : memref<128x1xf32, #tpu.memory_space<vmem>>, vector<128x1xf32>
    %get3A_26 = arith.constant 0 : index
    %get3A_27 = arith.constant 0 : index
    %get3A_28 = vector.load %arg7[%get3A_26, %get3A_27] : memref<128x1xf32, #tpu.memory_space<vmem>>, vector<128x1xf32>
    %eq3A = arith.cmpi eq, %select_n3A, %iota3A_23 : vector<128x16xi32>
    %jit3A_29 = arith.constant 0.000000e+00 : f32
    %broadcast_in_dim3A = vector.shape_cast %get3A_25 : vector<128x1xf32> to vector<128x1xf32>
    %broadcast_in_dim3A_30 = vector.broadcast %broadcast_in_dim3A : vector<128x1xf32> to vector<128x16xf32>
    %broadcast_in_dim3A_31 = vector.broadcast %jit3A_29 : f32 to vector<128x16xf32>
    %select_n3A_32 = arith.select %eq3A, %broadcast_in_dim3A_30, %broadcast_in_dim3A_31 : vector<128x16xi1>, vector<128x16xf32>
    %sub3A_33 = arith.constant 4 : i32
    %sub3A_34 = vector.broadcast %sub3A_33 : i32 to vector<128x16xi32>
    %sub3A_35 = arith.subi %iota3A_23, %sub3A_34 : vector<128x16xi32>
    %eq3A_36 = arith.cmpi eq, %select_n3A, %sub3A_35 : vector<128x16xi32>
    %jit3A_37 = arith.constant 0.000000e+00 : f32
    %broadcast_in_dim3A_38 = vector.shape_cast %get3A_28 : vector<128x1xf32> to vector<128x1xf32>
    %broadcast_in_dim3A_39 = vector.broadcast %broadcast_in_dim3A_38 : vector<128x1xf32> to vector<128x16xf32>
    %broadcast_in_dim3A_40 = vector.broadcast %jit3A_37 : f32 to vector<128x16xf32>
    %select_n3A_41 = arith.select %eq3A_36, %broadcast_in_dim3A_39, %broadcast_in_dim3A_40 : vector<128x16xi1>, vector<128x16xf32>
    %get3A_42 = arith.constant 0 : index
    %get3A_43 = arith.constant 0 : index
    %get3A_44 = vector.load %arg3[%get3A_42, %get3A_43] : memref<128x128xf32, #tpu.memory_space<vmem>>, vector<128x128xf32>
    %dot_general3A = arith.constant dense<0.000000e+00> : vector<128x16xf32>
    %dot_general3A_45 = tpu.matmul %get3A_44, %select_n3A_32, %dot_general3A {dimension_numbers = #tpu.dot_dimension_numbers<[1], [0], [0], [1], [0, 0, 1, 1], [], []>, transpose_lhs_hint = false} : vector<128x128xf32>, vector<128x16xf32>, vector<128x16xf32> -> vector<128x16xf32>
    %get3A_46 = arith.constant 0 : index
    %get3A_47 = arith.constant 0 : index
    %get3A_48 = vector.load %arg4[%get3A_46, %get3A_47] : memref<128x128xf32, #tpu.memory_space<vmem>>, vector<128x128xf32>
    %dot_general3A_49 = arith.constant dense<0.000000e+00> : vector<128x16xf32>
    %dot_general3A_50 = tpu.matmul %get3A_48, %select_n3A_41, %dot_general3A_49 {dimension_numbers = #tpu.dot_dimension_numbers<[1], [0], [0], [1], [0, 0, 1, 1], [], []>, transpose_lhs_hint = false} : vector<128x128xf32>, vector<128x16xf32>, vector<128x16xf32> -> vector<128x16xf32>
    %add3A = arith.addf %dot_general3A_45, %dot_general3A_50 : vector<128x16xf32>
    %get3A_51 = arith.constant 0 : index
    %get3A_52 = arith.constant 0 : index
    %get3A_53 = vector.load %arg2[%get3A_51, %get3A_52] : memref<1000x128xf32, #tpu.memory_space<vmem>>, vector<1000x128xf32>
    %dot_general3A_54 = arith.constant dense<0.000000e+00> : vector<1000x16xf32>
    %dot_general3A_55 = tpu.matmul %get3A_53, %add3A, %dot_general3A_54 {dimension_numbers = #tpu.dot_dimension_numbers<[1], [0], [0], [1], [0, 0, 1, 1], [], []>, transpose_lhs_hint = false} : vector<1000x128xf32>, vector<128x16xf32>, vector<1000x16xf32> -> vector<1000x16xf32>
    %swap3A = arith.constant 0 : index
    %swap3A_56 = arith.constant 0 : index
    %swap3A_57 = vector.load %arg8[%swap3A, %swap3A_56] : memref<1000x16xf32, #tpu.memory_space<vmem>>, vector<1000x16xf32>
    tpu.vector_store %arg8[%swap3A, %swap3A_56], %dot_general3A_55 {strides = array<i32>} : memref<1000x16xf32, #tpu.memory_space<vmem>>, vector<1000x16xf32>,
    %get3A_58 = arith.constant 0 : index
    %get3A_59 = arith.constant 0 : index
    %get3A_60 = vector.load %arg1[%get3A_58, %get3A_59] : memref<1000x128xf32, #tpu.memory_space<vmem>>, vector<1000x128xf32>
    %get3A_61 = arith.constant 0 : index
    %get3A_62 = arith.constant 0 : index
    %get3A_63 = vector.load %arg5[%get3A_61, %get3A_62] : memref<256x128xf32, #tpu.memory_space<vmem>>, vector<128x128xf32>
    %dot_general3A_64 = arith.constant dense<0.000000e+00> : vector<1000x128xf32>
    %dot_general3A_65 = tpu.matmul %get3A_60, %get3A_63, %dot_general3A_64 {dimension_numbers = #tpu.dot_dimension_numbers<[1], [0], [0], [1], [0, 0, 1, 1], [], []>, transpose_lhs_hint = false} : vector<1000x128xf32>, vector<128x128xf32>, vector<1000x128xf32> -> vector<1000x128xf32>
    %get3A_66 = arith.constant 128 : index
    %get3A_67 = arith.constant 0 : index
    %get3A_68 = vector.load %arg5[%get3A_66, %get3A_67] : memref<256x128xf32, #tpu.memory_space<vmem>>, vector<128x128xf32>
    %dot_general3A_69 = arith.constant dense<0.000000e+00> : vector<1000x128xf32>
    %dot_general3A_70 = tpu.matmul %get3A_53, %get3A_68, %dot_general3A_69 {dimension_numbers = #tpu.dot_dimension_numbers<[1], [0], [0], [1], [0, 0, 1, 1], [], []>, transpose_lhs_hint = false} : vector<1000x128xf32>, vector<128x128xf32>, vector<1000x128xf32> -> vector<1000x128xf32>
    %add3A_71 = arith.addf %dot_general3A_65, %dot_general3A_70 : vector<1000x128xf32>
    %swap3A_72 = arith.constant 0 : index
    %swap3A_73 = arith.constant 0 : index
    %swap3A_74 = vector.load %arg9[%swap3A_72, %swap3A_73] : memref<1000x128xf32, #tpu.memory_space<vmem>>, vector<1000x128xf32>
    tpu.vector_store %arg9[%swap3A_72, %swap3A_73], %add3A_71 {strides = array<i32>} : memref<1000x128xf32, #tpu.memory_space<vmem>>, vector<1000x128xf32>,
    %reduce_max3A = arith.constant dense<0xFF800000> : vector<16xf32>
    %reduce_max3A_75 = vector.multi_reduction <maximumf>, %dot_general3A_55, %reduce_max3A [0] : vector<1000x16xf32> to vector<16xf32>
    %broadcast_in_dim3A_76 = vector.shape_cast %reduce_max3A_75 : vector<16xf32> to vector<1x16xf32>
    %eq3A_77 = arith.constant 0 : i32
    %eq3A_78 = arith.cmpi eq, %arg0, %eq3A_77 : i32
    %convert_element_type3A = arith.extui %eq3A_78 : i1 to i32
    %cond3A = arith.constant 0 : i32
    %cond3A_79 = arith.cmpi ne, %convert_element_type3A, %cond3A : i32
    scf.if %cond3A_79 {
      %swap3A_89 = arith.constant 0 : index
      %swap3A_90 = arith.constant 0 : index
      %swap3A_91 = vector.load %arg11[%swap3A_89, %swap3A_90] : memref<1x16xf32, #tpu.memory_space<vmem>>, vector<1x16xf32>
      tpu.vector_store %arg11[%swap3A_89, %swap3A_90], %broadcast_in_dim3A_76 {strides = array<i32>} : memref<1x16xf32, #tpu.memory_space<vmem>>, vector<1x16xf32>,
    } else {
    }
    %gt3A = arith.constant 0 : i32
    %gt3A_80 = arith.cmpi sgt, %arg0, %gt3A : i32
    %convert_element_type3A_81 = arith.extui %gt3A_80 : i1 to i32
    %cond3A_82 = arith.constant 0 : i32
    %cond3A_83 = arith.cmpi ne, %convert_element_type3A_81, %cond3A_82 : i32
    scf.if %cond3A_83 {
      %get3A_89 = arith.constant 0 : index
      %get3A_90 = arith.constant 0 : index
      %get3A_91 = vector.load %arg11[%get3A_89, %get3A_90] : memref<1x16xf32, #tpu.memory_space<vmem>>, vector<1x16xf32>
      %max3A = arith.maximumf %get3A_91, %broadcast_in_dim3A_76 : vector<1x16xf32>
      %swap3A_92 = arith.constant 0 : index
      %swap3A_93 = arith.constant 0 : index
      %swap3A_94 = vector.load %arg11[%swap3A_92, %swap3A_93] : memref<1x16xf32, #tpu.memory_space<vmem>>, vector<1x16xf32>
      tpu.vector_store %arg11[%swap3A_92, %swap3A_93], %max3A {strides = array<i32>} : memref<1x16xf32, #tpu.memory_space<vmem>>, vector<1x16xf32>,
    } else {
    }
    %eq3A_84 = arith.constant 9 : i32
    %eq3A_85 = arith.cmpi eq, %arg0, %eq3A_84 : i32
    %convert_element_type3A_86 = arith.extui %eq3A_85 : i1 to i32
    %cond3A_87 = arith.constant 0 : i32
    %cond3A_88 = arith.cmpi ne, %convert_element_type3A_86, %cond3A_87 : i32
    scf.if %cond3A_88 {
      %get3A_89 = arith.constant 0 : index
      %get3A_90 = arith.constant 0 : index
      %get3A_91 = vector.load %arg11[%get3A_89, %get3A_90] : memref<1x16xf32, #tpu.memory_space<vmem>>, vector<1x16xf32>
      %slice3A = vector.extract_strided_slice %get3A_91 {offsets = [0, 0], sizes = [1, 4], strides = [1, 1]} : vector<1x16xf32> to vector<1x4xf32>
      %slice3A_92 = vector.extract_strided_slice %get3A_91 {offsets = [0, 4], sizes = [1, 4], strides = [1, 1]} : vector<1x16xf32> to vector<1x4xf32>
      %add3A_93 = arith.addf %slice3A, %slice3A_92 : vector<1x4xf32>
      %ge3A = arith.constant 0.000000e+00 : f32
      %ge3A_94 = vector.broadcast %ge3A : f32 to vector<1x4xf32>
      %ge3A_95 = arith.cmpf oge, %add3A_93, %ge3A_94 : vector<1x4xf32>
      %mul3A = arith.constant 2.000000e-01 : f32
      %mul3A_96 = vector.broadcast %mul3A : f32 to vector<1x4xf32>
      %mul3A_97 = arith.mulf %mul3A_96, %add3A_93 : vector<1x4xf32>
      %select_n3A_98 = arith.select %ge3A_95, %add3A_93, %mul3A_97 : vector<1x4xi1>, vector<1x4xf32>
      %swap3A_99 = arith.constant 0 : index
      %swap3A_100 = arith.constant 0 : index
      %swap3A_101 = vector.load %arg10[%swap3A_99, %swap3A_100] : memref<1x4xf32, #tpu.memory_space<vmem>>, vector<1x4xf32>
      tpu.vector_store %arg10[%swap3A_99, %swap3A_100], %select_n3A_98 {strides = array<i32>} : memref<1x4xf32, #tpu.memory_space<vmem>>, vector<1x4xf32>,
    } else {
    }
    return
  }
  func.func @transform_0(%arg0: i32) -> (i32, i32) {
    %c0_i32 = arith.constant 0 : i32
    %c0_i32_0 = arith.constant 0 : i32
    return %arg0, %c0_i32 : i32, i32
  }
  func.func @transform_1(%arg0: i32) -> (i32, i32) {
    %c0_i32 = arith.constant 0 : i32
    %c0_i32_0 = arith.constant 0 : i32
    return %arg0, %c0_i32 : i32, i32
  }
  func.func @transform_2(%arg0: i32) -> (i32, i32) {
    %c0_i32 = arith.constant 0 : i32
    %c0_i32_0 = arith.constant 0 : i32
    %c0_i32_1 = arith.constant 0 : i32
    return %c0_i32, %c0_i32_0 : i32, i32
  }
  func.func @transform_3(%arg0: i32) -> (i32, i32) {
    %c0_i32 = arith.constant 0 : i32
    %c0_i32_0 = arith.constant 0 : i32
    %c0_i32_1 = arith.constant 0 : i32
    return %c0_i32, %c0_i32_0 : i32, i32
  }
  func.func @transform_4(%arg0: i32) -> (i32, i32) {
    %c0_i32 = arith.constant 0 : i32
    %c0_i32_0 = arith.constant 0 : i32
    %c0_i32_1 = arith.constant 0 : i32
    return %c0_i32, %c0_i32_0 : i32, i32
  }
  func.func @transform_5(%arg0: i32) -> (i32, i32) {
    %c0_i32 = arith.constant 0 : i32
    %c0_i32_0 = arith.constant 0 : i32
    %c0_i32_1 = arith.constant 0 : i32
    return %c0_i32, %c0_i32_0 : i32, i32
  }
  func.func @transform_6(%arg0: i32) -> (i32, i32) {
    %c0_i32 = arith.constant 0 : i32
    %c0_i32_0 = arith.constant 0 : i32
    %c0_i32_1 = arith.constant 0 : i32
    return %c0_i32, %c0_i32_0 : i32, i32
  }
  func.func @transform_7(%arg0: i32) -> (i32, i32) {
    %c0_i32 = arith.constant 0 : i32
    %c0_i32_0 = arith.constant 0 : i32
    return %arg0, %c0_i32 : i32, i32
  }
  func.func @transform_8(%arg0: i32) -> (i32, i32) {
    %c0_i32 = arith.constant 0 : i32
    %c0_i32_0 = arith.constant 0 : i32
    return %arg0, %c0_i32 : i32, i32
  }
  func.func @transform_9(%arg0: i32) -> (i32, i32) {
    %c0_i32 = arith.constant 0 : i32
    %c0_i32_0 = arith.constant 0 : i32
    %c0_i32_1 = arith.constant 0 : i32
    return %c0_i32, %c0_i32_0 : i32, i32
  }
}

module attributes {stable_mosaic.version = 14 : i64} {
  func.func @_post_body(%arg0: i32, %arg1: memref<2x1000x128xf32, #tpu.memory_space<vmem>>, %arg2: memref<2x1000x8xf32, #tpu.memory_space<vmem>>, %arg3: memref<1x128xf32, #tpu.memory_space<vmem>>, %arg4: memref<1x128xf32, #tpu.memory_space<vmem>>, %arg5: memref<1000x128xf32, #tpu.memory_space<vmem>>) attributes {dimension_semantics = [#tpu.dimension_semantics<arbitrary>], iteration_bounds = array<i64: 10>, scalar_prefetch = 0 : i64, scratch_operands = 0 : i64, tpu.core_type = #tpu.core_type<tc>, window_params = [{transform_indices = @transform_0, window_bounds = array<i64: 2, 1000, 128>}, {transform_indices = @transform_1, window_bounds = array<i64: 2, 1000, 8>}, {pipeline_mode = #tpu.pipeline_mode<synchronous>, transform_indices = @transform_2, window_bounds = array<i64: 1, 128>}, {pipeline_mode = #tpu.pipeline_mode<synchronous>, transform_indices = @transform_3, window_bounds = array<i64: 1, 128>}, {transform_indices = @transform_4, window_bounds = array<i64: 1000, 128>}]} {
    %get3A = arith.constant 0 : index
    %get3A_0 = arith.constant 0 : index
    %get3A_1 = arith.constant 0 : index
    %get3A_2 = vector.load %arg1[%get3A, %get3A_0, %get3A_1] : memref<2x1000x128xf32, #tpu.memory_space<vmem>>, vector<1x1000x128xf32>
    %get3A_3 = vector.shape_cast %get3A_2 : vector<1x1000x128xf32> to vector<1000x128xf32>
    %get3A_4 = arith.constant 1 : index
    %get3A_5 = arith.constant 0 : index
    %get3A_6 = arith.constant 0 : index
    %get3A_7 = vector.load %arg1[%get3A_4, %get3A_5, %get3A_6] : memref<2x1000x128xf32, #tpu.memory_space<vmem>>, vector<1x1000x128xf32>
    %get3A_8 = vector.shape_cast %get3A_7 : vector<1x1000x128xf32> to vector<1000x128xf32>
    %add3A = arith.addf %get3A_3, %get3A_8 : vector<1000x128xf32>
    %get3A_9 = arith.constant 0 : index
    %get3A_10 = arith.constant 0 : index
    %get3A_11 = arith.constant 0 : index
    %get3A_12 = vector.load %arg2[%get3A_9, %get3A_10, %get3A_11] : memref<2x1000x8xf32, #tpu.memory_space<vmem>>, vector<1x1000x8xf32>
    %get3A_13 = vector.shape_cast %get3A_12 : vector<1x1000x8xf32> to vector<1000x8xf32>
    %get3A_14 = arith.constant 1 : index
    %get3A_15 = arith.constant 0 : index
    %get3A_16 = arith.constant 0 : index
    %get3A_17 = vector.load %arg2[%get3A_14, %get3A_15, %get3A_16] : memref<2x1000x8xf32, #tpu.memory_space<vmem>>, vector<1x1000x8xf32>
    %get3A_18 = vector.shape_cast %get3A_17 : vector<1x1000x8xf32> to vector<1000x8xf32>
    %add3A_19 = arith.addf %get3A_13, %get3A_18 : vector<1000x8xf32>
    %add3A_20 = arith.constant 9.99999993E-9 : f32
    %add3A_21 = vector.broadcast %add3A_20 : f32 to vector<1000x8xf32>
    %add3A_22 = arith.addf %add3A_19, %add3A_21 : vector<1000x8xf32>
    %div3A = arith.constant 1.000000e+00 : f32
    %div3A_23 = vector.broadcast %div3A : f32 to vector<1000x8xf32>
    %div3A_24 = arith.divf %div3A_23, %add3A_22 : vector<1000x8xf32>
    %iota3A = tpu.iota {dimensions = array<i32: 0>} : vector<8x128xi32>
    %sub3A = arith.constant 4 : i32
    %sub3A_25 = vector.broadcast %sub3A : i32 to vector<8x128xi32>
    %sub3A_26 = arith.subi %iota3A, %sub3A_25 : vector<8x128xi32>
    %iota3A_27 = tpu.iota {dimensions = array<i32: 1>} : vector<8x128xi32>
    %jit3A = arith.constant 32 : i32
    %div3A_28 = vector.broadcast %jit3A : i32 to vector<8x128xi32>
    %div3A_29 = arith.divsi %iota3A_27, %div3A_28 : vector<8x128xi32>
    %sign3A = arith.constant 0 : i32
    %sign3A_30 = vector.broadcast %sign3A : i32 to vector<8x128xi32>
    %sign3A_31 = arith.cmpi sgt, %iota3A_27, %sign3A_30 : vector<8x128xi32>
    %sign3A_32 = arith.extui %sign3A_31 : vector<8x128xi1> to vector<8x128xi32>
    %sign3A_33 = arith.constant 0 : i32
    %sign3A_34 = vector.broadcast %sign3A_33 : i32 to vector<8x128xi32>
    %sign3A_35 = arith.cmpi slt, %iota3A_27, %sign3A_34 : vector<8x128xi32>
    %sign3A_36 = arith.extui %sign3A_35 : vector<8x128xi1> to vector<8x128xi32>
    %sign3A_37 = arith.subi %sign3A_32, %sign3A_36 : vector<8x128xi32>
    %sign3A_38 = arith.constant 0 : i32
    %sign3A_39 = arith.cmpi sgt, %jit3A, %sign3A_38 : i32
    %sign3A_40 = arith.extui %sign3A_39 : i1 to i32
    %sign3A_41 = arith.constant 0 : i32
    %sign3A_42 = arith.cmpi slt, %jit3A, %sign3A_41 : i32
    %sign3A_43 = arith.extui %sign3A_42 : i1 to i32
    %sign3A_44 = arith.subi %sign3A_40, %sign3A_43 : i32
    %ne3A = vector.broadcast %sign3A_44 : i32 to vector<8x128xi32>
    %ne3A_45 = arith.cmpi ne, %sign3A_37, %ne3A : vector<8x128xi32>
    %rem3A = vector.broadcast %jit3A : i32 to vector<8x128xi32>
    %rem3A_46 = arith.remsi %iota3A_27, %rem3A : vector<8x128xi32>
    %ne3A_47 = arith.constant 0 : i32
    %ne3A_48 = vector.broadcast %ne3A_47 : i32 to vector<8x128xi32>
    %ne3A_49 = arith.cmpi ne, %rem3A_46, %ne3A_48 : vector<8x128xi32>
    %and3A = arith.andi %ne3A_45, %ne3A_49 : vector<8x128xi1>
    %sub3A_50 = arith.constant 1 : i32
    %sub3A_51 = vector.broadcast %sub3A_50 : i32 to vector<8x128xi32>
    %sub3A_52 = arith.subi %div3A_29, %sub3A_51 : vector<8x128xi32>
    %select_n3A = arith.select %and3A, %sub3A_52, %div3A_29 : vector<8x128xi1>, vector<8x128xi32>
    %eq3A = arith.cmpi eq, %sub3A_26, %select_n3A : vector<8x128xi32>
    %jit3A_53 = arith.constant 1.000000e+00 : f32
    %jit3A_54 = arith.constant 0.000000e+00 : f32
    %broadcast_in_dim3A = vector.broadcast %jit3A_53 : f32 to vector<8x128xf32>
    %broadcast_in_dim3A_55 = vector.broadcast %jit3A_54 : f32 to vector<8x128xf32>
    %select_n3A_56 = arith.select %eq3A, %broadcast_in_dim3A, %broadcast_in_dim3A_55 : vector<8x128xi1>, vector<8x128xf32>
    %dot_general3A = arith.constant dense<0.000000e+00> : vector<1000x128xf32>
    %dot_general3A_57 = tpu.matmul %div3A_24, %select_n3A_56, %dot_general3A {dimension_numbers = #tpu.dot_dimension_numbers<[1], [0], [0], [1], [0, 0, 1, 1], [], []>, transpose_lhs_hint = false} : vector<1000x8xf32>, vector<8x128xf32>, vector<1000x128xf32> -> vector<1000x128xf32>
    %mul3A = arith.mulf %add3A, %dot_general3A_57 : vector<1000x128xf32>
    %gt3A = arith.constant 0.000000e+00 : f32
    %gt3A_58 = vector.broadcast %gt3A : f32 to vector<1000x128xf32>
    %gt3A_59 = arith.cmpf ogt, %mul3A, %gt3A_58 : vector<1000x128xf32>
    %min3A = arith.constant 0.000000e+00 : f32
    %min3A_60 = vector.broadcast %min3A : f32 to vector<1000x128xf32>
    %min3A_61 = arith.minimumf %mul3A, %min3A_60 : vector<1000x128xf32>
    %exp3A = math.exp %min3A_61 : vector<1000x128xf32>
    %sub3A_62 = arith.constant 1.000000e+00 : f32
    %sub3A_63 = vector.broadcast %sub3A_62 : f32 to vector<1000x128xf32>
    %sub3A_64 = arith.subf %exp3A, %sub3A_63 : vector<1000x128xf32>
    %select_n3A_65 = arith.select %gt3A_59, %mul3A, %sub3A_64 : vector<1000x128xi1>, vector<1000x128xf32>
    %reduce_sum3A = arith.constant dense<0.000000e+00> : vector<1000xf32>
    %reduce_sum3A_66 = vector.multi_reduction <add>, %select_n3A_65, %reduce_sum3A [1] : vector<1000x128xf32> to vector<1000xf32>
    %broadcast_in_dim3A_67 = vector.shape_cast %reduce_sum3A_66 : vector<1000xf32> to vector<1000x1xf32>
    %div3A_68 = arith.constant 1.280000e+02 : f32
    %div3A_69 = vector.broadcast %div3A_68 : f32 to vector<1000x1xf32>
    %div3A_70 = arith.divf %broadcast_in_dim3A_67, %div3A_69 : vector<1000x1xf32>
    %sub3A_71 = vector.broadcast %div3A_70 : vector<1000x1xf32> to vector<1000x128xf32>
    %sub3A_72 = arith.subf %select_n3A_65, %sub3A_71 : vector<1000x128xf32>
    %integer_pow3A = arith.mulf %sub3A_72, %sub3A_72 : vector<1000x128xf32>
    %reduce_sum3A_73 = arith.constant dense<0.000000e+00> : vector<1000xf32>
    %reduce_sum3A_74 = vector.multi_reduction <add>, %integer_pow3A, %reduce_sum3A_73 [1] : vector<1000x128xf32> to vector<1000xf32>
    %broadcast_in_dim3A_75 = vector.shape_cast %reduce_sum3A_74 : vector<1000xf32> to vector<1000x1xf32>
    %div3A_76 = arith.constant 1.280000e+02 : f32
    %div3A_77 = vector.broadcast %div3A_76 : f32 to vector<1000x1xf32>
    %div3A_78 = arith.divf %broadcast_in_dim3A_75, %div3A_77 : vector<1000x1xf32>
    %sub3A_79 = vector.broadcast %div3A_70 : vector<1000x1xf32> to vector<1000x128xf32>
    %sub3A_80 = arith.subf %select_n3A_65, %sub3A_79 : vector<1000x128xf32>
    %add3A_81 = arith.constant 9.99999974E-6 : f32
    %add3A_82 = vector.broadcast %add3A_81 : f32 to vector<1000x1xf32>
    %add3A_83 = arith.addf %div3A_78, %add3A_82 : vector<1000x1xf32>
    %rsqrt3A = math.rsqrt %add3A_83 : vector<1000x1xf32>
    %mul3A_84 = vector.broadcast %rsqrt3A : vector<1000x1xf32> to vector<1000x128xf32>
    %mul3A_85 = arith.mulf %sub3A_80, %mul3A_84 : vector<1000x128xf32>
    %get3A_86 = arith.constant 0 : index
    %get3A_87 = arith.constant 0 : index
    %get3A_88 = vector.load %arg3[%get3A_86, %get3A_87] : memref<1x128xf32, #tpu.memory_space<vmem>>, vector<1x128xf32>
    %mul3A_89 = vector.broadcast %get3A_88 : vector<1x128xf32> to vector<1000x128xf32>
    %mul3A_90 = arith.mulf %mul3A_85, %mul3A_89 : vector<1000x128xf32>
    %get3A_91 = arith.constant 0 : index
    %get3A_92 = arith.constant 0 : index
    %get3A_93 = vector.load %arg4[%get3A_91, %get3A_92] : memref<1x128xf32, #tpu.memory_space<vmem>>, vector<1x128xf32>
    %add3A_94 = vector.broadcast %get3A_93 : vector<1x128xf32> to vector<1000x128xf32>
    %add3A_95 = arith.addf %mul3A_90, %add3A_94 : vector<1000x128xf32>
    %swap3A = arith.constant 0 : index
    %swap3A_96 = arith.constant 0 : index
    %swap3A_97 = vector.load %arg5[%swap3A, %swap3A_96] : memref<1000x128xf32, #tpu.memory_space<vmem>>, vector<1000x128xf32>
    tpu.vector_store %arg5[%swap3A, %swap3A_96], %add3A_95 {strides = array<i32>} : memref<1000x128xf32, #tpu.memory_space<vmem>>, vector<1000x128xf32>,
    return
  }
  func.func @transform_0(%arg0: i32) -> (i32, i32, i32) {
    %c0_i32 = arith.constant 0 : i32
    %c0_i32_0 = arith.constant 0 : i32
    %c0_i32_1 = arith.constant 0 : i32
    return %c0_i32, %arg0, %c0_i32_0 : i32, i32, i32
  }
  func.func @transform_1(%arg0: i32) -> (i32, i32, i32) {
    %c0_i32 = arith.constant 0 : i32
    %c0_i32_0 = arith.constant 0 : i32
    %c0_i32_1 = arith.constant 0 : i32
    return %c0_i32, %arg0, %c0_i32_0 : i32, i32, i32
  }
  func.func @transform_2(%arg0: i32) -> (i32, i32) {
    %c0_i32 = arith.constant 0 : i32
    %c0_i32_0 = arith.constant 0 : i32
    %c0_i32_1 = arith.constant 0 : i32
    return %c0_i32, %c0_i32_0 : i32, i32
  }
  func.func @transform_3(%arg0: i32) -> (i32, i32) {
    %c0_i32 = arith.constant 0 : i32
    %c0_i32_0 = arith.constant 0 : i32
    %c0_i32_1 = arith.constant 0 : i32
    return %c0_i32, %c0_i32_0 : i32, i32
  }
  func.func @transform_4(%arg0: i32) -> (i32, i32) {
    %c0_i32 = arith.constant 0 : i32
    %c0_i32_0 = arith.constant 0 : i32
    return %arg0, %c0_i32 : i32, i32
  }
}

</mosaic_0001>

<sc_bundles>
// kernel: kernel.5.cloned.1.call-start
scs
__scs_entry_jumppad:
0x0: {  	(pc) =	sbr.rel $0x88, $3  }
0x1: {  	(tag) =	ssettag $0x0;
	lr =	simm.s32 $0x1  }
0x2: {  	[smem:$0x3F98] =	sst lr;
	_ =	strace $0xD0000000  }
0x3: {  	_ = 	snop  }
0x4: {  	_ = 	snop  }
0x5: {  	_ = 	snop  }
0x6: {  	_ = 	snop  }
0x7: {  	_ = 	snop  }
__scs_overlays_trampoline_lowered:
0x8: {  	[smem:$0x3FA7] =	sst s0  }
0x9: {  	[smem:$0x3FA8] =	sst s1  }
0xa: {  	[smem:$0x3FA9] =	sst s2  }
0xb: {  	[smem:$0x3FAA] =	sst s3  }
0xc: {  	[smem:$0x3FAB] =	sst s4  }
0xd: {  	[smem:$0x3FAC] =	sst s5  }
0xe: {  	[smem:$0x3FAD] =	sst s6  }
0xf: {  	[smem:$0x3FAE] =	sst s7  }
0x10: {  	[smem:$0x3FAF] =	sst s8  }
0x11: {  	[smem:$0x3FB0] =	sst s9;
	s0 =	simm.s32 @!p0 $0x0  }
0x12: {  	s1 =	sld [smem:$0x3F96];
	s0 =	simm.s32 @p0 $0x1  }
0x13: {  	[smem:$0x3FB1] =	sst s0;
	s0 =	simm.s32 @!p1 $0x0  }
0x14: {  	s2 =	sld [smem:$0x3F95];
	s0 =	simm.s32 @p1 $0x1  }
0x15: {  	[smem:$0x3FB2] =	sst s0;
	s0 =	simm.s32 @!p2 $0x0  }
0x16: {  	s3 =	sld [smem:$0x3FDB];
	s0 =	simm.s32 @p2 $0x1  }
0x17: {  	s4 =	simm.s32 $0x1BF5;
	[smem:$0x3FB4] =	sst s0  }
0x18: {  	s0 =	sld [smem:$0x3F97];
	_ =	swait.ge [sflag:s4], $0x0  }
0x19: {  	s7 =	sld [smem:$0x3F98]  }
0x1a: {  	s8 =	sadd.s32 $0xFFFFE003, lr  }
0x1b: {  	s9 =	sadd.s32 $0xFFFFFEF7, lr;
	s5 =	simm.s32 $0xFFFFFFFF;
	p2 =	slt.u32 s8, $0xFFFFF086  }
0x1c: {  	p1 =	slt.u32 s9, $0xF7A;
	s5 =	simm.s32 @!p2 $0x0  }
0x1d: {  	s5 =	simm.s32 @p1 $0x1;
	p0 =	seq.s32 s7, s2  }
0x1e: {  	s7 =	smul.u32 @!p0 $0xF7A, s2;
	p2 =	seq.s32 @!p0 s5, $0x0  }
0x1f: {  	s9 =	smul.u32 $0xF7A, s1;
	s8 =	simm.s32 @!p0 $0x1BF5;
	p2 =	por !p2, p0  }
0x20: {  	[sflag:s8] =	ssyncset.s32 @!p0 $0xFFFFF086;
	s6 =	sadd.s32 @!p0 s3, s7;
	s7 =	simm.s32 @!p0 $0x108  }
0x21: {  	s3 =	sadd.s32 s3, s9;
	s6 =	sadd.s32 @!p0 $0x88, s6;
	s7 =	simm.s32 @p2 $0x1082  }
0x22: {  	[simem:s7], [sflag:s8] =	dma.local @!p0 [hbm:s6], $0xF7A  }
0x23: {  	s9 =	sor.u32 $0xD0000000, s2;
	s6 =	simm.s32 $0x108;
	_ =	swait.ge @!p0 [sflag:s8], $0x0  }
0x24: {  	s3 =	sadd.s32 $0x88, s3;
	s6 =	simm.s32 @!p1 $0x1082;
	[sflag:s4] =	ssyncset.s32 $0xFFFFF086  }
0x25: {  	[simem:s6], [sflag:s4] =	dma.local [hbm:s3], $0xF7A  }
0x26: {  	[smem:$0x3F98] =	sst s1;
	(tag) =	ssettag s2;
	_ =	strace s9  }
0x27: {  	s1 =	sld [smem:$0x3FA8]  }
0x28: {  	s2 =	sld [smem:$0x3FA9]  }
0x29: {  	s4 =	sld [smem:$0x3FAB]  }
0x2a: {  	p0 =	seq.s32 s5, $0x0;
	s5 =	sld [smem:$0x3FAC]  }
0x2b: {  	s6 =	sld [smem:$0x3FAD]  }
0x2c: {  	s7 =	sld [smem:$0x3FAE]  }
0x2d: {  	s3 =	simm.s32 $0x108;
	s8 =	sld [smem:$0x3FAF]  }
0x2e: {  	s3 =	simm.s32 @!p0 $0x1082;
	s9 =	sld [smem:$0x3FB0]  }
0x2f: {  	lr =	sadd.s32 s0, s3;
	s0 =	sld [smem:$0x3FA7]  }
0x30: {  	s3 =	sld [smem:$0x3FAA]  }
0x31: {  	[smem:$0x3FB3] =	sst s10  }
0x32: {  	s10 =	sld [smem:$0x3FB1];
	_ =	sdelay $0x3  }
0x33: {  	p0 =	seq.s32 s10, $0x1;
	s10 =	sld [smem:$0x3FB3];
	_ =	sdelay $0x3  }
0x34: {  	[smem:$0x3FB3] =	sst s10  }
0x35: {  	s10 =	sld [smem:$0x3FB2];
	_ =	sdelay $0x3  }
0x36: {  	p1 =	seq.s32 s10, $0x1;
	s10 =	sld [smem:$0x3FB3];
	_ =	sdelay $0x3  }
0x37: {  	[smem:$0x3FB3] =	sst s10  }
0x38: {  	s10 =	sld [smem:$0x3FB4]  }
0x39: {  	_ = 	snop;
	(pc) =	sbr.ind lr, $3  }
0x3a: {  	_ = 	snop  }
0x3b: {  	_ = 	snop  }
0x3c: {  	p2 =	seq.s32 s10, $0x1;
	s10 =	sld [smem:$0x3FB3]  }
0x3d: {  	_ =	shalt  }
0x3e: {  	_ =	shalt  }
0x3f: {  	_ =	shalt  }
0x40: {  	_ =	shalt  }
0x41: {  	_ =	shalt  }
0x42: {  	_ =	shalt  }
0x43: {  	_ =	shalt  }
0x44: {  	_ =	shalt  }
0x45: {  	_ =	shalt  }
0x46: {  	_ =	shalt  }
0x47: {  	_ =	shalt  }
0x48: {  	_ =	shalt  }
0x49: {  	_ =	shalt  }
0x4a: {  	_ =	shalt  }
0x4b: {  	_ =	shalt  }
0x4c: {  	_ =	shalt  }
0x4d: {  	_ =	shalt  }
0x4e: {  	_ =	shalt  }
0x4f: {  	_ =	shalt  }
0x50: {  	_ =	shalt  }
0x51: {  	_ =	shalt  }
0x52: {  	_ =	shalt  }
0x53: {  	_ =	shalt  }
0x54: {  	_ =	shalt  }
0x55: {  	_ =	shalt  }
0x56: {  	_ =	shalt  }
0x57: {  	_ =	shalt  }
0x58: {  	_ =	shalt  }
0x59: {  	_ =	shalt  }
0x5a: {  	_ =	shalt  }
0x5b: {  	_ =	shalt  }
0x5c: {  	_ =	shalt  }
0x5d: {  	_ =	shalt  }
0x5e: {  	_ =	shalt  }
0x5f: {  	_ =	shalt  }
0x60: {  	_ =	shalt  }
0x61: {  	_ =	shalt  }
0x62: {  	_ =	shalt  }
0x63: {  	_ =	shalt  }
0x64: {  	_ =	shalt  }
0x65: {  	_ =	shalt  }
0x66: {  	_ =	shalt  }
0x67: {  	_ =	shalt  }
0x68: {  	_ =	shalt  }
0x69: {  	_ =	shalt  }
0x6a: {  	_ =	shalt  }
0x6b: {  	_ =	shalt  }
0x6c: {  	_ =	shalt  }
0x6d: {  	_ =	shalt  }
0x6e: {  	_ =	shalt  }
0x6f: {  	_ =	shalt  }
0x70: {  	_ =	shalt  }
0x71: {  	_ =	shalt  }
0x72: {  	_ =	shalt  }
0x73: {  	_ =	shalt  }
0x74: {  	_ =	shalt  }
0x75: {  	_ =	shalt  }
0x76: {  	_ =	shalt  }
0x77: {  	_ =	shalt  }
0x78: {  	_ =	shalt  }
0x79: {  	_ =	shalt  }
0x7a: {  	_ =	shalt  }
0x7b: {  	_ =	shalt  }
0x7c: {  	_ =	shalt  }
0x7d: {  	_ =	shalt  }
0x7e: {  	_ =	shalt  }
0x7f: {  	_ =	shalt  }
0x80: {  	_ =	shalt  }
0x81: {  	_ =	shalt  }
0x82: {  	_ =	shalt  }
0x83: {  	_ =	shalt  }
0x84: {  	_ =	shalt  }
0x85: {  	_ =	shalt  }
0x86: {  	_ =	shalt  }
0x87: {  	_ =	shalt  }
.Lfunc_end0:
.L_simem_size_0:
called_computation_lowered:
.L_overlay_start_0:
0x88: {  	s2 =	sld [smem:$0x3FD9]  }
0x89: {  	s3 =	sld [smem:$0x3FFE];
	_ =	sdelay $0x1  }
0x8a: {  	s1 =	srdreg.scid  }
0x8b: {  	s0 =	sand.u32 $0x1, s1  }
0x8c: {  	s17 =	sshll.u32 s0, $0xA;
	s2 =	sadd.s32 s3, s2  }
0x8d: {  	s2 =	sadd.s32 s2, s17  }
0x8e: {  	[smem:$0x3FBF] =	sst s2  }
0x8f: {  	_ = 	snop  }
0x90: {  	s2 =	sld [smem:$0x3FD0];
	(tm) =	ssettm $0x1  }
0x91: {  	s18 =	sld [smem:$0x3FFB];
	_ =	sdelay $0x3  }
0x92: {  	_ =	strace s18  }
0x93: {  	s3 =	sld [smem:$0x3FFC];
	_ =	sdelay $0x3  }
0x94: {  	_ =	strace s3  }
0x95: {  	s3 =	sld [smem:$0x3FFD];
	_ =	sdelay $0x3  }
0x96: {  	_ =	strace s3  }
0x97: {  	_ =	strace $0x8FFFFFFF  }
0x98: {  	s19 =	sld [smem:$0x3FDB];
	_ =	sdelay $0x1  }
0x99: {  	s4 =	simm.s32 $_scs_section_size  }
0x9a: {  	s5 =	simm.s32 $_size__tile_overlayer_lowered;
	s6 =	simm.s32 $_tile_overlayer_lowered  }
0x9b: {  	s22 =	simm.s32 $0x1BFF;
	s21 =	sshll.u32 s6, $0x1;
	s3 =	sadd.s32 s4, s19  }
0x9c: {  	s7 =	simm.s32 $0x0;
	s20 =	sshll.u32 s5, $0x1;
	s5 =	sadd.s32 s21, s3  }
0x9d: {  	[timem:s7], [sflag:s22] =	dma.local [hbm:s5], s20  }
0x9e: {  	_ =	swait.ge [sflag:s22], s20  }
0x9f: {  	s4 =	ssub.s32 $0x0, s20;
	[sflag:s22] =	ssyncset.done $0x0  }
0xa0: {  	[sflag:s22] =	ssyncadd.s32 s4;
	_ =	sdelay $0x1  }
0xa1: {  	s23 =	simm.s32 $0x1B8B  }
0xa2: {  	_ =	swait.ge [sflag:s23], $0x1  }
0xa3: {  	[sflag:s23] =	ssyncset.done $0x0  }
0xa4: {  	s25 =	simm.s32 $0x1B8E;
	s24 =	sld [smem:$0x3FFE];
	[sflag:s23] =	ssyncadd.s32 $0xFFFFFFFF  }
0xa5: {  	s26 =	simm.s32 $execute0_lowered;
	[smem:$0x3FD2] =	sst s25  }
0xa6: {  	s5 =	sshll.u32 s26, $0x1;
	_ =	strace $0x80000046;
	[dreg:$0x1] =	wrdreg $0xFFFFFFFF  }
0xa7: {  	s28 =	simm.s32 $_size_execute0_lowered;
	s3 =	sadd.s32 s3, s5;
	[dreg:$0x0] =	wrdreg $0x0  }
0xa8: {  	s5 =	sshll.u32 s28, $0x1;
	[dreg:$0x2] =	wrdreg s3  }
0xa9: {  	[dreg:$0x3] =	wrdreg s5  }
0xaa: {  	[dreg:$0x4] =	wrdreg $0xC0  }
0xab: {  	_ =	task [dreg:s7], $0x5FFFF  }
0xac: {  	[dreg:$0x1] =	wrdreg $0xFFFFFFFF  }
0xad: {  	[dreg:$0x0] =	wrdreg $0x60  }
0xae: {  	[dreg:$0x2] =	wrdreg s24  }
0xaf: {  	[dreg:$0x3] =	wrdreg s2  }
0xb0: {  	[dreg:$0x4] =	wrdreg $0x35600  }
0xb1: {  	[dreg:$0x5] =	wrdreg $0x16DE00  }
0xb2: {  	[dreg:$0x6] =	wrdreg $0x9  }
0xb3: {  	_ =	task.clear_ibuf [dreg:s7], $0x7FFFF;
	_ =	strace $0x90000046  }
0xb4: {  	s29 =	simm.s32 $0x9;
	_ =	strace $0x80000048  }
0xb5: {  	_ =	swait.ge [sflag:s29], $0x1  }
0xb6: {  	[sflag:s29] =	ssyncadd.s32 $0xFFFFFFFF  }
0xb7: {  	_ =	strace $0x90000048  }
0xb8: {  	_ =	sfence  }
0xb9: {  	s30 =	sld [smem:$0x0];
	_ =	sdelay $0x2  }
0xba: {  	s31 =	sshll.u32 s1, $0xD;
	s1 =	sshrl.u32 s1, $0x2  }
0xbb: {  	s3 =	sand.u32 $0x4000, s31;
	s1 =	sadd.s32 s1, s30  }
0xbc: {  	s0 =	sor.u32 s3, s0;
	s1 =	sshll.u32 s1, $0x11  }
0xbd: {  	s0 =	sor.u32 s1, s0  }
0xbe: {  	s0 =	sadd.s32 $0x8F2B, s0  }
0xbf: {  	[sflag:s0] =	ssyncadd.remote.s32 $0x1  }
0xc0: {  	_ =	sfence.sel $0xFFFF  }
0xc1: {  	[dreg:$0x0] =	wrdreg $0xFFFFFFFF;
	(pc) =	sbr.abs _section_cstart, $3  }
0xc2: {  	[dreg:$0x1] =	wrdreg $0xFFFFFFFF  }
0xc3: {  	_ =	task.clear_ibuf [dreg:s7], $0x2FFFF;
	_ =	strace $0x9FFFFFFF  }
0xc4: {  	(tm) =	ssettm $0x7FFFFFFF  }
0xc5: {  	_ =	shalt  }
tec
execute0_lowered:
.L_overlay_start_1:
0x0: {  	(tag) =	ssettag $0x1  }
0x1: {  	s0 =	rddreg [dreg:$0x0]  }
0x2: {  	s1 =	rddreg [dreg:$0x1]  }
0x3: {  	s2 =	rddreg [dreg:$0x2]  }
0x4: {  	s3 =	rddreg [dreg:$0x3];
	s4 =	simm.s32 $0x0;
	s6 =	srdreg.scid  }
0x5: {  	s21 =	stileid.u32;
	[smem:$0x7FF] =	sst s4  }
0x6: {  	s5 =	sadd.s32 $0x15200, s0;
	s7 =	sadd.s32 $0xB400, s0;
	s8 =	sadd.s32 $0x1600, s0  }
0x7: {  	s12 =	sand.u32 $0x1, s6;
	s18 =	sadd.s32 $0x1A200, s0;
	s9 =	smul.u32 $0x270, s21  }
0x8: {  	s13 =	sadd.s32 $0x1F400, s0;
	s14 =	sadd.s32 $0x1A400, s0;
	s15 =	smul.u32 $0x13800, s21  }
0x9: {  	s16 =	smul.u32 $0x1380, s21;
	p0 =	sne.s32 s21, $0xF;
	_ =	strace $0x80000047  }
0xa: {  	[dreg:$0x5] =	wrdreg s18;
	s19 =	ssub.s32 $0x2, s12;
	s20 =	sshll.u32 s12, $0x4  }
0xb: {  	s10 =	sshrl.u32 s19, $0x1;
	s17 =	sadd.s32 $0x50, s9;
	s6 =	sor.u32 s21, s20  }
0xc: {  	s11 =	sadd.s32 s16, s3;
	s22 =	sadd.s32 $0xA0, s9;
	s20 =	smul.u32 $0x138800, s12  }
0xd: {  	s25 =	sadd.s32 $0xF0, s9;
	s12 =	smul.u32 $0x13880, s12;
	s21 =	simm.s32 $0x1  }
0xe: {  	s0 =	ssub.s32 s19, s10;
	s10 =	sadd.s32 s15, s2;
	s18 =	sshll.u32 s17, $0x7  }
0xf: {  	s17 =	sshll.u32 s17, $0x3;
	s19 =	sshll.u32 s22, $0x7;
	s24 =	sshll.u32 s22, $0x3  }
0x10: {  	v2 =	vlaneseq.u32;
	s28 =	sshll.u32 s25, $0x7;
	s30 =	sshll.u32 s25, $0x3;
	s29 =	smul.u32 $0x2710, s6  }
0x11: {  	v0 =	vmul.u32 $0x8, v2;
	s6 =	sadd.s32 $0x138000, s2;
	s18 =	sadd.s32 s18, s2;
	s17 =	sadd.s32 s17, s3  }
0x12: {  	s23 =	sadd.s32 s19, s2;
	s15 =	sadd.s32 s15, s20;
	s26 =	sshrl.u32 s20, $0x3  }
0x13: {  	v1 =	vimm.f32 $0.0e+00;
	v36 =	vmul.u32 $0x10, v2;
	v3 =	vor.u32 $0x80, v0;
	s16 =	sadd.s32 s16, s12;
	s12 =	sshrl.u32 s12, $0x3;
	[dreg:$0x6] =	wrdreg s18  }
0x14: {  	v11 =	vor.u32 $0x2, v0;
	v12 =	vor.u32 $0x82, v0;
	v13 =	vor.u32 $0x102, v0;
	s19 =	sadd.s32 $0x190, s9;
	s0 =	smax.u32 s0, $0x1;
	[dreg:$0x7] =	wrdreg s17  }
0x15: {  	v14 =	vor.u32 $0x182, v0;
	v15 =	vor.u32 $0x202, v0;
	v16 =	vor.u32 $0x3, v0;
	[dreg:$0x8] =	wrdreg s23;
	s17 =	sadd.s32 s24, s3;
	s15 =	sshrl.u32 s15, $0x3  }
0x16: {  	v17 =	vor.u32 $0x83, v0;
	v18 =	vor.u32 $0x103, v0;
	v19 =	vor.u32 $0x183, v0;
	s16 =	sshrl.u32 s16, $0x3;
	s12 =	sadd.s32 s14, s12;
	s20 =	sshll.u32 s19, $0x7  }
0x17: {  	v20 =	vor.u32 $0x203, v0;
	v21 =	vor.u32 $0x4, v0;
	v22 =	vor.u32 $0x84, v0;
	s22 =	sshll.u32 s19, $0x3;
	s23 =	sadd.s32 $0x1E0, s9;
	s19 =	simm.s32 $0x2  }
0x18: {  	v23 =	vor.u32 $0x104, v0;
	v24 =	vor.u32 $0x184, v0;
	v25 =	vor.u32 $0x204, v0;
	[dreg:$0x9] =	wrdreg s17;
	s15 =	sadd.s32 s13, s15;
	s13 =	sadd.s32 s13, s26  }
0x19: {  	v26 =	vor.u32 $0x5, v0;
	v27 =	vor.u32 $0x85, v0;
	v28 =	vor.u32 $0x105, v0;
	s17 =	sadd.s32 $0x140, s9;
	s9 =	sadd.s32 $0x230, s9;
	s24 =	sshll.u32 s23, $0x7  }
0x1a: {  	v29 =	vor.u32 $0x185, v0;
	v30 =	vor.u32 $0x205, v0;
	v31 =	vor.u32 $0x6, v0;
	s25 =	sshll.u32 s23, $0x3;
	s31 =	sadd.s32 $0x2700, s12;
	s12 =	simm.s32 $0x2800  }
0x1b: {  	v32 =	vor.u32 $0x86, v0;
	v33 =	vor.u32 $0x106, v0;
	v34 =	vor.u32 $0x186, v0;
	s23 =	simm.s32 $0x0;
	[dreg:$0xa] =	wrdreg s15;
	s15 =	sadd.s32 s28, s2  }
0x1c: {  	v35 =	vor.u32 $0x206, v0;
	v37 =	vor.u32 $0x7, v0;
	v38 =	vor.u32 $0x87, v0;
	s26 =	sshll.u32 s9, $0x7;
	[dreg:$0xb] =	wrdreg s15;
	s15 =	sadd.s32 s30, s3  }
0x1d: {  	v39 =	vor.u32 $0x107, v0;
	v40 =	vor.u32 $0x187, v0;
	v41 =	vor.u32 $0x207, v0;
	s9 =	sshll.u32 s9, $0x3;
	s28 =	sadd.s32 s26, s2;
	[dreg:$0xc] =	wrdreg s15  }
0x1e: {  	v42 =	vor.u32 $0x4, v36;
	v43 =	vor.u32 $0x1, v36;
	v44 =	vor.u32 $0x5, v36;
	s18 =	sshll.u32 s17, $0x7;
	s9 =	sadd.s32 s9, s3;
	[dreg:$0x14] =	wrdreg s28  }
0x1f: {  	v45 =	vor.u32 $0x2, v36;
	v46 =	vor.u32 $0x6, v36;
	[tilespmem:$0x1FF70] =	vst v3;
	v3 =	vor.u32 $0x100, v0;
	s30 =	sadd.s32 $0x27000, s13;
	s13 =	simm.s32 $0x5;
	[dreg:$0x15] =	wrdreg s9  }
0x20: {  	v47 =	vor.u32 $0x3, v36;
	v48 =	vor.u32 $0x7, v36;
	[tilespmem:$0x1FF80] =	vst v3;
	v3 =	vor.u32 $0x180, v0;
	s15 =	sadd.s32 s14, s16;
	s14 =	sshll.u32 s17, $0x3;
	[dreg:$0x16] =	wrdreg s30  }
0x21: {  	v49 =	vor.u32 $0x100, v36;
	v50 =	vor.u32 $0x104, v36;
	[tilespmem:$0x1FF90] =	vst v3;
	v3 =	vor.u32 $0x200, v0;
	s9 =	sadd.s32 $0x13800, s3;
	[dreg:$0xd] =	wrdreg s15;
	s15 =	sadd.s32 s18, s2  }
0x22: {  	v51 =	vor.u32 $0x101, v36;
	v52 =	vor.u32 $0x105, v36;
	[tilespmem:$0x1FFA0] =	vst v3;
	v3 =	vor.u32 $0x1, v0;
	s16 =	simm.s32 $0x50;
	s14 =	sadd.s32 s14, s3;
	[dreg:$0xe] =	wrdreg s15  }
0x23: {  	v53 =	vor.u32 $0x102, v36;
	v54 =	vor.u32 $0x106, v36;
	[tilespmem:$0x1FFB0] =	vst v3;
	v3 =	vor.u32 $0x81, v0;
	s17 =	simm.s32 $0x2A80;
	[dreg:$0xf] =	wrdreg s14;
	s14 =	sadd.s32 s20, s2  }
0x24: {  	v55 =	vor.u32 $0x103, v36;
	v56 =	vor.u32 $0x107, v36;
	[tilespmem:$0x1FFC0] =	vst v3;
	v3 =	vor.u32 $0x101, v0;
	s18 =	simm.s32 $0x2F80;
	[dreg:$0x10] =	wrdreg s14;
	s14 =	sadd.s32 s22, s3  }
0x25: {  	v57 =	vor.u32 $0x200, v36;
	v58 =	vor.u32 $0x204, v36;
	[tilespmem:$0x1FFD0] =	vst v3;
	v3 =	vor.u32 $0x181, v0;
	s15 =	simm.s32 $0x34D0;
	[dreg:$0x11] =	wrdreg s14;
	s14 =	sadd.s32 s24, s2  }
0x26: {  	v59 =	vor.u32 $0x201, v36;
	v60 =	vor.u32 $0x205, v36;
	[tilespmem:$0x1FFE0] =	vst v3;
	v3 =	vor.u32 $0x201, v0;
	s20 =	simm.s32 $0x3;
	[dreg:$0x12] =	wrdreg s14;
	s14 =	sadd.s32 s25, s3  }
0x27: {  	v61 =	vor.u32 $0x202, v36;
	v62 =	vor.u32 $0x206, v36;
	v63 =	vor.u32 $0x203, v36;
	[tilespmem:$0x1FFF0] =	vst v3;
	s22 =	simm.s32 $0x4;
	[dreg:$0x13] =	wrdreg s14;
	s14 =	simm.s32 $0x3480  }
.LBB2_1:
0x28: {  	s24 =	simm.s32 $0x0;
	s25 =	simm.s32 $0x200  }
.LBB2_2:
0x29: {  	p1 =	sne.s32 s25, $0x9E00;
	[tilespmem:s24+$0x70] =	vst v1  }
0x2a: {  	[tilespmem:s24+$0x0] =	vst v1  }
0x2b: {  	[tilespmem:s24+$0x10] =	vst v1  }
.Ltmp0:
0x2c: {  	[tilespmem:s24+$0x20] =	vst v1;
	(pc) =	sbr.rel @p1 .LBB2_2-.Ltmp0, $4  }
0x2d: {  	[tilespmem:s24+$0x30] =	vst v1  }
0x2e: {  	[tilespmem:s24+$0x40] =	vst v1  }
0x2f: {  	[tilespmem:s24+$0x50] =	vst v1  }
0x30: {  	[tilespmem:s24+$0x60] =	vst v1;
	s24 =	sshra.s32 s25, $0x2;
	s25 =	sadd.s32 $0x200, s25  }
0x31: {  	[tilespmem:s24+$0x70] =	vst v1  }
0x32: {  	[tilespmem:s24+$0x0] =	vst v1;
	v2 =	vld [tilespmem:$0x1FF70]  }
0x33: {  	[tilespmem:s24+$0x10] =	vst v1  }
0x34: {  	[tilespmem:s24+$0x20] =	vst v1  }
0x35: {  	[tilespmem:s24+$0x30] =	vst v1  }
0x36: {  	[tilespmem:s24+$0x40] =	vst v1  }
0x37: {  	[tilespmem:s24+$0x50] =	vst v1  }
0x38: {  	[tilespmem:s24+$0x60] =	vst v1  }
0x39: {  	[tilespmem:v0+s12+$0x0] =	vst.idx.msk $0xffff, v1  }
0x3a: {  	[tilespmem:v2+s12+$0x0] =	vst.idx.msk $0xffff, v1;
	v2 =	vld [tilespmem:$0x1FF80];
	_ =	sdelay $0x7  }
0x3b: {  	[tilespmem:v2+s12+$0x0] =	vst.idx.msk $0xffff, v1;
	v2 =	vld [tilespmem:$0x1FF90];
	_ =	sdelay $0x7  }
0x3c: {  	[tilespmem:v2+s12+$0x0] =	vst.idx.msk $0xffff, v1;
	v2 =	vld [tilespmem:$0x1FFA0];
	_ =	sdelay $0x7  }
0x3d: {  	[tilespmem:v2+s12+$0x0] =	vst.idx.msk $0xffff, v1;
	v2 =	vld [tilespmem:$0x1FFB0];
	_ =	sdelay $0x7  }
0x3e: {  	[tilespmem:v2+s12+$0x0] =	vst.idx.msk $0xffff, v1;
	v2 =	vld [tilespmem:$0x1FFC0];
	_ =	sdelay $0x7  }
0x3f: {  	[tilespmem:v2+s12+$0x0] =	vst.idx.msk $0xffff, v1;
	v2 =	vld [tilespmem:$0x1FFD0];
	_ =	sdelay $0x7  }
0x40: {  	[tilespmem:v2+s12+$0x0] =	vst.idx.msk $0xffff, v1;
	v2 =	vld [tilespmem:$0x1FFE0];
	_ =	sdelay $0x7  }
0x41: {  	[tilespmem:v2+s12+$0x0] =	vst.idx.msk $0xffff, v1;
	v2 =	vld [tilespmem:$0x1FFF0];
	_ =	sdelay $0x7  }
0x42: {  	[tilespmem:v2+s12+$0x0] =	vst.idx.msk $0xffff, v1  }
0x43: {  	[tilespmem:v11+s12+$0x0] =	vst.idx.msk $0xffff, v1  }
0x44: {  	[tilespmem:v12+s12+$0x0] =	vst.idx.msk $0xffff, v1  }
0x45: {  	[tilespmem:v13+s12+$0x0] =	vst.idx.msk $0xffff, v1  }
0x46: {  	[tilespmem:v14+s12+$0x0] =	vst.idx.msk $0xffff, v1  }
0x47: {  	[tilespmem:v15+s12+$0x0] =	vst.idx.msk $0xffff, v1  }
0x48: {  	[tilespmem:v16+s12+$0x0] =	vst.idx.msk $0xffff, v1  }
0x49: {  	[tilespmem:v17+s12+$0x0] =	vst.idx.msk $0xffff, v1  }
0x4a: {  	[tilespmem:v18+s12+$0x0] =	vst.idx.msk $0xffff, v1  }
0x4b: {  	[tilespmem:v19+s12+$0x0] =	vst.idx.msk $0xffff, v1  }
0x4c: {  	[tilespmem:v20+s12+$0x0] =	vst.idx.msk $0xffff, v1  }
0x4d: {  	[tilespmem:v21+s12+$0x0] =	vst.idx.msk $0xffff, v1  }
0x4e: {  	[tilespmem:v22+s12+$0x0] =	vst.idx.msk $0xffff, v1  }
0x4f: {  	[tilespmem:v23+s12+$0x0] =	vst.idx.msk $0xffff, v1  }
0x50: {  	[tilespmem:v24+s12+$0x0] =	vst.idx.msk $0xffff, v1  }
0x51: {  	[tilespmem:v25+s12+$0x0] =	vst.idx.msk $0xffff, v1  }
0x52: {  	[tilespmem:v26+s12+$0x0] =	vst.idx.msk $0xffff, v1  }
0x53: {  	[tilespmem:v27+s12+$0x0] =	vst.idx.msk $0xffff, v1  }
0x54: {  	[tilespmem:v28+s12+$0x0] =	vst.idx.msk $0xffff, v1  }
0x55: {  	[tilespmem:v29+s12+$0x0] =	vst.idx.msk $0xffff, v1  }
0x56: {  	[tilespmem:v30+s12+$0x0] =	vst.idx.msk $0xffff, v1  }
0x57: {  	[tilespmem:v31+s12+$0x0] =	vst.idx.msk $0xffff, v1  }
0x58: {  	[tilespmem:v32+s12+$0x0] =	vst.idx.msk $0xffff, v1  }
0x59: {  	[tilespmem:v33+s12+$0x0] =	vst.idx.msk $0xffff, v1  }
0x5a: {  	[tilespmem:v34+s12+$0x0] =	vst.idx.msk $0xffff, v1  }
0x5b: {  	[tilespmem:v35+s12+$0x0] =	vst.idx.msk $0xffff, v1  }
0x5c: {  	[tilespmem:v37+s12+$0x0] =	vst.idx.msk $0xffff, v1  }
0x5d: {  	[tilespmem:v38+s12+$0x0] =	vst.idx.msk $0xffff, v1  }
0x5e: {  	[tilespmem:v39+s12+$0x0] =	vst.idx.msk $0xffff, v1  }
0x5f: {  	[tilespmem:v40+s12+$0x0] =	vst.idx.msk $0xffff, v1  }
0x60: {  	[tilespmem:v41+s12+$0x0] =	vst.idx.msk $0xffff, v1  }
0x61: {  	[spmem:s10] =	stream.linear.scatter [tilespmem:s4], [sflag:$0x5], $0x2800, $0x38;
	[tilespmem:$0x18168] =	vst v63  }
0x62: {  	_ =	swait.ge [sflag:s13], $0x2800  }
0x63: {  	[sflag:s13] =	ssyncset.done $0x0  }
0x64: {  	[sflag:s13] =	ssyncadd.s32 $0xFFFFD800  }
0x65: {  	[spmem:s11] =	stream.linear.scatter [tilespmem:s12], [sflag:$0x5], $0x280, $0x38;
	[tilespmem:$0x18168] =	vst v63  }
0x66: {  	_ =	swait.ge [sflag:s13], $0x280  }
0x67: {  	[sflag:s13] =	ssyncset.done $0x0  }
0x68: {  	s26 =	rddreg [dreg:$0x6];
	[sflag:s13] =	ssyncadd.s32 $0xFFFFFD80  }
0x69: {  	[spmem:s26] =	stream.linear.scatter [tilespmem:s4], [sflag:$0x5], $0x2800, $0x38;
	[tilespmem:$0x18168] =	vst v63  }
0x6a: {  	_ =	swait.ge [sflag:s13], $0x2800  }
0x6b: {  	[sflag:s13] =	ssyncset.done $0x0  }
0x6c: {  	s28 =	rddreg [dreg:$0x7];
	[sflag:s13] =	ssyncadd.s32 $0xFFFFD800  }
0x6d: {  	[spmem:s28] =	stream.linear.scatter [tilespmem:s12], [sflag:$0x5], $0x280, $0x38;
	[tilespmem:$0x18168] =	vst v63  }
0x6e: {  	_ =	swait.ge [sflag:s13], $0x280  }
0x6f: {  	[sflag:s13] =	ssyncset.done $0x0  }
0x70: {  	s30 =	rddreg [dreg:$0x8];
	[sflag:s13] =	ssyncadd.s32 $0xFFFFFD80  }
0x71: {  	[spmem:s30] =	stream.linear.scatter [tilespmem:s4], [sflag:$0x5], $0x2800, $0x38;
	[tilespmem:$0x18168] =	vst v63  }
0x72: {  	_ =	swait.ge [sflag:s13], $0x2800  }
0x73: {  	[sflag:s13] =	ssyncset.done $0x0  }
0x74: {  	s25 =	rddreg [dreg:$0x9];
	[sflag:s13] =	ssyncadd.s32 $0xFFFFD800  }
0x75: {  	[spmem:s25] =	stream.linear.scatter [tilespmem:s12], [sflag:$0x5], $0x280, $0x38;
	[tilespmem:$0x18168] =	vst v63  }
0x76: {  	_ =	swait.ge [sflag:s13], $0x280  }
0x77: {  	[sflag:s13] =	ssyncset.done $0x0  }
0x78: {  	s26 =	rddreg [dreg:$0xb];
	[sflag:s13] =	ssyncadd.s32 $0xFFFFFD80  }
0x79: {  	[spmem:s26] =	stream.linear.scatter [tilespmem:s4], [sflag:$0x5], $0x2800, $0x38;
	[tilespmem:$0x18168] =	vst v63  }
0x7a: {  	_ =	swait.ge [sflag:s13], $0x2800  }
0x7b: {  	[sflag:s13] =	ssyncset.done $0x0  }
0x7c: {  	s28 =	rddreg [dreg:$0xc];
	[sflag:s13] =	ssyncadd.s32 $0xFFFFD800  }
0x7d: {  	[spmem:s28] =	stream.linear.scatter [tilespmem:s12], [sflag:$0x5], $0x280, $0x38;
	[tilespmem:$0x18168] =	vst v63  }
0x7e: {  	_ =	swait.ge [sflag:s13], $0x280  }
0x7f: {  	[sflag:s13] =	ssyncset.done $0x0  }
0x80: {  	s30 =	rddreg [dreg:$0xe];
	[sflag:s13] =	ssyncadd.s32 $0xFFFFFD80  }
0x81: {  	[spmem:s30] =	stream.linear.scatter [tilespmem:s4], [sflag:$0x5], $0x2800, $0x38;
	[tilespmem:$0x18168] =	vst v63  }
0x82: {  	_ =	swait.ge [sflag:s13], $0x2800  }
0x83: {  	[sflag:s13] =	ssyncset.done $0x0  }
0x84: {  	s25 =	rddreg [dreg:$0xf];
	[sflag:s13] =	ssyncadd.s32 $0xFFFFD800  }
0x85: {  	[spmem:s25] =	stream.linear.scatter [tilespmem:s12], [sflag:$0x5], $0x280, $0x38;
	[tilespmem:$0x18168] =	vst v63  }
0x86: {  	_ =	swait.ge [sflag:s13], $0x280  }
0x87: {  	[sflag:s13] =	ssyncset.done $0x0  }
0x88: {  	s26 =	rddreg [dreg:$0x10];
	[sflag:s13] =	ssyncadd.s32 $0xFFFFFD80  }
0x89: {  	[spmem:s26] =	stream.linear.scatter [tilespmem:s4], [sflag:$0x5], $0x2800, $0x38;
	[tilespmem:$0x18168] =	vst v63  }
0x8a: {  	_ =	swait.ge [sflag:s13], $0x2800  }
0x8b: {  	[sflag:s13] =	ssyncset.done $0x0  }
0x8c: {  	s28 =	rddreg [dreg:$0x11];
	[sflag:s13] =	ssyncadd.s32 $0xFFFFD800  }
0x8d: {  	[spmem:s28] =	stream.linear.scatter [tilespmem:s12], [sflag:$0x5], $0x280, $0x38;
	[tilespmem:$0x18168] =	vst v63  }
0x8e: {  	_ =	swait.ge [sflag:s13], $0x280  }
0x8f: {  	[sflag:s13] =	ssyncset.done $0x0  }
0x90: {  	s30 =	rddreg [dreg:$0x12];
	[sflag:s13] =	ssyncadd.s32 $0xFFFFFD80  }
0x91: {  	[spmem:s30] =	stream.linear.scatter [tilespmem:s4], [sflag:$0x5], $0x2800, $0x38;
	[tilespmem:$0x18168] =	vst v63  }
0x92: {  	_ =	swait.ge [sflag:s13], $0x2800  }
0x93: {  	[sflag:s13] =	ssyncset.done $0x0  }
0x94: {  	s25 =	rddreg [dreg:$0x13];
	[sflag:s13] =	ssyncadd.s32 $0xFFFFD800  }
0x95: {  	[spmem:s25] =	stream.linear.scatter [tilespmem:s12], [sflag:$0x5], $0x280, $0x38;
	[tilespmem:$0x18168] =	vst v63  }
0x96: {  	_ =	swait.ge [sflag:s13], $0x280  }
0x97: {  	[sflag:s13] =	ssyncset.done $0x0  }
0x98: {  	s26 =	rddreg [dreg:$0x14];
	[sflag:s13] =	ssyncadd.s32 $0xFFFFFD80  }
0x99: {  	[spmem:s26] =	stream.linear.scatter [tilespmem:s4], [sflag:$0x5], $0x2000, $0x38;
	[tilespmem:$0x18168] =	vst v63  }
0x9a: {  	_ =	swait.ge [sflag:s13], $0x2000  }
0x9b: {  	[sflag:s13] =	ssyncset.done $0x0  }
0x9c: {  	s28 =	rddreg [dreg:$0x15];
	[sflag:s13] =	ssyncadd.s32 $0xFFFFE000  }
0x9d: {  	[spmem:s28] =	stream.linear.scatter [tilespmem:s12], [sflag:$0x5], $0x200, $0x38;
	[tilespmem:$0x18168] =	vst v63  }
0x9e: {  	_ =	swait.ge [sflag:s13], $0x200  }
0x9f: {  	[sflag:s13] =	ssyncset.done $0x0  }
0xa0: {  	s24 =	simm.s32 @!p0 $0x0;
	[sflag:s13] =	ssyncadd.s32 $0xFFFFFE00  }
0xa1: {  	[spmem:s6] =	stream.linear.scatter @!p0 [tilespmem:s24], [sflag:$0x5], $0x800, $0x38;
	[tilespmem:$0x18168] =	vst v63  }
0xa2: {  	s24 =	simm.s32 @!p0 $0x5  }
0xa3: {  	_ =	swait.ge @!p0 [sflag:s24], $0x800  }
0xa4: {  	[sflag:s24] =	ssyncset.done @!p0 $0x0  }
0xa5: {  	s25 =	simm.s32 @!p0 $0x2800;
	[sflag:s24] =	ssyncadd.s32 @!p0 $0xFFFFF800  }
0xa6: {  	[spmem:s9] =	stream.linear.scatter @!p0 [tilespmem:s25], [sflag:$0x5], $0x80, $0x38;
	[tilespmem:$0x18168] =	vst v63  }
0xa7: {  	_ =	swait.ge @!p0 [sflag:s24], $0x80  }
0xa8: {  	s26 =	simm.s32 $0x3520;
	[sflag:s24] =	ssyncset.done @!p0 $0x0  }
0xa9: {  	s30 =	rddreg [dreg:$0x5];
	[sflag:s24] =	ssyncadd.s32 @!p0 $0xFFFFFF80;
	s24 =	simm.s32 $0x0  }
0xaa: {  	[tilespmem:s26], [sflag:$0x5] =	stream.linear.gather [hbm4b:s30+s24], $0x40, $0x38;
	[tilespmem:$0x18168] =	vst v63  }
0xab: {  	_ =	swait.ge [sflag:s13], $0x40  }
0xac: {  	[sflag:s13] =	ssyncset.done $0x0  }
0xad: {  	[sflag:s13] =	ssyncadd.s32 $0xFFFFFFC0  }
0xae: {  	v2 =	vld [tilespmem:$0x3520]  }
0xaf: {  	v3 =	vld [tilespmem:$0x3530]  }
0xb0: {  	v4 =	vld [tilespmem:$0x3540]  }
0xb1: {  	s25 =	simm.s32 $0x0;
	v5 =	vld [tilespmem:$0x3550];
	[bflag:$0x0] =	sbarrier.arrive $0xFFFF  }
.LBB2_4:
0xb2: {  	s26 =	smul.u32 $0x50, s25;
	_ =	sdelay $0x1  }
0xb3: {  	s26 =	sadd.s32 s29, s26  }
0xb4: {  	s26 =	sshrl.u32 s26, $0x3  }
0xb5: {  	s28 =	sadd.s32 s7, s26  }
0xb6: {  	[tilespmem:s14], [sflag:$0x5] =	stream.linear.gather [hbm4b:s28+s24], $0x50, $0x38;
	[tilespmem:$0x18168] =	vst v63  }
0xb7: {  	_ =	swait.ge [sflag:s13], $0x50  }
0xb8: {  	[sflag:s13] =	ssyncset.done $0x0  }
0xb9: {  	s26 =	sadd.s32 s8, s26;
	[sflag:s13] =	ssyncadd.s32 $0xFFFFFFB0  }
0xba: {  	[tilespmem:s15], [sflag:$0x5] =	stream.linear.gather [hbm4b:s26+s24], $0x50, $0x38;
	[tilespmem:$0x18168] =	vst v63  }
0xbb: {  	_ =	swait.ge [sflag:s13], $0x50  }
0xbc: {  	[sflag:s13] =	ssyncset.done $0x0  }
0xbd: {  	[sflag:s13] =	ssyncadd.s32 $0xFFFFFFB0  }
0xbe: {  	[tilespmem:s24], [sflag:$0x1] =	stream.indirect.gather [hbm4b:s1+s16], $0x80, s14, s16, $0xb8;
	[tilespmem:$0x18168] =	vst v63  }
0xbf: {  	_ = 	snop  }
0xc0: {  	[tilespmem:s17], [sflag:$0x2] =	stream.indirect.gather [hbm4b:s5+s16], $0x10, s15, s16, $0xb8;
	[tilespmem:$0x18168] =	vst v63  }
0xc1: {  	_ = 	snop  }
0xc2: {  	[tilespmem:s18], [sflag:$0x3] =	stream.indirect.gather [hbm4b:s5+s16], $0x10, s14, s16, $0xb8;
	[tilespmem:$0x18168] =	vst v63  }
0xc3: {  	_ =	swait.ge [sflag:s19], $0x500  }
0xc4: {  	[sflag:s19] =	ssyncset.done $0x0  }
0xc5: {  	[sflag:s19] =	ssyncadd.s32 $0xFFFFFB00  }
0xc6: {  	_ =	swait.ge [sflag:s20], $0x500  }
0xc7: {  	[sflag:s20] =	ssyncset.done $0x0  }
0xc8: {  	[sflag:s20] =	ssyncadd.s32 $0xFFFFFB00  }
0xc9: {  	v6 =	vld.idx.msk [tilespmem:v36+s17+$0x0], $0xffff  }
0xca: {  	v7 =	vld.idx.msk [tilespmem:v42+s18+$0x0], $0xffff;
	_ =	sdelay $0x4  }
0xcb: {  	v6 =	vadd.f32 v7, v6;
	_ =	sdelay $0x1  }
0xcc: {  	v7 =	vmul.f32 $2.000000030e-01, v6  }
0xcd: {  	vm0 =	vge.f32 v6, $0.0e+00  }
0xce: {  	v6 =	vsel vm0, v6, v7  }
0xcf: {  	v6 =	vsub.f32 v6, v2;
	_ =	sdelay $0x1  }
0xd0: {  	v6 =	vmul.f32 $1.442695020e+00, v6;
	_ =	sdelay $0x1  }
0xd1: {  	(erf) = vpow2.f32 v6;
	_ =	sdelay $0x8  }
0xd2: {  	v6 =	vpop (erf)  }
0xd3: {  	[tilespmem:v21+s12+$0x0] =	vst.idx.msk $0xffff, v6  }
0xd4: {  	v6 =	vld.idx.msk [tilespmem:v43+s17+$0x0], $0xffff  }
0xd5: {  	v7 =	vld.idx.msk [tilespmem:v44+s18+$0x0], $0xffff;
	_ =	sdelay $0x4  }
0xd6: {  	v6 =	vadd.f32 v7, v6;
	_ =	sdelay $0x1  }
0xd7: {  	v7 =	vmul.f32 $2.000000030e-01, v6  }
0xd8: {  	vm9 =	vge.f32 v6, $0.0e+00  }
0xd9: {  	v6 =	vsel vm9, v6, v7  }
0xda: {  	v6 =	vsub.f32 v6, v3;
	_ =	sdelay $0x1  }
0xdb: {  	v6 =	vmul.f32 $1.442695020e+00, v6;
	_ =	sdelay $0x1  }
0xdc: {  	(erf) = vpow2.f32 v6;
	_ =	sdelay $0x8  }
0xdd: {  	v6 =	vpop (erf)  }
0xde: {  	[tilespmem:v26+s12+$0x0] =	vst.idx.msk $0xffff, v6  }
0xdf: {  	v6 =	vld.idx.msk [tilespmem:v45+s17+$0x0], $0xffff  }
0xe0: {  	v7 =	vld.idx.msk [tilespmem:v46+s18+$0x0], $0xffff;
	_ =	sdelay $0x4  }
0xe1: {  	v6 =	vadd.f32 v7, v6;
	_ =	sdelay $0x1  }
0xe2: {  	v7 =	vmul.f32 $2.000000030e-01, v6  }
0xe3: {  	vm10 =	vge.f32 v6, $0.0e+00  }
0xe4: {  	v6 =	vsel vm10, v6, v7  }
0xe5: {  	v6 =	vsub.f32 v6, v4;
	_ =	sdelay $0x1  }
0xe6: {  	v6 =	vmul.f32 $1.442695020e+00, v6;
	_ =	sdelay $0x1  }
0xe7: {  	(erf) = vpow2.f32 v6;
	_ =	sdelay $0x8  }
0xe8: {  	v6 =	vpop (erf)  }
0xe9: {  	[tilespmem:v31+s12+$0x0] =	vst.idx.msk $0xffff, v6  }
0xea: {  	v6 =	vld.idx.msk [tilespmem:v47+s17+$0x0], $0xffff  }
0xeb: {  	v7 =	vld.idx.msk [tilespmem:v48+s18+$0x0], $0xffff;
	_ =	sdelay $0x4  }
0xec: {  	v6 =	vadd.f32 v7, v6;
	_ =	sdelay $0x1  }
0xed: {  	v7 =	vmul.f32 $2.000000030e-01, v6  }
0xee: {  	vm11 =	vge.f32 v6, $0.0e+00  }
0xef: {  	v6 =	vsel vm11, v6, v7  }
0xf0: {  	v6 =	vsub.f32 v6, v5;
	_ =	sdelay $0x1  }
0xf1: {  	v6 =	vmul.f32 $1.442695020e+00, v6;
	_ =	sdelay $0x1  }
0xf2: {  	(erf) = vpow2.f32 v6;
	_ =	sdelay $0x8  }
0xf3: {  	v6 =	vpop (erf)  }
0xf4: {  	[tilespmem:v37+s12+$0x0] =	vst.idx.msk $0xffff, v6  }
0xf5: {  	v6 =	vld.idx.msk [tilespmem:v49+s17+$0x0], $0xffff  }
0xf6: {  	v7 =	vld.idx.msk [tilespmem:v50+s18+$0x0], $0xffff;
	_ =	sdelay $0x4  }
0xf7: {  	v6 =	vadd.f32 v7, v6;
	_ =	sdelay $0x1  }
0xf8: {  	v7 =	vmul.f32 $2.000000030e-01, v6  }
0xf9: {  	vm12 =	vge.f32 v6, $0.0e+00  }
0xfa: {  	v6 =	vsel vm12, v6, v7  }
0xfb: {  	v6 =	vsub.f32 v6, v2;
	_ =	sdelay $0x1  }
0xfc: {  	v6 =	vmul.f32 $1.442695020e+00, v6;
	_ =	sdelay $0x1  }
0xfd: {  	(erf) = vpow2.f32 v6;
	_ =	sdelay $0x8  }
0xfe: {  	v6 =	vpop (erf)  }
0xff: {  	[tilespmem:v22+s12+$0x0] =	vst.idx.msk $0xffff, v6  }
0x100: {  	v6 =	vld.idx.msk [tilespmem:v51+s17+$0x0], $0xffff  }
0x101: {  	v7 =	vld.idx.msk [tilespmem:v52+s18+$0x0], $0xffff;
	_ =	sdelay $0x4  }
0x102: {  	v6 =	vadd.f32 v7, v6;
	_ =	sdelay $0x1  }
0x103: {  	v7 =	vmul.f32 $2.000000030e-01, v6  }
0x104: {  	vm13 =	vge.f32 v6, $0.0e+00  }
0x105: {  	v6 =	vsel vm13, v6, v7  }
0x106: {  	v6 =	vsub.f32 v6, v3;
	_ =	sdelay $0x1  }
0x107: {  	v6 =	vmul.f32 $1.442695020e+00, v6;
	_ =	sdelay $0x1  }
0x108: {  	(erf) = vpow2.f32 v6;
	_ =	sdelay $0x8  }
0x109: {  	v6 =	vpop (erf)  }
0x10a: {  	[tilespmem:v27+s12+$0x0] =	vst.idx.msk $0xffff, v6  }
0x10b: {  	v6 =	vld.idx.msk [tilespmem:v53+s17+$0x0], $0xffff  }
0x10c: {  	v7 =	vld.idx.msk [tilespmem:v54+s18+$0x0], $0xffff;
	_ =	sdelay $0x4  }
0x10d: {  	v6 =	vadd.f32 v7, v6;
	_ =	sdelay $0x1  }
0x10e: {  	v7 =	vmul.f32 $2.000000030e-01, v6  }
0x10f: {  	vm14 =	vge.f32 v6, $0.0e+00  }
0x110: {  	v6 =	vsel vm14, v6, v7  }
0x111: {  	v6 =	vsub.f32 v6, v4;
	_ =	sdelay $0x1  }
0x112: {  	v6 =	vmul.f32 $1.442695020e+00, v6;
	_ =	sdelay $0x1  }
0x113: {  	(erf) = vpow2.f32 v6;
	_ =	sdelay $0x8  }
0x114: {  	v6 =	vpop (erf)  }
0x115: {  	[tilespmem:v32+s12+$0x0] =	vst.idx.msk $0xffff, v6  }
0x116: {  	v6 =	vld.idx.msk [tilespmem:v55+s17+$0x0], $0xffff  }
0x117: {  	v7 =	vld.idx.msk [tilespmem:v56+s18+$0x0], $0xffff;
	_ =	sdelay $0x4  }
0x118: {  	v6 =	vadd.f32 v7, v6;
	_ =	sdelay $0x1  }
0x119: {  	v7 =	vmul.f32 $2.000000030e-01, v6  }
0x11a: {  	vm15 =	vge.f32 v6, $0.0e+00  }
0x11b: {  	v6 =	vsel vm15, v6, v7  }
0x11c: {  	v6 =	vsub.f32 v6, v5;
	_ =	sdelay $0x1  }
0x11d: {  	v6 =	vmul.f32 $1.442695020e+00, v6;
	_ =	sdelay $0x1  }
0x11e: {  	(erf) = vpow2.f32 v6;
	_ =	sdelay $0x8  }
0x11f: {  	v6 =	vpop (erf)  }
0x120: {  	[tilespmem:v38+s12+$0x0] =	vst.idx.msk $0xffff, v6  }
0x121: {  	v6 =	vld.idx.msk [tilespmem:v57+s17+$0x0], $0xffff  }
0x122: {  	v7 =	vld.idx.msk [tilespmem:v58+s18+$0x0], $0xffff;
	_ =	sdelay $0x4  }
0x123: {  	v6 =	vadd.f32 v7, v6;
	_ =	sdelay $0x1  }
0x124: {  	v7 =	vmul.f32 $2.000000030e-01, v6  }
0x125: {  	vm4 =	vge.f32 v6, $0.0e+00  }
0x126: {  	v6 =	vsel vm4, v6, v7  }
0x127: {  	v6 =	vsub.f32 v6, v2;
	_ =	sdelay $0x1  }
0x128: {  	v6 =	vmul.f32 $1.442695020e+00, v6;
	_ =	sdelay $0x1  }
0x129: {  	(erf) = vpow2.f32 v6;
	_ =	sdelay $0x8  }
0x12a: {  	v6 =	vpop (erf)  }
0x12b: {  	[tilespmem:v23+s12+$0x0] =	vst.idx.msk $0xffff, v6  }
0x12c: {  	v6 =	vld.idx.msk [tilespmem:v59+s17+$0x0], $0xffff  }
0x12d: {  	v7 =	vld.idx.msk [tilespmem:v60+s18+$0x0], $0xffff;
	_ =	sdelay $0x4  }
0x12e: {  	v6 =	vadd.f32 v7, v6;
	_ =	sdelay $0x1  }
0x12f: {  	v7 =	vmul.f32 $2.000000030e-01, v6  }
0x130: {  	vm5 =	vge.f32 v6, $0.0e+00  }
0x131: {  	v6 =	vsel vm5, v6, v7  }
0x132: {  	v6 =	vsub.f32 v6, v3;
	_ =	sdelay $0x1  }
0x133: {  	v6 =	vmul.f32 $1.442695020e+00, v6;
	_ =	sdelay $0x1  }
0x134: {  	(erf) = vpow2.f32 v6;
	_ =	sdelay $0x8  }
0x135: {  	v6 =	vpop (erf)  }
0x136: {  	[tilespmem:v28+s12+$0x0] =	vst.idx.msk $0xffff, v6  }
0x137: {  	v6 =	vld.idx.msk [tilespmem:v61+s17+$0x0], $0xffff  }
0x138: {  	v7 =	vld.idx.msk [tilespmem:v62+s18+$0x0], $0xffff;
	_ =	sdelay $0x4  }
0x139: {  	v6 =	vadd.f32 v7, v6;
	_ =	sdelay $0x1  }
0x13a: {  	v7 =	vmul.f32 $2.000000030e-01, v6  }
0x13b: {  	vm6 =	vge.f32 v6, $0.0e+00  }
0x13c: {  	v6 =	vsel vm6, v6, v7  }
0x13d: {  	v6 =	vsub.f32 v6, v4;
	_ =	sdelay $0x1  }
0x13e: {  	v6 =	vmul.f32 $1.442695020e+00, v6;
	_ =	sdelay $0x1  }
0x13f: {  	(erf) = vpow2.f32 v6;
	_ =	sdelay $0x6  }
0x140: {  	v6 =	vor.u32 $0x207, v36;
	_ =	sdelay $0x1  }
0x141: {  	v7 =	vpop (erf)  }
0x142: {  	[tilespmem:v33+s12+$0x0] =	vst.idx.msk $0xffff, v7  }
0x143: {  	v7 =	vld.idx.msk [tilespmem:v63+s17+$0x0], $0xffff  }
0x144: {  	v6 =	vld.idx.msk [tilespmem:v6+s18+$0x0], $0xffff;
	_ =	sdelay $0x4  }
0x145: {  	v6 =	vadd.f32 v6, v7;
	_ =	sdelay $0x1  }
0x146: {  	v7 =	vmul.f32 $2.000000030e-01, v6  }
0x147: {  	vm7 =	vge.f32 v6, $0.0e+00  }
0x148: {  	v6 =	vsel vm7, v6, v7  }
0x149: {  	v6 =	vsub.f32 v6, v5;
	_ =	sdelay $0x1  }
0x14a: {  	v6 =	vmul.f32 $1.442695020e+00, v6;
	_ =	sdelay $0x1  }
0x14b: {  	(erf) = vpow2.f32 v6;
	_ =	sdelay $0x5  }
0x14c: {  	v6 =	vor.u32 $0x300, v36  }
0x14d: {  	v7 =	vor.u32 $0x304, v36;
	_ =	sdelay $0x1  }
0x14e: {  	v8 =	vpop (erf)  }
0x14f: {  	[tilespmem:v39+s12+$0x0] =	vst.idx.msk $0xffff, v8  }
0x150: {  	v6 =	vld.idx.msk [tilespmem:v6+s17+$0x0], $0xffff  }
0x151: {  	v7 =	vld.idx.msk [tilespmem:v7+s18+$0x0], $0xffff;
	_ =	sdelay $0x4  }
0x152: {  	v6 =	vadd.f32 v7, v6;
	_ =	sdelay $0x1  }
0x153: {  	v7 =	vmul.f32 $2.000000030e-01, v6  }
0x154: {  	vm8 =	vge.f32 v6, $0.0e+00  }
0x155: {  	v6 =	vsel vm8, v6, v7  }
0x156: {  	v6 =	vsub.f32 v6, v2;
	_ =	sdelay $0x1  }
0x157: {  	v6 =	vmul.f32 $1.442695020e+00, v6;
	_ =	sdelay $0x1  }
0x158: {  	(erf) = vpow2.f32 v6;
	_ =	sdelay $0x5  }
0x159: {  	v6 =	vor.u32 $0x301, v36  }
0x15a: {  	v7 =	vor.u32 $0x305, v36;
	_ =	sdelay $0x1  }
0x15b: {  	v8 =	vpop (erf)  }
0x15c: {  	[tilespmem:v24+s12+$0x0] =	vst.idx.msk $0xffff, v8  }
0x15d: {  	v6 =	vld.idx.msk [tilespmem:v6+s17+$0x0], $0xffff  }
0x15e: {  	v7 =	vld.idx.msk [tilespmem:v7+s18+$0x0], $0xffff;
	_ =	sdelay $0x4  }
0x15f: {  	v6 =	vadd.f32 v7, v6;
	_ =	sdelay $0x1  }
0x160: {  	v7 =	vmul.f32 $2.000000030e-01, v6  }
0x161: {  	vm9 =	vge.f32 v6, $0.0e+00  }
0x162: {  	v6 =	vsel vm9, v6, v7  }
0x163: {  	v6 =	vsub.f32 v6, v3;
	_ =	sdelay $0x1  }
0x164: {  	v6 =	vmul.f32 $1.442695020e+00, v6;
	_ =	sdelay $0x1  }
0x165: {  	(erf) = vpow2.f32 v6;
	_ =	sdelay $0x5  }
0x166: {  	v6 =	vor.u32 $0x302, v36  }
0x167: {  	v7 =	vor.u32 $0x306, v36;
	_ =	sdelay $0x1  }
0x168: {  	v8 =	vpop (erf)  }
0x169: {  	[tilespmem:v29+s12+$0x0] =	vst.idx.msk $0xffff, v8  }
0x16a: {  	v6 =	vld.idx.msk [tilespmem:v6+s17+$0x0], $0xffff  }
0x16b: {  	v7 =	vld.idx.msk [tilespmem:v7+s18+$0x0], $0xffff;
	_ =	sdelay $0x4  }
0x16c: {  	v6 =	vadd.f32 v7, v6;
	_ =	sdelay $0x1  }
0x16d: {  	v7 =	vmul.f32 $2.000000030e-01, v6  }
0x16e: {  	vm10 =	vge.f32 v6, $0.0e+00  }
0x16f: {  	v6 =	vsel vm10, v6, v7  }
0x170: {  	v6 =	vsub.f32 v6, v4;
	_ =	sdelay $0x1  }
0x171: {  	v6 =	vmul.f32 $1.442695020e+00, v6;
	_ =	sdelay $0x1  }
0x172: {  	(erf) = vpow2.f32 v6;
	_ =	sdelay $0x5  }
0x173: {  	v6 =	vor.u32 $0x303, v36  }
0x174: {  	v7 =	vor.u32 $0x307, v36;
	_ =	sdelay $0x1  }
0x175: {  	v8 =	vpop (erf)  }
0x176: {  	[tilespmem:v34+s12+$0x0] =	vst.idx.msk $0xffff, v8  }
0x177: {  	v6 =	vld.idx.msk [tilespmem:v6+s17+$0x0], $0xffff  }
0x178: {  	v7 =	vld.idx.msk [tilespmem:v7+s18+$0x0], $0xffff;
	_ =	sdelay $0x4  }
0x179: {  	v6 =	vadd.f32 v7, v6;
	_ =	sdelay $0x1  }
0x17a: {  	v7 =	vmul.f32 $2.000000030e-01, v6  }
0x17b: {  	vm11 =	vge.f32 v6, $0.0e+00  }
0x17c: {  	v6 =	vsel vm11, v6, v7  }
0x17d: {  	v6 =	vsub.f32 v6, v5;
	_ =	sdelay $0x1  }
0x17e: {  	v6 =	vmul.f32 $1.442695020e+00, v6;
	_ =	sdelay $0x1  }
0x17f: {  	(erf) = vpow2.f32 v6;
	_ =	sdelay $0x5  }
0x180: {  	v6 =	vor.u32 $0x400, v36  }
0x181: {  	v7 =	vor.u32 $0x404, v36;
	_ =	sdelay $0x1  }
0x182: {  	v8 =	vpop (erf)  }
0x183: {  	[tilespmem:v40+s12+$0x0] =	vst.idx.msk $0xffff, v8  }
0x184: {  	v6 =	vld.idx.msk [tilespmem:v6+s17+$0x0], $0xffff  }
0x185: {  	v7 =	vld.idx.msk [tilespmem:v7+s18+$0x0], $0xffff;
	_ =	sdelay $0x4  }
0x186: {  	v6 =	vadd.f32 v7, v6;
	_ =	sdelay $0x1  }
0x187: {  	v7 =	vmul.f32 $2.000000030e-01, v6  }
0x188: {  	vm12 =	vge.f32 v6, $0.0e+00  }
0x189: {  	v6 =	vsel vm12, v6, v7  }
0x18a: {  	v6 =	vsub.f32 v6, v2;
	_ =	sdelay $0x1  }
0x18b: {  	v6 =	vmul.f32 $1.442695020e+00, v6;
	_ =	sdelay $0x1  }
0x18c: {  	(erf) = vpow2.f32 v6;
	_ =	sdelay $0x5  }
0x18d: {  	v6 =	vor.u32 $0x401, v36  }
0x18e: {  	v7 =	vor.u32 $0x405, v36;
	_ =	sdelay $0x1  }
0x18f: {  	v8 =	vpop (erf)  }
0x190: {  	[tilespmem:v25+s12+$0x0] =	vst.idx.msk $0xffff, v8  }
0x191: {  	v6 =	vld.idx.msk [tilespmem:v6+s17+$0x0], $0xffff  }
0x192: {  	v7 =	vld.idx.msk [tilespmem:v7+s18+$0x0], $0xffff;
	_ =	sdelay $0x4  }
0x193: {  	v6 =	vadd.f32 v7, v6;
	_ =	sdelay $0x1  }
0x194: {  	v7 =	vmul.f32 $2.000000030e-01, v6  }
0x195: {  	vm13 =	vge.f32 v6, $0.0e+00  }
0x196: {  	v6 =	vsel vm13, v6, v7  }
0x197: {  	v6 =	vsub.f32 v6, v3;
	_ =	sdelay $0x1  }
0x198: {  	v6 =	vmul.f32 $1.442695020e+00, v6;
	_ =	sdelay $0x1  }
0x199: {  	(erf) = vpow2.f32 v6;
	_ =	sdelay $0x5  }
0x19a: {  	v6 =	vor.u32 $0x402, v36  }
0x19b: {  	v7 =	vor.u32 $0x406, v36;
	_ =	sdelay $0x1  }
0x19c: {  	v8 =	vpop (erf)  }
0x19d: {  	[tilespmem:v30+s12+$0x0] =	vst.idx.msk $0xffff, v8  }
0x19e: {  	v6 =	vld.idx.msk [tilespmem:v6+s17+$0x0], $0xffff  }
0x19f: {  	v7 =	vld.idx.msk [tilespmem:v7+s18+$0x0], $0xffff;
	_ =	sdelay $0x4  }
0x1a0: {  	v6 =	vadd.f32 v7, v6;
	_ =	sdelay $0x1  }
0x1a1: {  	v7 =	vmul.f32 $2.000000030e-01, v6  }
0x1a2: {  	vm14 =	vge.f32 v6, $0.0e+00  }
0x1a3: {  	v6 =	vsel vm14, v6, v7  }
0x1a4: {  	v6 =	vsub.f32 v6, v4;
	_ =	sdelay $0x1  }
0x1a5: {  	v6 =	vmul.f32 $1.442695020e+00, v6;
	_ =	sdelay $0x1  }
0x1a6: {  	(erf) = vpow2.f32 v6;
	_ =	sdelay $0x5  }
0x1a7: {  	v6 =	vor.u32 $0x403, v36  }
0x1a8: {  	v7 =	vor.u32 $0x407, v36;
	_ =	sdelay $0x1  }
0x1a9: {  	v8 =	vpop (erf)  }
0x1aa: {  	[tilespmem:v35+s12+$0x0] =	vst.idx.msk $0xffff, v8  }
0x1ab: {  	v6 =	vld.idx.msk [tilespmem:v6+s17+$0x0], $0xffff  }
0x1ac: {  	v7 =	vld.idx.msk [tilespmem:v7+s18+$0x0], $0xffff;
	_ =	sdelay $0x4  }
0x1ad: {  	v6 =	vadd.f32 v7, v6;
	_ =	sdelay $0x1  }
0x1ae: {  	v7 =	vmul.f32 $2.000000030e-01, v6  }
0x1af: {  	vm15 =	vge.f32 v6, $0.0e+00  }
0x1b0: {  	v6 =	vsel vm15, v6, v7  }
0x1b1: {  	v6 =	vsub.f32 v6, v5;
	_ =	sdelay $0x1  }
0x1b2: {  	v6 =	vmul.f32 $1.442695020e+00, v6;
	_ =	sdelay $0x1  }
0x1b3: {  	(erf) = vpow2.f32 v6;
	_ =	sdelay $0x7  }
0x1b4: {  	s30 =	simm.s32 $0x0  }
0x1b5: {  	v7 =	vmov s30;
	v6 =	vpop (erf)  }
0x1b6: {  	[tilespmem:v41+s12+$0x0] =	vst.idx.msk $0xffff, v6;
	v6 =	vor.u32 $0x4, v7  }
0x1b7: {  	[spmem:s3] =	stream.indirect.scatter.add.f32 [tilespmem:s12], [sflag:$0x4], $0x8, s15, s16, $0xb8;
	[tilespmem:$0x18168] =	vst v63  }
0x1b8: {  	_ =	swait.ge [sflag:s21], $0x2800  }
0x1b9: {  	[sflag:s21] =	ssyncset.done $0x0  }
0x1ba: {  	[sflag:s21] =	ssyncadd.s32 $0xFFFFD800  }
0x1bb: {  	s26 =	simm.s32 $0x40;
	v6 =	vld.idx.msk [tilespmem:v6+s12+$0x0], $0xffff  }
0x1bc: {  	v8 =	vld [tilespmem:s26+$0xFFFFFFC0]  }
0x1bd: {  	v9 =	vld [tilespmem:s26+$0xFFFFFFD0];
	_ =	sdelay $0x2  }
0x1be: {  	v10 =	vor.u32 $0x5, v7  }
0x1bf: {  	v8 =	vmul.f32 v8, v6  }
0x1c0: {  	v6 =	vmul.f32 v9, v6  }
0x1c1: {  	[tilespmem:s26+$0xFFFFFFC0] =	vst v8  }
0x1c2: {  	[tilespmem:s26+$0xFFFFFFD0] =	vst v6;
	v8 =	vld [tilespmem:s26+$0xFFFFFFE0]  }
0x1c3: {  	v6 =	vld.idx.msk [tilespmem:v10+s12+$0x0], $0xffff  }
0x1c4: {  	v9 =	vld [tilespmem:s26+$0xFFFFFFF0];
	_ =	sdelay $0x2  }
0x1c5: {  	v10 =	vor.u32 $0x6, v7  }
0x1c6: {  	v8 =	vmul.f32 v8, v6  }
0x1c7: {  	v6 =	vmul.f32 v9, v6  }
0x1c8: {  	[tilespmem:s26+$0xFFFFFFE0] =	vst v8  }
0x1c9: {  	[tilespmem:s26+$0xFFFFFFF0] =	vst v6;
	v6 =	vld [tilespmem:s26+$0x10]  }
0x1ca: {  	v8 =	vld.idx.msk [tilespmem:v10+s12+$0x0], $0xffff  }
0x1cb: {  	v9 =	vld [tilespmem:s26+$0x0];
	_ =	sdelay $0x2  }
0x1cc: {  	v10 =	vor.u32 $0x7, v7  }
0x1cd: {  	v6 =	vmul.f32 v6, v8  }
0x1ce: {  	v7 =	vmul.f32 v9, v8  }
0x1cf: {  	[tilespmem:s26+$0x10] =	vst v6  }
0x1d0: {  	[tilespmem:s26+$0x0] =	vst v7;
	v7 =	vld [tilespmem:s26+$0x30]  }
0x1d1: {  	v8 =	vld.idx.msk [tilespmem:v10+s12+$0x0], $0xffff  }
0x1d2: {  	v10 =	vld [tilespmem:s26+$0x20];
	_ =	sdelay $0x1  }
0x1d3: {  	s28 =	simm.s32 $0x8  }
0x1d4: {  	v6 =	vmov s28  }
0x1d5: {  	s28 =	simm.s32 $0x2;
	v9 =	vor.u32 $0x4, v6  }
.LBB2_5:
0x1d6: {  	p1 =	sne.s32 s28, $0x4F;
	v10 =	vmul.f32 v10, v8;
	v7 =	vmul.f32 v7, v8;
	_ =	sdelay $0x1  }
0x1d7: {  	[tilespmem:s26+$0x20] =	vst v10  }
0x1d8: {  	[tilespmem:s26+$0x30] =	vst v7  }
0x1d9: {  	s26 =	sadd.s32 $0x80, s26;
	v7 =	vld.idx.msk [tilespmem:v9+s12+$0x0], $0xffff  }
0x1da: {  	v8 =	vld [tilespmem:s26+$0xFFFFFFC0]  }
0x1db: {  	v9 =	vld [tilespmem:s26+$0xFFFFFFD0];
	_ =	sdelay $0x2  }
0x1dc: {  	v10 =	vor.u32 $0x5, v6  }
0x1dd: {  	v8 =	vmul.f32 v8, v7  }
0x1de: {  	v7 =	vmul.f32 v9, v7  }
0x1df: {  	[tilespmem:s26+$0xFFFFFFC0] =	vst v8  }
0x1e0: {  	[tilespmem:s26+$0xFFFFFFD0] =	vst v7  }
0x1e1: {  	v7 =	vld.idx.msk [tilespmem:v10+s12+$0x0], $0xffff  }
0x1e2: {  	v8 =	vld [tilespmem:s26+$0xFFFFFFE0]  }
0x1e3: {  	v9 =	vld [tilespmem:s26+$0xFFFFFFF0];
	_ =	sdelay $0x2  }
0x1e4: {  	v10 =	vor.u32 $0x6, v6  }
0x1e5: {  	v8 =	vmul.f32 v8, v7  }
0x1e6: {  	v7 =	vmul.f32 v9, v7  }
0x1e7: {  	[tilespmem:s26+$0xFFFFFFE0] =	vst v8  }
0x1e8: {  	[tilespmem:s26+$0xFFFFFFF0] =	vst v7;
	v7 =	vld [tilespmem:s26+$0x10]  }
0x1e9: {  	v8 =	vld.idx.msk [tilespmem:v10+s12+$0x0], $0xffff  }
0x1ea: {  	v9 =	vld [tilespmem:s26+$0x0];
	_ =	sdelay $0x3  }
0x1eb: {  	v6 =	vor.u32 $0x7, v6  }
0x1ec: {  	v7 =	vmul.f32 v7, v8;
	v9 =	vmul.f32 v9, v8;
	_ =	sdelay $0x1  }
0x1ed: {  	[tilespmem:s26+$0x10] =	vst v7  }
0x1ee: {  	[tilespmem:s26+$0x0] =	vst v9;
	v7 =	vld [tilespmem:s26+$0x30]  }
0x1ef: {  	v8 =	vld.idx.msk [tilespmem:v6+s12+$0x0], $0xffff  }
.Ltmp1:
0x1f0: {  	v10 =	vld [tilespmem:s26+$0x20];
	(pc) =	sbr.rel @p1 .LBB2_5-.Ltmp1, $4  }
0x1f1: {  	_ = 	snop  }
0x1f2: {  	s30 =	sshll.u32 s28, $0x3  }
0x1f3: {  	v6 =	vmov s30  }
0x1f4: {  	s28 =	sadd.s32 $0x1, s28;
	v9 =	vor.u32 $0x4, v6  }
0x1f5: {  	v10 =	vmul.f32 v10, v8  }
0x1f6: {  	v7 =	vmul.f32 v7, v8  }
0x1f7: {  	s30 =	sadd.s32 $0x80, s26;
	[tilespmem:s26+$0x20] =	vst v10  }
0x1f8: {  	v8 =	vld [tilespmem:s30+$0xFFFFFFC0];
	[tilespmem:s26+$0x30] =	vst v7  }
0x1f9: {  	v7 =	vld.idx.msk [tilespmem:v9+s12+$0x0], $0xffff  }
0x1fa: {  	v9 =	vld [tilespmem:s30+$0xFFFFFFD0];
	_ =	sdelay $0x2  }
0x1fb: {  	v10 =	vor.u32 $0x5, v6  }
0x1fc: {  	v8 =	vmul.f32 v8, v7  }
0x1fd: {  	v7 =	vmul.f32 v9, v7  }
0x1fe: {  	[tilespmem:s30+$0xFFFFFFC0] =	vst v8  }
0x1ff: {  	[tilespmem:s30+$0xFFFFFFD0] =	vst v7;
	v8 =	vld [tilespmem:s30+$0xFFFFFFE0]  }
0x200: {  	v7 =	vld.idx.msk [tilespmem:v10+s12+$0x0], $0xffff  }
0x201: {  	v9 =	vld [tilespmem:s30+$0xFFFFFFF0];
	_ =	sdelay $0x2  }
0x202: {  	v10 =	vor.u32 $0x6, v6  }
0x203: {  	v8 =	vmul.f32 v8, v7  }
0x204: {  	v7 =	vmul.f32 v9, v7  }
0x205: {  	[tilespmem:s30+$0xFFFFFFE0] =	vst v8  }
0x206: {  	[tilespmem:s30+$0xFFFFFFF0] =	vst v7;
	v7 =	vld [tilespmem:s30+$0x10]  }
0x207: {  	v8 =	vld.idx.msk [tilespmem:v10+s12+$0x0], $0xffff  }
0x208: {  	v9 =	vld [tilespmem:s30+$0x0];
	_ =	sdelay $0x2  }
0x209: {  	v6 =	vor.u32 $0x7, v6  }
0x20a: {  	v7 =	vmul.f32 v7, v8  }
0x20b: {  	v8 =	vmul.f32 v9, v8  }
0x20c: {  	[tilespmem:s30+$0x10] =	vst v7  }
0x20d: {  	[tilespmem:s30+$0x0] =	vst v8;
	v7 =	vld [tilespmem:s30+$0x20]  }
0x20e: {  	v6 =	vld.idx.msk [tilespmem:v6+s12+$0x0], $0xffff  }
0x20f: {  	v8 =	vld [tilespmem:s30+$0x30];
	_ =	sdelay $0x3  }
0x210: {  	v7 =	vmul.f32 v7, v6  }
0x211: {  	v6 =	vmul.f32 v8, v6  }
0x212: {  	[tilespmem:s30+$0x20] =	vst v7  }
0x213: {  	[tilespmem:s30+$0x30] =	vst v6  }
0x214: {  	s25 =	sadd.s32 $0x1, s25;
	_ =	swait.ge [sflag:s22], $0x280  }
0x215: {  	p1 =	sne.s32 s25, $0x7D;
	[sflag:s22] =	ssyncset.done $0x0  }
.Ltmp2:
0x216: {  	[sflag:s22] =	ssyncadd.s32 $0xFFFFFD80;
	(pc) =	sbr.rel @p1 .LBB2_4-.Ltmp2, $4  }
0x217: {  	[spmem:s2] =	stream.indirect.scatter.add.f32 [tilespmem:s4], [sflag:$0x5], $0x80, s15, s16, $0xb8;
	[tilespmem:$0x18168] =	vst v63  }
0x218: {  	_ =	swait.ge [sflag:s13], $0x2800  }
0x219: {  	[sflag:s13] =	ssyncset.done $0x0  }
0x21a: {  	[sflag:s13] =	ssyncadd.s32 $0xFFFFD800  }
0x21b: {  	s24 =	stileid.u32  }
0x21c: {  	[bflag:$0x0] =	sbarrier.arrive $0xFFFF;
	s24 =	sshll.u32 s24, $0x6  }
0x21d: {  	s25 =	sshrl.u32 s10, $0x3;
	s26 =	rddreg [dreg:$0xa];
	s24 =	sor.u32 $0x1C05, s24  }
0x21e: {  	[hbm:s26], [sflag:s24] =	dma.local [spmem:s25], $0x2700  }
0x21f: {  	_ =	swait.ge [sflag:s13], $0x2700  }
0x220: {  	[sflag:s13] =	ssyncset.done $0x0  }
0x221: {  	s28 =	sshrl.u32 s11, $0x3;
	s30 =	rddreg [dreg:$0xd];
	[sflag:s13] =	ssyncadd.s32 $0xFFFFD900  }
0x222: {  	[hbm:s30], [sflag:s24] =	dma.local [spmem:s28], $0x270  }
0x223: {  	_ =	swait.ge [sflag:s13], $0x270  }
0x224: {  	[sflag:s13] =	ssyncset.done $0x0  }
0x225: {  	s25 =	sshrl.u32 @!p0 s6, $0x3;
	s26 =	rddreg [dreg:$0x16];
	[sflag:s13] =	ssyncadd.s32 $0xFFFFFD90  }
0x226: {  	[hbm:s26], [sflag:s24] =	dma.local @!p0 [spmem:s25], $0x100  }
0x227: {  	s25 =	simm.s32 @!p0 $0x5  }
0x228: {  	s23 =	sadd.s32 $0x1, s23;
	_ =	swait.ge @!p0 [sflag:s25], $0x100  }
0x229: {  	p1 =	sne.s32 s23, s0;
	[sflag:s25] =	ssyncset.done @!p0 $0x0  }
.Ltmp3:
0x22a: {  	s26 =	sshrl.u32 @!p0 s9, $0x3;
	[sflag:s25] =	ssyncadd.s32 @!p0 $0xFFFFFF00;
	(pc) =	sbr.rel @p1 .LBB2_1-.Ltmp3, $4  }
0x22b: {  	[hbm:s31], [sflag:s24] =	dma.local @!p0 [spmem:s26], $0x10  }
0x22c: {  	_ =	swait.ge @!p0 [sflag:s25], $0x10  }
0x22d: {  	[sflag:s25] =	ssyncset.done @!p0 $0x0  }
0x22e: {  	[sflag:s25] =	ssyncadd.s32 @!p0 $0xFFFFFFF0  }
0x22f: {  	_ =	sfence.sel $0x180000  }
0x230: {  	[bflag:$0x0] =	sbarrier.arrive $0xFFFF  }
0x231: {  	_ =	strace $0x90000047  }
0x232: {  	s0 =	stileid.u32;
	[bflag:$0x2] =	sbarrier.arrive $0xFFFF  }
0x233: {  	p0 =	sne.s32 s0, $0x0;
	s0 =	rddreg [dreg:$0x4]  }
0x234: {  	s0 =	sadd.s32 @!p0 $0x100000, s0  }
0x235: {  	[sflag:s0] =	ssyncadd.tile.s32 @!p0 $0x1;
	_ =	shalt  }
.Lfunc_end2:
_tile_overlayer_lowered:
.L_overlay_start_2:
0x236: {  	(tag) =	ssettag $0x2  }
0x237: {  	s0 =	rddreg [dreg:$0x0];
	s2 =	stileid.u32  }
0x238: {  	s1 =	rddreg [dreg:$0x1];
	p0 =	sne.s32 s2, $0x0  }
0x239: {  	s3 =	rddreg [dreg:$0x2];
	[bflag:$0x3] =	sbarrier.arrive $0xFFFF;
	s2 =	simm.s32 @!p0 $0x1C05  }
0x23a: {  	[timem:s3], [sflag:s2] =	dma.local @!p0 [hbm:s0], s1  }
0x23b: {  	s0 =	simm.s32 @!p0 $0x5  }
0x23c: {  	_ =	swait.ge @!p0 [sflag:s0], s1  }
0x23d: {  	s1 =	ssub.s32 @!p0 $0x0, s1;
	[sflag:s0] =	ssyncset.done @!p0 $0x0  }
0x23e: {  	[sflag:s0] =	ssyncadd.s32 @!p0 s1  }
0x23f: {  	[bflag:$0x3] =	sbarrier.arrive $0xFFFF  }
0x240: {  	_ =	shalt  }

</sc_bundles>
